<compile_context>
chip_gen: v7x
topology: tpu7x:2x2x1
jax: 0.10.2.dev20260603
libtpu: 0.0.44.dev20260713+nightly
codegen_flags: <defaults>
</compile_context>

<pallas_src>
import jax
import jax.numpy as jnp
import numpy as np
from jax import lax
from jax.experimental import pallas as pl
from jax.experimental.pallas import tpu as pltpu
from jax.experimental.pallas import tpu_sc as plsc

N = 10000
E = 320000
D = 128
NPAD = 10240
NC, NS, L = 2, 16, 16
NW = NC * NS

SCK = 128
SNCH = 80
EWP = SCK * SNCH
DCK = 128
DNCH = 160
DEGPAD = 10496

_HIGH = jax.lax.Precision.DEFAULT


def _mesh():
    return plsc.VectorSubcoreMesh(
        core_axis_name="c", subcore_axis_name="s", num_cores=NC, num_subcores=NS
    )


def _fast_rsqrt16(v):
    i = lax.bitcast_convert_type(v, jnp.int32)
    i = jnp.int32(0x5F3759DF) - (i >> 1)
    y = lax.bitcast_convert_type(i, jnp.float32)
    for _ in range(3):
        y = y * (1.5 - 0.5 * v * y * y)
    return y


def _degree_body(ei_hbm, norms_hbm, idx_v, ones_v, init_v, buf_v,
                 sem, deg_sh):
    c = lax.axis_index("c")
    s = lax.axis_index("s")

    pltpu.sync_copy(ei_hbm.at[c, s], idx_v)

    def fill_ones(i, _):
        ones_v[pl.ds(i * L, L)] = jnp.full((L,), 1.0, jnp.float32)
        return _

    lax.fori_loop(0, DCK // L, fill_ones, None)

    def fill_init(i, _):
        init_v[pl.ds(i * L, L)] = jnp.full((L,), 1.0, jnp.float32)
        return _

    lax.fori_loop(0, (DEGPAD // NS) // L, fill_init, None)
    pltpu.sync_copy(init_v, deg_sh.at[pl.ds(s * (DEGPAD // NS), DEGPAD // NS)])
    plsc.subcore_barrier()

    def chunk(j, _):
        for k in range(16):
            pltpu.async_copy(ones_v, deg_sh.at[idx_v.at[j * 16 + k]], sem,
                             add=True)
        for k in range(16):
            pltpu.make_async_copy(
                ones_v, deg_sh.at[idx_v.at[j * 16 + k]], sem).wait()
        return _

    lax.fori_loop(0, DNCH // 16, chunk, None)
    plsc.subcore_barrier()

    nper = NPAD // NS
    pltpu.sync_copy(deg_sh.at[pl.ds(s * nper, nper)], buf_v)

    def rsq(i, _):
        buf_v[pl.ds(i * L, L)] = _fast_rsqrt16(buf_v[pl.ds(i * L, L)])
        return _

    lax.fori_loop(0, nper // L, rsq, None)
    pltpu.sync_copy(buf_v, norms_hbm.at[c, pl.ds(s * nper, nper)])


def _degrees(ei_dg):
    kern = pl.kernel(
        _degree_body,
        out_type=jax.ShapeDtypeStruct((NC, NPAD), jnp.float32),
        mesh=_mesh(),
        scratch_types=[
            pltpu.VMEM((DNCH, DCK), jnp.int32),
            pltpu.VMEM((DCK,), jnp.float32),
            pltpu.VMEM((DEGPAD // NS,), jnp.float32),
            pltpu.VMEM((NPAD // NS,), jnp.float32),
            pltpu.SemaphoreType.DMA,
            pltpu.VMEM_SHARED((DEGPAD,), jnp.float32),
        ],
    )
    return kern(ei_dg)


def _scatter_body(h_hbm, ei_hbm, out_hbm,
                  sidx_v, didx_v, rows_v, sem_a, sem_b, agg_sh):
    c = lax.axis_index("c")
    s = lax.axis_index("s")
    wid = c * NS + s
    nper = NPAD // NS

    def zrow(i, _):
        for k in range(D // L):
            rows_v[0, i, pl.ds(k * L, L)] = jnp.zeros((L,), jnp.float32)
        return _

    lax.fori_loop(0, SCK, zrow, None)
    for k in range(nper // SCK):
        pltpu.sync_copy(rows_v.at[0], agg_sh.at[pl.ds(s * nper + k * SCK, SCK)])

    plsc.subcore_barrier()

    rows0, rows1 = rows_v.at[0], rows_v.at[1]
    half = SNCH // 2
    for p in range(2):
        pltpu.sync_copy(ei_hbm.at[0, wid, pl.ds(p * half, half)], sidx_v)
        pltpu.sync_copy(ei_hbm.at[1, wid, pl.ds(p * half, half)], didx_v)
        pltpu.async_copy(h_hbm.at[sidx_v.at[0]], rows0, sem_a)

        def body(i, _):
            g = 2 * i
            pltpu.async_copy(h_hbm.at[sidx_v.at[g + 1]], rows1, sem_b)
            pltpu.make_async_copy(h_hbm.at[sidx_v.at[g]], rows0, sem_a).wait()
            pltpu.sync_copy(rows0, agg_sh.at[didx_v.at[g]], add=True)

            @pl.when(i < half // 2 - 1)
            def _start_next():
                pltpu.async_copy(h_hbm.at[sidx_v.at[g + 2]], rows0, sem_a)

            pltpu.make_async_copy(h_hbm.at[sidx_v.at[g + 1]], rows1, sem_b).wait()
            pltpu.sync_copy(rows1, agg_sh.at[didx_v.at[g + 1]], add=True)
            return _

        lax.fori_loop(0, half // 2, body, None)
    plsc.subcore_barrier()

    pltpu.sync_copy(agg_sh.at[pl.ds(s * nper, nper)],
                    out_hbm.at[c, pl.ds(s * nper, nper)])


def _edge_scatter(h, ei_sc):
    kern = pl.kernel(
        _scatter_body,
        out_type=jax.ShapeDtypeStruct((NC, NPAD, D), jnp.float32),
        mesh=_mesh(),
        scratch_types=[
            pltpu.VMEM((SNCH // 2, SCK), jnp.int32),
            pltpu.VMEM((SNCH // 2, SCK), jnp.int32),
            pltpu.VMEM((2, SCK, D), jnp.float32),
            pltpu.SemaphoreType.DMA,
            pltpu.SemaphoreType.DMA,
            pltpu.VMEM_SHARED((NPAD, D), jnp.float32),
        ],
    )
    return kern(h, ei_sc)


BR = 2048


def _mm1_body(x_ref, ns_ref, w_ref, o_ref):
    o_ref[...] = jnp.dot(x_ref[...] * ns_ref[...], w_ref[...],
                         preferred_element_type=jnp.float32, precision=_HIGH)


def _mm1(xp, nsrc, W1):
    return pl.pallas_call(
        _mm1_body,
        grid=(NPAD // BR,),
        in_specs=[
            pl.BlockSpec((BR, D), lambda j: (j, 0)),
            pl.BlockSpec((BR, 1), lambda j: (j, 0)),
            pl.BlockSpec((D, D), lambda j: (0, 0)),
        ],
        out_specs=pl.BlockSpec((BR, D), lambda j: (j, 0)),
        out_shape=jax.ShapeDtypeStruct((NPAD, D), jnp.float32),
    )(xp, nsrc, W1)


def _combine_body(agg_ref, hin_ref, ns_ref, nd_ref, b_ref, w_ref, o_ref):
    a = agg_ref[0] + agg_ref[1] + hin_ref[...]
    h = jax.nn.relu(a * nd_ref[...] + b_ref[...])
    o_ref[...] = jnp.dot(h * ns_ref[...], w_ref[...],
                         preferred_element_type=jnp.float32, precision=_HIGH)


def _combine(agg, hin, nsrc, ndst, b, W):
    return pl.pallas_call(
        _combine_body,
        grid=(NPAD // BR,),
        in_specs=[
            pl.BlockSpec((NC, BR, D), lambda j: (0, j, 0)),
            pl.BlockSpec((BR, D), lambda j: (j, 0)),
            pl.BlockSpec((BR, 1), lambda j: (j, 0)),
            pl.BlockSpec((BR, 1), lambda j: (j, 0)),
            pl.BlockSpec((1, D), lambda j: (0, 0)),
            pl.BlockSpec((D, D), lambda j: (0, 0)),
        ],
        out_specs=pl.BlockSpec((BR, D), lambda j: (j, 0)),
        out_shape=jax.ShapeDtypeStruct((NPAD, D), jnp.float32),
    )(agg, hin, nsrc, ndst, b, W)


def _final_body(agg_ref, hin_ref, nd_ref, b_ref,
                wf1_ref, bf1_ref, wf2_ref, bf2_ref, wf3_ref, bf3_ref,
                o_ref, acc_ref):
    j = pl.program_id(0)

    @pl.when(j == 0)
    def _():
        acc_ref[...] = jnp.zeros_like(acc_ref)

    a = agg_ref[0] + agg_ref[1] + hin_ref[...]
    h = jax.nn.relu(a * nd_ref[...] + b_ref[...])
    rows = lax.broadcasted_iota(jnp.int32, (BR, D), 0) + j * BR
    h = jnp.where(rows < N, h, 0.0)
    acc_ref[...] += jnp.sum(h, axis=0, keepdims=True)

    @pl.when(j == NPAD // BR - 1)
    def _():
        hg = acc_ref[...]
        a1 = jax.nn.relu(jnp.dot(hg, wf1_ref[...],
                                 preferred_element_type=jnp.float32,
                                 precision=_HIGH) + bf1_ref[...])
        a2 = jax.nn.relu(jnp.dot(a1, wf2_ref[...],
                                 preferred_element_type=jnp.float32,
                                 precision=_HIGH) + bf2_ref[...])
        o_ref[...] = jnp.dot(a2, wf3_ref[...],
                             preferred_element_type=jnp.float32,
                             precision=_HIGH) + bf3_ref[...]


def _final(agg, hin, ndst, b, Wf1, bf1, Wf2, bf2, Wf3p, bf3p):
    fc1, fc2 = Wf1.shape[1], Wf2.shape[1]
    return pl.pallas_call(
        _final_body,
        grid=(NPAD // BR,),
        in_specs=[
            pl.BlockSpec((NC, BR, D), lambda j: (0, j, 0)),
            pl.BlockSpec((BR, D), lambda j: (j, 0)),
            pl.BlockSpec((BR, 1), lambda j: (j, 0)),
            pl.BlockSpec((1, D), lambda j: (0, 0)),
            pl.BlockSpec((D, fc1), lambda j: (0, 0)),
            pl.BlockSpec((1, fc1), lambda j: (0, 0)),
            pl.BlockSpec((fc1, fc2), lambda j: (0, 0)),
            pl.BlockSpec((1, fc2), lambda j: (0, 0)),
            pl.BlockSpec((fc2, D), lambda j: (0, 0)),
            pl.BlockSpec((1, D), lambda j: (0, 0)),
        ],
        out_specs=pl.BlockSpec((1, D), lambda j: (0, 0)),
        out_shape=jax.ShapeDtypeStruct((1, D), jnp.float32),
        scratch_shapes=[pltpu.VMEM((1, D), jnp.float32)],
    )(agg, hin, ndst, b, Wf1, bf1, Wf2, bf2, Wf3p, bf3p)


_SPAD = NW * EWP - E
_PAD_IDS = N + (np.arange(_SPAD, dtype=np.int32) % (NPAD - N))


def kernel(x, edge_index, W1, b1, W2, b2, Wf1, bf1, Wf2, bf2, Wf3, bf3):
    pad2 = jnp.asarray(np.stack([_PAD_IDS, _PAD_IDS]))
    ei_all = jnp.concatenate([edge_index, pad2], axis=1)
    ei_sc = ei_all.reshape(2, NW, SNCH, SCK)

    norms = _degrees(ei_all.reshape(2, NS, DNCH, DCK))
    nsrc = norms[0].reshape(NPAD, 1)
    ndst = norms[1].reshape(NPAD, 1)

    xp = jnp.pad(x, ((0, NPAD - N), (0, 0)))
    b1r = b1.reshape(1, D)
    b2r = b2.reshape(1, D)
    bf1r = bf1.reshape(1, -1)
    bf2r = bf2.reshape(1, -1)
    Wf3p = jnp.pad(Wf3, ((0, 0), (0, D - Wf3.shape[1])))
    bf3p = jnp.pad(bf3, (0, D - bf3.shape[0])).reshape(1, D)

    h1in = _mm1(xp, nsrc, W1)
    agg1 = _edge_scatter(h1in, ei_sc)
    h2in = _combine(agg1, h1in, nsrc, ndst, b1r, W2)
    agg2 = _edge_scatter(h2in, ei_sc)
    ansp = _final(agg2, h2in, ndst, b2r, Wf1, bf1r, Wf2, bf2r, Wf3p, bf3p)
    return ansp[0, :Wf3.shape[1]]

# --- scband reference (transcript-rebuilt; emitter-appended) ---
"""Pipeline reference for scband-model-nn2-layer-7834020348011 (READ-ONLY COPY).

The authoritative reference and input builder live on the scoring server;
editing this copy changes nothing except your own understanding.
"""

import jax, jax.numpy as jnp
import numpy as np

N = 10000
E = 320000
D = 128
H1 = 128
H2 = 128
FC1 = 256
FC2 = 128
OUT = 16


def setup_inputs(seed: int = 0) -> dict:
    key = jax.random.key(seed)
    ks = jax.random.split(key, 14)
    x = jax.random.normal(ks[0], (N, D), dtype=jnp.float32)
    edge_index = jax.random.randint(ks[1], (2, E), 0, N, dtype=jnp.int32)
    def glorot(k, shape):
        limit = np.sqrt(6.0 / (shape[0] + shape[1]))
        return jax.random.uniform(k, shape, dtype=jnp.float32, minval=-limit, maxval=limit)
    W1 = glorot(ks[2], (D, H1))
    b1 = jnp.zeros((H1,), dtype=jnp.float32)
    W2 = glorot(ks[3], (H1, H2))
    b2 = jnp.zeros((H2,), dtype=jnp.float32)
    Wf1 = glorot(ks[4], (H2, FC1))
    bf1 = jnp.zeros((FC1,), dtype=jnp.float32)
    Wf2 = glorot(ks[5], (FC1, FC2))
    bf2 = jnp.zeros((FC2,), dtype=jnp.float32)
    Wf3 = glorot(ks[6], (FC2, OUT))
    bf3 = jnp.zeros((OUT,), dtype=jnp.float32)
    return {"x": x, "edge_index": edge_index, "W1": W1, "b1": b1, "W2": W2, "b2": b2,
            "Wf1": Wf1, "bf1": bf1, "Wf2": Wf2, "bf2": bf2, "Wf3": Wf3, "bf3": bf3}


def _gcn_layer(x, src, dst, W, b):
    # DGL GraphConv with norm='both': h = D_in^{-1/2} A (D_out^{-1/2} x) W + b
    n = x.shape[0]
    ones = jnp.ones((src.shape[0],), dtype=x.dtype)
    deg_out = jnp.zeros((n,), dtype=x.dtype).at[src].add(ones)
    deg_in = jnp.zeros((n,), dtype=x.dtype).at[dst].add(ones)
    norm_src = jnp.where(deg_out > 0, jax.lax.rsqrt(jnp.maximum(deg_out, 1e-12)), 0.0)
    norm_dst = jnp.where(deg_in > 0, jax.lax.rsqrt(jnp.maximum(deg_in, 1e-12)), 0.0)
    h = x * norm_src[:, None]
    h = h @ W
    msg = jnp.take(h, src, axis=0)  # gather source features per edge
    agg = jnp.zeros((n, h.shape[1]), dtype=x.dtype).at[dst].add(msg)  # scatter-add
    agg = agg * norm_dst[:, None]
    return agg + b


def reference(x, edge_index, W1, b1, W2, b2, Wf1, bf1, Wf2, bf2, Wf3, bf3):
    n = x.shape[0]
    loop = jnp.arange(n, dtype=edge_index.dtype)
    src = jnp.concatenate([edge_index[0], loop])  # dgl.add_self_loop
    dst = jnp.concatenate([edge_index[1], loop])
    h = jax.nn.relu(_gcn_layer(x, src, dst, W1, b1))
    h = jax.nn.relu(_gcn_layer(h, src, dst, W2, b2))
    hg = jnp.sum(h, axis=0)  # dgl.sum_nodes readout (single graph)
    a = jax.nn.relu(hg @ Wf1 + bf1)
    a = jax.nn.relu(a @ Wf2 + bf2)
    ans = a @ Wf3 + bf3
    return ans  # shape [OUT], matches forward([g]).squeeze()

if __name__ == "__main__":
    import jax
    _d = setup_inputs()
    print(jax.jit(kernel)(*tuple(_d.values())))

</pallas_src>

<mosaic_0001>
#map = affine_map<(d0, d1) -> (0, 0)>
#map1 = affine_map<(d0, d1) -> (0, 0, 0, 0)>
#map2 = affine_map<(d0, d1) -> (0, 0, 0)>
module attributes {stable_mosaic.version = 14 : i64} {
  func.func @_scatter_body(%arg0: i32, %arg1: i32, %arg2: memref<10240x128xf32, #tpu.memory_space<hbm>>, %arg3: memref<2x32x80x128xi32, #tpu.memory_space<hbm>>, %arg4: memref<2x10240x128xf32, #tpu.memory_space<hbm>>, %arg5: memref<40x128xi32, #tpu.memory_space<vmem>>, %arg6: memref<40x128xi32, #tpu.memory_space<vmem>>, %arg7: memref<2x128x128xf32, #tpu.memory_space<vmem>>, %arg8: memref<!tpu.dma_semaphore, #tpu.memory_space<semaphore_mem>>, %arg9: memref<!tpu.dma_semaphore, #tpu.memory_space<semaphore_mem>>, %arg10: memref<10240x128xf32, #tpu.memory_space<vmem_shared>>) attributes {dimension_semantics = [#tpu.dimension_semantics<core_parallel>, #tpu.dimension_semantics<subcore_parallel>], iteration_bounds = array<i64: 2, 16>, scalar_prefetch = 0 : i64, scratch_operands = 6 : i64, tpu.core_type = #tpu.core_type<sc_vector_subcore>, window_params = [{transform_indices = #map}, {transform_indices = #map1}, {transform_indices = #map2}]} {
    %mul3A = arith.constant 16 : i32
    %mul3A_0 = arith.muli %arg0, %mul3A : i32
    %add3A = arith.addi %mul3A_0, %arg1 : i32
    %scan3A = arith.constant 0 : i32
    %scan3A_1 = arith.constant 128 : i32
    %scan3A_2 = arith.addi %scan3A, %scan3A_1 : i32
    %scan3A_3 = arith.constant 1 : i32
    scf.for %scan3A_75 = %scan3A to %scan3A_2 step %scan3A_3  : i32 {
      %broadcast_in_dim3A = arith.constant 0.000000e+00 : f32
      %broadcast_in_dim3A_76 = vector.broadcast %broadcast_in_dim3A : f32 to vector<16xf32>
      %swap3A = arith.constant 0 : i32
      %swap3A_77 = arith.index_cast %swap3A : i32 to index
      %swap3A_78 = arith.index_cast %scan3A_75 : i32 to index
      %swap3A_79 = arith.constant 0 : index
      %swap3A_80 = tpu.vector_load %arg7[%swap3A_77, %swap3A_78, %swap3A_79] {strides = array<i32>} : memref<2x128x128xf32, #tpu.memory_space<vmem>>, vector<1x1x16xf32>,
      %swap3A_81 = vector.shape_cast %swap3A_80 : vector<1x1x16xf32> to vector<16xf32>
      %swap3A_82 = vector.shape_cast %broadcast_in_dim3A_76 : vector<16xf32> to vector<1x1x16xf32>
      tpu.vector_store %arg7[%swap3A_77, %swap3A_78, %swap3A_79], %swap3A_82 {strides = array<i32>} : memref<2x128x128xf32, #tpu.memory_space<vmem>>, vector<1x1x16xf32>,
      %broadcast_in_dim3A_83 = arith.constant 0.000000e+00 : f32
      %broadcast_in_dim3A_84 = vector.broadcast %broadcast_in_dim3A_83 : f32 to vector<16xf32>
      %swap3A_85 = arith.constant 0 : i32
      %swap3A_86 = arith.index_cast %swap3A_85 : i32 to index
      %swap3A_87 = arith.index_cast %scan3A_75 : i32 to index
      %swap3A_88 = arith.constant 16 : index
      %swap3A_89 = tpu.vector_load %arg7[%swap3A_86, %swap3A_87, %swap3A_88] {strides = array<i32>} : memref<2x128x128xf32, #tpu.memory_space<vmem>>, vector<1x1x16xf32>,
      %swap3A_90 = vector.shape_cast %swap3A_89 : vector<1x1x16xf32> to vector<16xf32>
      %swap3A_91 = vector.shape_cast %broadcast_in_dim3A_84 : vector<16xf32> to vector<1x1x16xf32>
      tpu.vector_store %arg7[%swap3A_86, %swap3A_87, %swap3A_88], %swap3A_91 {strides = array<i32>} : memref<2x128x128xf32, #tpu.memory_space<vmem>>, vector<1x1x16xf32>,
      %broadcast_in_dim3A_92 = arith.constant 0.000000e+00 : f32
      %broadcast_in_dim3A_93 = vector.broadcast %broadcast_in_dim3A_92 : f32 to vector<16xf32>
      %swap3A_94 = arith.constant 0 : i32
      %swap3A_95 = arith.index_cast %swap3A_94 : i32 to index
      %swap3A_96 = arith.index_cast %scan3A_75 : i32 to index
      %swap3A_97 = arith.constant 32 : index
      %swap3A_98 = tpu.vector_load %arg7[%swap3A_95, %swap3A_96, %swap3A_97] {strides = array<i32>} : memref<2x128x128xf32, #tpu.memory_space<vmem>>, vector<1x1x16xf32>,
      %swap3A_99 = vector.shape_cast %swap3A_98 : vector<1x1x16xf32> to vector<16xf32>
      %swap3A_100 = vector.shape_cast %broadcast_in_dim3A_93 : vector<16xf32> to vector<1x1x16xf32>
      tpu.vector_store %arg7[%swap3A_95, %swap3A_96, %swap3A_97], %swap3A_100 {strides = array<i32>} : memref<2x128x128xf32, #tpu.memory_space<vmem>>, vector<1x1x16xf32>,
      %broadcast_in_dim3A_101 = arith.constant 0.000000e+00 : f32
      %broadcast_in_dim3A_102 = vector.broadcast %broadcast_in_dim3A_101 : f32 to vector<16xf32>
      %swap3A_103 = arith.constant 0 : i32
      %swap3A_104 = arith.index_cast %swap3A_103 : i32 to index
      %swap3A_105 = arith.index_cast %scan3A_75 : i32 to index
      %swap3A_106 = arith.constant 48 : index
      %swap3A_107 = tpu.vector_load %arg7[%swap3A_104, %swap3A_105, %swap3A_106] {strides = array<i32>} : memref<2x128x128xf32, #tpu.memory_space<vmem>>, vector<1x1x16xf32>,
      %swap3A_108 = vector.shape_cast %swap3A_107 : vector<1x1x16xf32> to vector<16xf32>
      %swap3A_109 = vector.shape_cast %broadcast_in_dim3A_102 : vector<16xf32> to vector<1x1x16xf32>
      tpu.vector_store %arg7[%swap3A_104, %swap3A_105, %swap3A_106], %swap3A_109 {strides = array<i32>} : memref<2x128x128xf32, #tpu.memory_space<vmem>>, vector<1x1x16xf32>,
      %broadcast_in_dim3A_110 = arith.constant 0.000000e+00 : f32
      %broadcast_in_dim3A_111 = vector.broadcast %broadcast_in_dim3A_110 : f32 to vector<16xf32>
      %swap3A_112 = arith.constant 0 : i32
      %swap3A_113 = arith.index_cast %swap3A_112 : i32 to index
      %swap3A_114 = arith.index_cast %scan3A_75 : i32 to index
      %swap3A_115 = arith.constant 64 : index
      %swap3A_116 = tpu.vector_load %arg7[%swap3A_113, %swap3A_114, %swap3A_115] {strides = array<i32>} : memref<2x128x128xf32, #tpu.memory_space<vmem>>, vector<1x1x16xf32>,
      %swap3A_117 = vector.shape_cast %swap3A_116 : vector<1x1x16xf32> to vector<16xf32>
      %swap3A_118 = vector.shape_cast %broadcast_in_dim3A_111 : vector<16xf32> to vector<1x1x16xf32>
      tpu.vector_store %arg7[%swap3A_113, %swap3A_114, %swap3A_115], %swap3A_118 {strides = array<i32>} : memref<2x128x128xf32, #tpu.memory_space<vmem>>, vector<1x1x16xf32>,
      %broadcast_in_dim3A_119 = arith.constant 0.000000e+00 : f32
      %broadcast_in_dim3A_120 = vector.broadcast %broadcast_in_dim3A_119 : f32 to vector<16xf32>
      %swap3A_121 = arith.constant 0 : i32
      %swap3A_122 = arith.index_cast %swap3A_121 : i32 to index
      %swap3A_123 = arith.index_cast %scan3A_75 : i32 to index
      %swap3A_124 = arith.constant 80 : index
      %swap3A_125 = tpu.vector_load %arg7[%swap3A_122, %swap3A_123, %swap3A_124] {strides = array<i32>} : memref<2x128x128xf32, #tpu.memory_space<vmem>>, vector<1x1x16xf32>,
      %swap3A_126 = vector.shape_cast %swap3A_125 : vector<1x1x16xf32> to vector<16xf32>
      %swap3A_127 = vector.shape_cast %broadcast_in_dim3A_120 : vector<16xf32> to vector<1x1x16xf32>
      tpu.vector_store %arg7[%swap3A_122, %swap3A_123, %swap3A_124], %swap3A_127 {strides = array<i32>} : memref<2x128x128xf32, #tpu.memory_space<vmem>>, vector<1x1x16xf32>,
      %broadcast_in_dim3A_128 = arith.constant 0.000000e+00 : f32
      %broadcast_in_dim3A_129 = vector.broadcast %broadcast_in_dim3A_128 : f32 to vector<16xf32>
      %swap3A_130 = arith.constant 0 : i32
      %swap3A_131 = arith.index_cast %swap3A_130 : i32 to index
      %swap3A_132 = arith.index_cast %scan3A_75 : i32 to index
      %swap3A_133 = arith.constant 96 : index
      %swap3A_134 = tpu.vector_load %arg7[%swap3A_131, %swap3A_132, %swap3A_133] {strides = array<i32>} : memref<2x128x128xf32, #tpu.memory_space<vmem>>, vector<1x1x16xf32>,
      %swap3A_135 = vector.shape_cast %swap3A_134 : vector<1x1x16xf32> to vector<16xf32>
      %swap3A_136 = vector.shape_cast %broadcast_in_dim3A_129 : vector<16xf32> to vector<1x1x16xf32>
      tpu.vector_store %arg7[%swap3A_131, %swap3A_132, %swap3A_133], %swap3A_136 {strides = array<i32>} : memref<2x128x128xf32, #tpu.memory_space<vmem>>, vector<1x1x16xf32>,
      %broadcast_in_dim3A_137 = arith.constant 0.000000e+00 : f32
      %broadcast_in_dim3A_138 = vector.broadcast %broadcast_in_dim3A_137 : f32 to vector<16xf32>
      %swap3A_139 = arith.constant 0 : i32
      %swap3A_140 = arith.index_cast %swap3A_139 : i32 to index
      %swap3A_141 = arith.index_cast %scan3A_75 : i32 to index
      %swap3A_142 = arith.constant 112 : index
      %swap3A_143 = tpu.vector_load %arg7[%swap3A_140, %swap3A_141, %swap3A_142] {strides = array<i32>} : memref<2x128x128xf32, #tpu.memory_space<vmem>>, vector<1x1x16xf32>,
      %swap3A_144 = vector.shape_cast %swap3A_143 : vector<1x1x16xf32> to vector<16xf32>
      %swap3A_145 = vector.shape_cast %broadcast_in_dim3A_138 : vector<16xf32> to vector<1x1x16xf32>
      tpu.vector_store %arg7[%swap3A_140, %swap3A_141, %swap3A_142], %swap3A_145 {strides = array<i32>} : memref<2x128x128xf32, #tpu.memory_space<vmem>>, vector<1x1x16xf32>,
    }
    %scan3A_4 = arith.constant 128 : i32
    %mul3A_5 = arith.constant 640 : i32
    %mul3A_6 = arith.muli %arg1, %mul3A_5 : i32
    %add3A_7 = arith.constant 0 : i32
    %add3A_8 = arith.addi %mul3A_6, %add3A_7 : i32
    %run_scoped3A = arith.constant 0 : i32
    "tpu.region"() ({
      %run_scoped3A_75 = tpu.sem_alloc : memref<!tpu.dma_semaphore, #tpu.memory_space<semaphore_mem>>
      %dma_start3A_76 = arith.constant 0 : i32
      %dma_start3A_77 = arith.constant 0 : i32
      %dma_start3A_78 = tpu.memref_slice %arg7[%run_scoped3A, %dma_start3A_76, %dma_start3A_77] : memref<2x128x128xf32, #tpu.memory_space<vmem>> -> memref<1x128x128xf32, #tpu.memory_space<vmem>>
      %dma_start3A_79 = tpu.memref_squeeze %dma_start3A_78 : memref<1x128x128xf32, #tpu.memory_space<vmem>> -> memref<128x128xf32, #tpu.memory_space<vmem>>
      %dma_start3A_80 = arith.constant 0 : i32
      %dma_start3A_81 = tpu.memref_slice %arg10[%add3A_8, %dma_start3A_80] : memref<10240x128xf32, #tpu.memory_space<vmem_shared>> -> memref<128x128xf32, #tpu.memory_space<vmem_shared>>
      %dma_start3A_82 = arith.constant 0 : i32
      %dma_start3A_83 = tpu.memref_slice %arg10[%add3A_8, %dma_start3A_82] : memref<10240x128xf32, #tpu.memory_space<vmem_shared>> -> memref<128x128xf32, #tpu.memory_space<vmem_shared>>
      %dma_start3A_84 = arith.constant 0 : i32
      %dma_start3A_85 = arith.constant 0 : i32
      %dma_start3A_86 = tpu.memref_slice %arg7[%run_scoped3A, %dma_start3A_84, %dma_start3A_85] : memref<2x128x128xf32, #tpu.memory_space<vmem>> -> memref<1x128x128xf32, #tpu.memory_space<vmem>>
      %dma_start3A_87 = tpu.memref_squeeze %dma_start3A_86 : memref<1x128x128xf32, #tpu.memory_space<vmem>> -> memref<128x128xf32, #tpu.memory_space<vmem>>
      tpu.enqueue_dma source(%dma_start3A_87 : memref<128x128xf32, #tpu.memory_space<vmem>>) target(%dma_start3A_83 : memref<128x128xf32, #tpu.memory_space<vmem_shared>>) target_semaphore(%run_scoped3A_75 : memref<!tpu.dma_semaphore, #tpu.memory_space<semaphore_mem>>)
      %dma_wait3A = arith.constant 0 : i32
      %dma_wait3A_88 = arith.constant 0 : i32
      %dma_wait3A_89 = tpu.memref_slice %arg7[%run_scoped3A, %dma_wait3A, %dma_wait3A_88] : memref<2x128x128xf32, #tpu.memory_space<vmem>> -> memref<1x128x128xf32, #tpu.memory_space<vmem>>
      %dma_wait3A_90 = tpu.memref_squeeze %dma_wait3A_89 : memref<1x128x128xf32, #tpu.memory_space<vmem>> -> memref<128x128xf32, #tpu.memory_space<vmem>>
      %dma_wait3A_91 = arith.constant 0 : i32
      %dma_wait3A_92 = tpu.memref_slice %arg10[%add3A_8, %dma_wait3A_91] : memref<10240x128xf32, #tpu.memory_space<vmem_shared>> -> memref<128x128xf32, #tpu.memory_space<vmem_shared>>
      %dma_wait3A_93 = arith.constant 0 : i32
      %dma_wait3A_94 = tpu.memref_slice %arg10[%add3A_8, %dma_wait3A_93] : memref<10240x128xf32, #tpu.memory_space<vmem_shared>> -> memref<128x128xf32, #tpu.memory_space<vmem_shared>>
      %dma_wait3A_95 = arith.constant 0 : i32
      %dma_wait3A_96 = arith.constant 0 : i32
      %dma_wait3A_97 = tpu.memref_slice %arg7[%run_scoped3A, %dma_wait3A_95, %dma_wait3A_96] : memref<2x128x128xf32, #tpu.memory_space<vmem>> -> memref<1x128x128xf32, #tpu.memory_space<vmem>>
      %dma_wait3A_98 = tpu.memref_squeeze %dma_wait3A_97 : memref<1x128x128xf32, #tpu.memory_space<vmem>> -> memref<128x128xf32, #tpu.memory_space<vmem>>
      tpu.wait_dma2 semaphore(%run_scoped3A_75 : memref<!tpu.dma_semaphore, #tpu.memory_space<semaphore_mem>>) src(%dma_wait3A_98 : memref<128x128xf32, #tpu.memory_space<vmem>>) dst(%dma_wait3A_94 : memref<128x128xf32, #tpu.memory_space<vmem_shared>>)
      tpu.yield
    }) : () -> ()
    %mul3A_9 = arith.constant 640 : i32
    %mul3A_10 = arith.muli %arg1, %mul3A_9 : i32
    %add3A_11 = arith.constant 128 : i32
    %add3A_12 = arith.addi %mul3A_10, %add3A_11 : i32
    %run_scoped3A_13 = arith.constant 0 : i32
    "tpu.region"() ({
      %run_scoped3A_75 = tpu.sem_alloc : memref<!tpu.dma_semaphore, #tpu.memory_space<semaphore_mem>>
      %dma_start3A_76 = arith.constant 0 : i32
      %dma_start3A_77 = arith.constant 0 : i32
      %dma_start3A_78 = tpu.memref_slice %arg7[%run_scoped3A_13, %dma_start3A_76, %dma_start3A_77] : memref<2x128x128xf32, #tpu.memory_space<vmem>> -> memref<1x128x128xf32, #tpu.memory_space<vmem>>
      %dma_start3A_79 = tpu.memref_squeeze %dma_start3A_78 : memref<1x128x128xf32, #tpu.memory_space<vmem>> -> memref<128x128xf32, #tpu.memory_space<vmem>>
      %dma_start3A_80 = arith.constant 0 : i32
      %dma_start3A_81 = tpu.memref_slice %arg10[%add3A_12, %dma_start3A_80] : memref<10240x128xf32, #tpu.memory_space<vmem_shared>> -> memref<128x128xf32, #tpu.memory_space<vmem_shared>>
      %dma_start3A_82 = arith.constant 0 : i32
      %dma_start3A_83 = tpu.memref_slice %arg10[%add3A_12, %dma_start3A_82] : memref<10240x128xf32, #tpu.memory_space<vmem_shared>> -> memref<128x128xf32, #tpu.memory_space<vmem_shared>>
      %dma_start3A_84 = arith.constant 0 : i32
      %dma_start3A_85 = arith.constant 0 : i32
      %dma_start3A_86 = tpu.memref_slice %arg7[%run_scoped3A_13, %dma_start3A_84, %dma_start3A_85] : memref<2x128x128xf32, #tpu.memory_space<vmem>> -> memref<1x128x128xf32, #tpu.memory_space<vmem>>
      %dma_start3A_87 = tpu.memref_squeeze %dma_start3A_86 : memref<1x128x128xf32, #tpu.memory_space<vmem>> -> memref<128x128xf32, #tpu.memory_space<vmem>>
      tpu.enqueue_dma source(%dma_start3A_87 : memref<128x128xf32, #tpu.memory_space<vmem>>) target(%dma_start3A_83 : memref<128x128xf32, #tpu.memory_space<vmem_shared>>) target_semaphore(%run_scoped3A_75 : memref<!tpu.dma_semaphore, #tpu.memory_space<semaphore_mem>>)
      %dma_wait3A = arith.constant 0 : i32
      %dma_wait3A_88 = arith.constant 0 : i32
      %dma_wait3A_89 = tpu.memref_slice %arg7[%run_scoped3A_13, %dma_wait3A, %dma_wait3A_88] : memref<2x128x128xf32, #tpu.memory_space<vmem>> -> memref<1x128x128xf32, #tpu.memory_space<vmem>>
      %dma_wait3A_90 = tpu.memref_squeeze %dma_wait3A_89 : memref<1x128x128xf32, #tpu.memory_space<vmem>> -> memref<128x128xf32, #tpu.memory_space<vmem>>
      %dma_wait3A_91 = arith.constant 0 : i32
      %dma_wait3A_92 = tpu.memref_slice %arg10[%add3A_12, %dma_wait3A_91] : memref<10240x128xf32, #tpu.memory_space<vmem_shared>> -> memref<128x128xf32, #tpu.memory_space<vmem_shared>>
      %dma_wait3A_93 = arith.constant 0 : i32
      %dma_wait3A_94 = tpu.memref_slice %arg10[%add3A_12, %dma_wait3A_93] : memref<10240x128xf32, #tpu.memory_space<vmem_shared>> -> memref<128x128xf32, #tpu.memory_space<vmem_shared>>
      %dma_wait3A_95 = arith.constant 0 : i32
      %dma_wait3A_96 = arith.constant 0 : i32
      %dma_wait3A_97 = tpu.memref_slice %arg7[%run_scoped3A_13, %dma_wait3A_95, %dma_wait3A_96] : memref<2x128x128xf32, #tpu.memory_space<vmem>> -> memref<1x128x128xf32, #tpu.memory_space<vmem>>
      %dma_wait3A_98 = tpu.memref_squeeze %dma_wait3A_97 : memref<1x128x128xf32, #tpu.memory_space<vmem>> -> memref<128x128xf32, #tpu.memory_space<vmem>>
      tpu.wait_dma2 semaphore(%run_scoped3A_75 : memref<!tpu.dma_semaphore, #tpu.memory_space<semaphore_mem>>) src(%dma_wait3A_98 : memref<128x128xf32, #tpu.memory_space<vmem>>) dst(%dma_wait3A_94 : memref<128x128xf32, #tpu.memory_space<vmem_shared>>)
      tpu.yield
    }) : () -> ()
    %mul3A_14 = arith.constant 640 : i32
    %mul3A_15 = arith.muli %arg1, %mul3A_14 : i32
    %add3A_16 = arith.constant 256 : i32
    %add3A_17 = arith.addi %mul3A_15, %add3A_16 : i32
    %run_scoped3A_18 = arith.constant 0 : i32
    "tpu.region"() ({
      %run_scoped3A_75 = tpu.sem_alloc : memref<!tpu.dma_semaphore, #tpu.memory_space<semaphore_mem>>
      %dma_start3A_76 = arith.constant 0 : i32
      %dma_start3A_77 = arith.constant 0 : i32
      %dma_start3A_78 = tpu.memref_slice %arg7[%run_scoped3A_18, %dma_start3A_76, %dma_start3A_77] : memref<2x128x128xf32, #tpu.memory_space<vmem>> -> memref<1x128x128xf32, #tpu.memory_space<vmem>>
      %dma_start3A_79 = tpu.memref_squeeze %dma_start3A_78 : memref<1x128x128xf32, #tpu.memory_space<vmem>> -> memref<128x128xf32, #tpu.memory_space<vmem>>
      %dma_start3A_80 = arith.constant 0 : i32
      %dma_start3A_81 = tpu.memref_slice %arg10[%add3A_17, %dma_start3A_80] : memref<10240x128xf32, #tpu.memory_space<vmem_shared>> -> memref<128x128xf32, #tpu.memory_space<vmem_shared>>
      %dma_start3A_82 = arith.constant 0 : i32
      %dma_start3A_83 = tpu.memref_slice %arg10[%add3A_17, %dma_start3A_82] : memref<10240x128xf32, #tpu.memory_space<vmem_shared>> -> memref<128x128xf32, #tpu.memory_space<vmem_shared>>
      %dma_start3A_84 = arith.constant 0 : i32
      %dma_start3A_85 = arith.constant 0 : i32
      %dma_start3A_86 = tpu.memref_slice %arg7[%run_scoped3A_18, %dma_start3A_84, %dma_start3A_85] : memref<2x128x128xf32, #tpu.memory_space<vmem>> -> memref<1x128x128xf32, #tpu.memory_space<vmem>>
      %dma_start3A_87 = tpu.memref_squeeze %dma_start3A_86 : memref<1x128x128xf32, #tpu.memory_space<vmem>> -> memref<128x128xf32, #tpu.memory_space<vmem>>
      tpu.enqueue_dma source(%dma_start3A_87 : memref<128x128xf32, #tpu.memory_space<vmem>>) target(%dma_start3A_83 : memref<128x128xf32, #tpu.memory_space<vmem_shared>>) target_semaphore(%run_scoped3A_75 : memref<!tpu.dma_semaphore, #tpu.memory_space<semaphore_mem>>)
      %dma_wait3A = arith.constant 0 : i32
      %dma_wait3A_88 = arith.constant 0 : i32
      %dma_wait3A_89 = tpu.memref_slice %arg7[%run_scoped3A_18, %dma_wait3A, %dma_wait3A_88] : memref<2x128x128xf32, #tpu.memory_space<vmem>> -> memref<1x128x128xf32, #tpu.memory_space<vmem>>
      %dma_wait3A_90 = tpu.memref_squeeze %dma_wait3A_89 : memref<1x128x128xf32, #tpu.memory_space<vmem>> -> memref<128x128xf32, #tpu.memory_space<vmem>>
      %dma_wait3A_91 = arith.constant 0 : i32
      %dma_wait3A_92 = tpu.memref_slice %arg10[%add3A_17, %dma_wait3A_91] : memref<10240x128xf32, #tpu.memory_space<vmem_shared>> -> memref<128x128xf32, #tpu.memory_space<vmem_shared>>
      %dma_wait3A_93 = arith.constant 0 : i32
      %dma_wait3A_94 = tpu.memref_slice %arg10[%add3A_17, %dma_wait3A_93] : memref<10240x128xf32, #tpu.memory_space<vmem_shared>> -> memref<128x128xf32, #tpu.memory_space<vmem_shared>>
      %dma_wait3A_95 = arith.constant 0 : i32
      %dma_wait3A_96 = arith.constant 0 : i32
      %dma_wait3A_97 = tpu.memref_slice %arg7[%run_scoped3A_18, %dma_wait3A_95, %dma_wait3A_96] : memref<2x128x128xf32, #tpu.memory_space<vmem>> -> memref<1x128x128xf32, #tpu.memory_space<vmem>>
      %dma_wait3A_98 = tpu.memref_squeeze %dma_wait3A_97 : memref<1x128x128xf32, #tpu.memory_space<vmem>> -> memref<128x128xf32, #tpu.memory_space<vmem>>
      tpu.wait_dma2 semaphore(%run_scoped3A_75 : memref<!tpu.dma_semaphore, #tpu.memory_space<semaphore_mem>>) src(%dma_wait3A_98 : memref<128x128xf32, #tpu.memory_space<vmem>>) dst(%dma_wait3A_94 : memref<128x128xf32, #tpu.memory_space<vmem_shared>>)
      tpu.yield
    }) : () -> ()
    %mul3A_19 = arith.constant 640 : i32
    %mul3A_20 = arith.muli %arg1, %mul3A_19 : i32
    %add3A_21 = arith.constant 384 : i32
    %add3A_22 = arith.addi %mul3A_20, %add3A_21 : i32
    %run_scoped3A_23 = arith.constant 0 : i32
    "tpu.region"() ({
      %run_scoped3A_75 = tpu.sem_alloc : memref<!tpu.dma_semaphore, #tpu.memory_space<semaphore_mem>>
      %dma_start3A_76 = arith.constant 0 : i32
      %dma_start3A_77 = arith.constant 0 : i32
      %dma_start3A_78 = tpu.memref_slice %arg7[%run_scoped3A_23, %dma_start3A_76, %dma_start3A_77] : memref<2x128x128xf32, #tpu.memory_space<vmem>> -> memref<1x128x128xf32, #tpu.memory_space<vmem>>
      %dma_start3A_79 = tpu.memref_squeeze %dma_start3A_78 : memref<1x128x128xf32, #tpu.memory_space<vmem>> -> memref<128x128xf32, #tpu.memory_space<vmem>>
      %dma_start3A_80 = arith.constant 0 : i32
      %dma_start3A_81 = tpu.memref_slice %arg10[%add3A_22, %dma_start3A_80] : memref<10240x128xf32, #tpu.memory_space<vmem_shared>> -> memref<128x128xf32, #tpu.memory_space<vmem_shared>>
      %dma_start3A_82 = arith.constant 0 : i32
      %dma_start3A_83 = tpu.memref_slice %arg10[%add3A_22, %dma_start3A_82] : memref<10240x128xf32, #tpu.memory_space<vmem_shared>> -> memref<128x128xf32, #tpu.memory_space<vmem_shared>>
      %dma_start3A_84 = arith.constant 0 : i32
      %dma_start3A_85 = arith.constant 0 : i32
      %dma_start3A_86 = tpu.memref_slice %arg7[%run_scoped3A_23, %dma_start3A_84, %dma_start3A_85] : memref<2x128x128xf32, #tpu.memory_space<vmem>> -> memref<1x128x128xf32, #tpu.memory_space<vmem>>
      %dma_start3A_87 = tpu.memref_squeeze %dma_start3A_86 : memref<1x128x128xf32, #tpu.memory_space<vmem>> -> memref<128x128xf32, #tpu.memory_space<vmem>>
      tpu.enqueue_dma source(%dma_start3A_87 : memref<128x128xf32, #tpu.memory_space<vmem>>) target(%dma_start3A_83 : memref<128x128xf32, #tpu.memory_space<vmem_shared>>) target_semaphore(%run_scoped3A_75 : memref<!tpu.dma_semaphore, #tpu.memory_space<semaphore_mem>>)
      %dma_wait3A = arith.constant 0 : i32
      %dma_wait3A_88 = arith.constant 0 : i32
      %dma_wait3A_89 = tpu.memref_slice %arg7[%run_scoped3A_23, %dma_wait3A, %dma_wait3A_88] : memref<2x128x128xf32, #tpu.memory_space<vmem>> -> memref<1x128x128xf32, #tpu.memory_space<vmem>>
      %dma_wait3A_90 = tpu.memref_squeeze %dma_wait3A_89 : memref<1x128x128xf32, #tpu.memory_space<vmem>> -> memref<128x128xf32, #tpu.memory_space<vmem>>
      %dma_wait3A_91 = arith.constant 0 : i32
      %dma_wait3A_92 = tpu.memref_slice %arg10[%add3A_22, %dma_wait3A_91] : memref<10240x128xf32, #tpu.memory_space<vmem_shared>> -> memref<128x128xf32, #tpu.memory_space<vmem_shared>>
      %dma_wait3A_93 = arith.constant 0 : i32
      %dma_wait3A_94 = tpu.memref_slice %arg10[%add3A_22, %dma_wait3A_93] : memref<10240x128xf32, #tpu.memory_space<vmem_shared>> -> memref<128x128xf32, #tpu.memory_space<vmem_shared>>
      %dma_wait3A_95 = arith.constant 0 : i32
      %dma_wait3A_96 = arith.constant 0 : i32
      %dma_wait3A_97 = tpu.memref_slice %arg7[%run_scoped3A_23, %dma_wait3A_95, %dma_wait3A_96] : memref<2x128x128xf32, #tpu.memory_space<vmem>> -> memref<1x128x128xf32, #tpu.memory_space<vmem>>
      %dma_wait3A_98 = tpu.memref_squeeze %dma_wait3A_97 : memref<1x128x128xf32, #tpu.memory_space<vmem>> -> memref<128x128xf32, #tpu.memory_space<vmem>>
      tpu.wait_dma2 semaphore(%run_scoped3A_75 : memref<!tpu.dma_semaphore, #tpu.memory_space<semaphore_mem>>) src(%dma_wait3A_98 : memref<128x128xf32, #tpu.memory_space<vmem>>) dst(%dma_wait3A_94 : memref<128x128xf32, #tpu.memory_space<vmem_shared>>)
      tpu.yield
    }) : () -> ()
    %mul3A_24 = arith.constant 640 : i32
    %mul3A_25 = arith.muli %arg1, %mul3A_24 : i32
    %add3A_26 = arith.constant 512 : i32
    %add3A_27 = arith.addi %mul3A_25, %add3A_26 : i32
    %run_scoped3A_28 = arith.constant 0 : i32
    "tpu.region"() ({
      %run_scoped3A_75 = tpu.sem_alloc : memref<!tpu.dma_semaphore, #tpu.memory_space<semaphore_mem>>
      %dma_start3A_76 = arith.constant 0 : i32
      %dma_start3A_77 = arith.constant 0 : i32
      %dma_start3A_78 = tpu.memref_slice %arg7[%run_scoped3A_28, %dma_start3A_76, %dma_start3A_77] : memref<2x128x128xf32, #tpu.memory_space<vmem>> -> memref<1x128x128xf32, #tpu.memory_space<vmem>>
      %dma_start3A_79 = tpu.memref_squeeze %dma_start3A_78 : memref<1x128x128xf32, #tpu.memory_space<vmem>> -> memref<128x128xf32, #tpu.memory_space<vmem>>
      %dma_start3A_80 = arith.constant 0 : i32
      %dma_start3A_81 = tpu.memref_slice %arg10[%add3A_27, %dma_start3A_80] : memref<10240x128xf32, #tpu.memory_space<vmem_shared>> -> memref<128x128xf32, #tpu.memory_space<vmem_shared>>
      %dma_start3A_82 = arith.constant 0 : i32
      %dma_start3A_83 = tpu.memref_slice %arg10[%add3A_27, %dma_start3A_82] : memref<10240x128xf32, #tpu.memory_space<vmem_shared>> -> memref<128x128xf32, #tpu.memory_space<vmem_shared>>
      %dma_start3A_84 = arith.constant 0 : i32
      %dma_start3A_85 = arith.constant 0 : i32
      %dma_start3A_86 = tpu.memref_slice %arg7[%run_scoped3A_28, %dma_start3A_84, %dma_start3A_85] : memref<2x128x128xf32, #tpu.memory_space<vmem>> -> memref<1x128x128xf32, #tpu.memory_space<vmem>>
      %dma_start3A_87 = tpu.memref_squeeze %dma_start3A_86 : memref<1x128x128xf32, #tpu.memory_space<vmem>> -> memref<128x128xf32, #tpu.memory_space<vmem>>
      tpu.enqueue_dma source(%dma_start3A_87 : memref<128x128xf32, #tpu.memory_space<vmem>>) target(%dma_start3A_83 : memref<128x128xf32, #tpu.memory_space<vmem_shared>>) target_semaphore(%run_scoped3A_75 : memref<!tpu.dma_semaphore, #tpu.memory_space<semaphore_mem>>)
      %dma_wait3A = arith.constant 0 : i32
      %dma_wait3A_88 = arith.constant 0 : i32
      %dma_wait3A_89 = tpu.memref_slice %arg7[%run_scoped3A_28, %dma_wait3A, %dma_wait3A_88] : memref<2x128x128xf32, #tpu.memory_space<vmem>> -> memref<1x128x128xf32, #tpu.memory_space<vmem>>
      %dma_wait3A_90 = tpu.memref_squeeze %dma_wait3A_89 : memref<1x128x128xf32, #tpu.memory_space<vmem>> -> memref<128x128xf32, #tpu.memory_space<vmem>>
      %dma_wait3A_91 = arith.constant 0 : i32
      %dma_wait3A_92 = tpu.memref_slice %arg10[%add3A_27, %dma_wait3A_91] : memref<10240x128xf32, #tpu.memory_space<vmem_shared>> -> memref<128x128xf32, #tpu.memory_space<vmem_shared>>
      %dma_wait3A_93 = arith.constant 0 : i32
      %dma_wait3A_94 = tpu.memref_slice %arg10[%add3A_27, %dma_wait3A_93] : memref<10240x128xf32, #tpu.memory_space<vmem_shared>> -> memref<128x128xf32, #tpu.memory_space<vmem_shared>>
      %dma_wait3A_95 = arith.constant 0 : i32
      %dma_wait3A_96 = arith.constant 0 : i32
      %dma_wait3A_97 = tpu.memref_slice %arg7[%run_scoped3A_28, %dma_wait3A_95, %dma_wait3A_96] : memref<2x128x128xf32, #tpu.memory_space<vmem>> -> memref<1x128x128xf32, #tpu.memory_space<vmem>>
      %dma_wait3A_98 = tpu.memref_squeeze %dma_wait3A_97 : memref<1x128x128xf32, #tpu.memory_space<vmem>> -> memref<128x128xf32, #tpu.memory_space<vmem>>
      tpu.wait_dma2 semaphore(%run_scoped3A_75 : memref<!tpu.dma_semaphore, #tpu.memory_space<semaphore_mem>>) src(%dma_wait3A_98 : memref<128x128xf32, #tpu.memory_space<vmem>>) dst(%dma_wait3A_94 : memref<128x128xf32, #tpu.memory_space<vmem_shared>>)
      tpu.yield
    }) : () -> ()
    %barrier3A = arith.constant 0 : index
    tpu.barrier barrier_id(%barrier3A)
    %run_scoped3A_29 = arith.constant 0 : i32
    "tpu.region"() ({
      %run_scoped3A_75 = tpu.sem_alloc : memref<!tpu.dma_semaphore, #tpu.memory_space<semaphore_mem>>
      %dma_start3A_76 = arith.constant 0 : i32
      %dma_start3A_77 = arith.constant 0 : i32
      %dma_start3A_78 = tpu.memref_slice %arg3[%run_scoped3A_29, %add3A, %dma_start3A_76, %dma_start3A_77] : memref<2x32x80x128xi32, #tpu.memory_space<hbm>> -> memref<1x1x40x128xi32, #tpu.memory_space<hbm>>
      %dma_start3A_79 = tpu.memref_squeeze %dma_start3A_78 : memref<1x1x40x128xi32, #tpu.memory_space<hbm>> -> memref<40x128xi32, #tpu.memory_space<hbm>>
      %dma_start3A_80 = arith.constant 0 : i32
      %dma_start3A_81 = arith.constant 0 : i32
      %dma_start3A_82 = tpu.memref_slice %arg3[%run_scoped3A_29, %add3A, %dma_start3A_80, %dma_start3A_81] : memref<2x32x80x128xi32, #tpu.memory_space<hbm>> -> memref<1x1x40x128xi32, #tpu.memory_space<hbm>>
      %dma_start3A_83 = tpu.memref_squeeze %dma_start3A_82 : memref<1x1x40x128xi32, #tpu.memory_space<hbm>> -> memref<40x128xi32, #tpu.memory_space<hbm>>
      tpu.enqueue_dma source(%dma_start3A_83 : memref<40x128xi32, #tpu.memory_space<hbm>>) target(%arg5 : memref<40x128xi32, #tpu.memory_space<vmem>>) target_semaphore(%run_scoped3A_75 : memref<!tpu.dma_semaphore, #tpu.memory_space<semaphore_mem>>)
      %dma_wait3A = arith.constant 0 : i32
      %dma_wait3A_84 = arith.constant 0 : i32
      %dma_wait3A_85 = tpu.memref_slice %arg3[%run_scoped3A_29, %add3A, %dma_wait3A, %dma_wait3A_84] : memref<2x32x80x128xi32, #tpu.memory_space<hbm>> -> memref<1x1x40x128xi32, #tpu.memory_space<hbm>>
      %dma_wait3A_86 = tpu.memref_squeeze %dma_wait3A_85 : memref<1x1x40x128xi32, #tpu.memory_space<hbm>> -> memref<40x128xi32, #tpu.memory_space<hbm>>
      %dma_wait3A_87 = arith.constant 0 : i32
      %dma_wait3A_88 = arith.constant 0 : i32
      %dma_wait3A_89 = tpu.memref_slice %arg3[%run_scoped3A_29, %add3A, %dma_wait3A_87, %dma_wait3A_88] : memref<2x32x80x128xi32, #tpu.memory_space<hbm>> -> memref<1x1x40x128xi32, #tpu.memory_space<hbm>>
      %dma_wait3A_90 = tpu.memref_squeeze %dma_wait3A_89 : memref<1x1x40x128xi32, #tpu.memory_space<hbm>> -> memref<40x128xi32, #tpu.memory_space<hbm>>
      tpu.wait_dma2 semaphore(%run_scoped3A_75 : memref<!tpu.dma_semaphore, #tpu.memory_space<semaphore_mem>>) src(%dma_wait3A_90 : memref<40x128xi32, #tpu.memory_space<hbm>>) dst(%arg5 : memref<40x128xi32, #tpu.memory_space<vmem>>)
      tpu.yield
    }) : () -> ()
    %run_scoped3A_30 = arith.constant 1 : i32
    "tpu.region"() ({
      %run_scoped3A_75 = tpu.sem_alloc : memref<!tpu.dma_semaphore, #tpu.memory_space<semaphore_mem>>
      %dma_start3A_76 = arith.constant 0 : i32
      %dma_start3A_77 = arith.constant 0 : i32
      %dma_start3A_78 = tpu.memref_slice %arg3[%run_scoped3A_30, %add3A, %dma_start3A_76, %dma_start3A_77] : memref<2x32x80x128xi32, #tpu.memory_space<hbm>> -> memref<1x1x40x128xi32, #tpu.memory_space<hbm>>
      %dma_start3A_79 = tpu.memref_squeeze %dma_start3A_78 : memref<1x1x40x128xi32, #tpu.memory_space<hbm>> -> memref<40x128xi32, #tpu.memory_space<hbm>>
      %dma_start3A_80 = arith.constant 0 : i32
      %dma_start3A_81 = arith.constant 0 : i32
      %dma_start3A_82 = tpu.memref_slice %arg3[%run_scoped3A_30, %add3A, %dma_start3A_80, %dma_start3A_81] : memref<2x32x80x128xi32, #tpu.memory_space<hbm>> -> memref<1x1x40x128xi32, #tpu.memory_space<hbm>>
      %dma_start3A_83 = tpu.memref_squeeze %dma_start3A_82 : memref<1x1x40x128xi32, #tpu.memory_space<hbm>> -> memref<40x128xi32, #tpu.memory_space<hbm>>
      tpu.enqueue_dma source(%dma_start3A_83 : memref<40x128xi32, #tpu.memory_space<hbm>>) target(%arg6 : memref<40x128xi32, #tpu.memory_space<vmem>>) target_semaphore(%run_scoped3A_75 : memref<!tpu.dma_semaphore, #tpu.memory_space<semaphore_mem>>)
      %dma_wait3A = arith.constant 0 : i32
      %dma_wait3A_84 = arith.constant 0 : i32
      %dma_wait3A_85 = tpu.memref_slice %arg3[%run_scoped3A_30, %add3A, %dma_wait3A, %dma_wait3A_84] : memref<2x32x80x128xi32, #tpu.memory_space<hbm>> -> memref<1x1x40x128xi32, #tpu.memory_space<hbm>>
      %dma_wait3A_86 = tpu.memref_squeeze %dma_wait3A_85 : memref<1x1x40x128xi32, #tpu.memory_space<hbm>> -> memref<40x128xi32, #tpu.memory_space<hbm>>
      %dma_wait3A_87 = arith.constant 0 : i32
      %dma_wait3A_88 = arith.constant 0 : i32
      %dma_wait3A_89 = tpu.memref_slice %arg3[%run_scoped3A_30, %add3A, %dma_wait3A_87, %dma_wait3A_88] : memref<2x32x80x128xi32, #tpu.memory_space<hbm>> -> memref<1x1x40x128xi32, #tpu.memory_space<hbm>>
      %dma_wait3A_90 = tpu.memref_squeeze %dma_wait3A_89 : memref<1x1x40x128xi32, #tpu.memory_space<hbm>> -> memref<40x128xi32, #tpu.memory_space<hbm>>
      tpu.wait_dma2 semaphore(%run_scoped3A_75 : memref<!tpu.dma_semaphore, #tpu.memory_space<semaphore_mem>>) src(%dma_wait3A_90 : memref<40x128xi32, #tpu.memory_space<hbm>>) dst(%arg6 : memref<40x128xi32, #tpu.memory_space<vmem>>)
      tpu.yield
    }) : () -> ()
    %dma_start3A = arith.constant 0 : i32
    %dma_start3A_31 = arith.constant 0 : i32
    %dma_start3A_32 = arith.constant 0 : i32
    %dma_start3A_33 = arith.constant 0 : i32
    %dma_start3A_34 = tpu.memref_slice %arg7[%dma_start3A_31, %dma_start3A_32, %dma_start3A_33] : memref<2x128x128xf32, #tpu.memory_space<vmem>> -> memref<1x128x128xf32, #tpu.memory_space<vmem>>
    %dma_start3A_35 = tpu.memref_squeeze %dma_start3A_34 : memref<1x128x128xf32, #tpu.memory_space<vmem>> -> memref<128x128xf32, #tpu.memory_space<vmem>>
    %dma_start3A_36 = arith.constant 0 : i32
    %dma_start3A_37 = tpu.memref_slice %arg5[%dma_start3A, %dma_start3A_36] : memref<40x128xi32, #tpu.memory_space<vmem>> -> memref<1x128xi32, #tpu.memory_space<vmem>>
    %dma_start3A_38 = tpu.memref_squeeze %dma_start3A_37 : memref<1x128xi32, #tpu.memory_space<vmem>> -> memref<128xi32, #tpu.memory_space<vmem>>
    %dma_start3A_39 = arith.constant 0 : i32
    %dma_start3A_40 = arith.constant 0 : i32
    %dma_start3A_41 = tpu.memref_slice %arg2[%dma_start3A_39, %dma_start3A_40] : memref<10240x128xf32, #tpu.memory_space<hbm>> -> memref<10240x128xf32, #tpu.memory_space<hbm>>
    tpu.enqueue_indirect_dma source(%dma_start3A_41 : memref<10240x128xf32, #tpu.memory_space<hbm>>) target(%dma_start3A_35 : memref<128x128xf32, #tpu.memory_space<vmem>>) offsets(%dma_start3A_38 : memref<128xi32, #tpu.memory_space<vmem>>) semaphore(%arg8 : memref<!tpu.dma_semaphore, #tpu.memory_space<semaphore_mem>>)
    %scan3A_42 = arith.constant 1 : i32
    %scan3A_43 = arith.constant 0 : i32
    %scan3A_44 = arith.constant 0 : i32
    %scan3A_45 = arith.constant 20 : i32
    %scan3A_46 = arith.addi %scan3A_44, %scan3A_45 : i32
    %scan3A_47 = arith.constant 1 : i32
    scf.for %scan3A_75 = %scan3A_44 to %scan3A_46 step %scan3A_47  : i32 {
      %mul3A_76 = arith.constant 2 : i32
      %mul3A_77 = arith.muli %mul3A_76, %scan3A_75 : i32
      %add3A_78 = arith.constant 1 : i32
      %add3A_79 = arith.addi %mul3A_77, %add3A_78 : i32
      %dma_start3A_80 = arith.constant 0 : i32
      %dma_start3A_81 = arith.constant 0 : i32
      %dma_start3A_82 = tpu.memref_slice %arg7[%scan3A_42, %dma_start3A_80, %dma_start3A_81] : memref<2x128x128xf32, #tpu.memory_space<vmem>> -> memref<1x128x128xf32, #tpu.memory_space<vmem>>
      %dma_start3A_83 = tpu.memref_squeeze %dma_start3A_82 : memref<1x128x128xf32, #tpu.memory_space<vmem>> -> memref<128x128xf32, #tpu.memory_space<vmem>>
      %dma_start3A_84 = arith.constant 0 : i32
      %dma_start3A_85 = tpu.memref_slice %arg5[%add3A_79, %dma_start3A_84] : memref<40x128xi32, #tpu.memory_space<vmem>> -> memref<1x128xi32, #tpu.memory_space<vmem>>
      %dma_start3A_86 = tpu.memref_squeeze %dma_start3A_85 : memref<1x128xi32, #tpu.memory_space<vmem>> -> memref<128xi32, #tpu.memory_space<vmem>>
      %dma_start3A_87 = arith.constant 0 : i32
      %dma_start3A_88 = arith.constant 0 : i32
      %dma_start3A_89 = tpu.memref_slice %arg2[%dma_start3A_87, %dma_start3A_88] : memref<10240x128xf32, #tpu.memory_space<hbm>> -> memref<10240x128xf32, #tpu.memory_space<hbm>>
      tpu.enqueue_indirect_dma source(%dma_start3A_89 : memref<10240x128xf32, #tpu.memory_space<hbm>>) target(%dma_start3A_83 : memref<128x128xf32, #tpu.memory_space<vmem>>) offsets(%dma_start3A_86 : memref<128xi32, #tpu.memory_space<vmem>>) semaphore(%arg9 : memref<!tpu.dma_semaphore, #tpu.memory_space<semaphore_mem>>)
      %dma_wait3A = arith.constant 0 : i32
      %dma_wait3A_90 = arith.constant 0 : i32
      %dma_wait3A_91 = tpu.memref_slice %arg7[%scan3A_43, %dma_wait3A, %dma_wait3A_90] : memref<2x128x128xf32, #tpu.memory_space<vmem>> -> memref<1x128x128xf32, #tpu.memory_space<vmem>>
      %dma_wait3A_92 = tpu.memref_squeeze %dma_wait3A_91 : memref<1x128x128xf32, #tpu.memory_space<vmem>> -> memref<128x128xf32, #tpu.memory_space<vmem>>
      %dma_wait3A_93 = arith.constant 0 : i32
      %dma_wait3A_94 = tpu.memref_slice %arg5[%mul3A_77, %dma_wait3A_93] : memref<40x128xi32, #tpu.memory_space<vmem>> -> memref<1x128xi32, #tpu.memory_space<vmem>>
      %dma_wait3A_95 = tpu.memref_squeeze %dma_wait3A_94 : memref<1x128xi32, #tpu.memory_space<vmem>> -> memref<128xi32, #tpu.memory_space<vmem>>
      %dma_wait3A_96 = arith.constant 0 : i32
      %dma_wait3A_97 = arith.constant 0 : i32
      %dma_wait3A_98 = tpu.memref_slice %arg2[%dma_wait3A_96, %dma_wait3A_97] : memref<10240x128xf32, #tpu.memory_space<hbm>> -> memref<10240x128xf32, #tpu.memory_space<hbm>>
      tpu.wait_indirect_dma semaphore(%arg8 : memref<!tpu.dma_semaphore, #tpu.memory_space<semaphore_mem>>) src(%dma_wait3A_98 : memref<10240x128xf32, #tpu.memory_space<hbm>>) dst(%dma_wait3A_92 : memref<128x128xf32, #tpu.memory_space<vmem>>)
      "tpu.region"() ({
        %run_scoped3A_115 = tpu.sem_alloc : memref<!tpu.dma_semaphore, #tpu.memory_space<semaphore_mem>>
        %dma_start3A_116 = arith.constant 0 : i32
        %dma_start3A_117 = arith.constant 0 : i32
        %dma_start3A_118 = tpu.memref_slice %arg7[%scan3A_43, %dma_start3A_116, %dma_start3A_117] : memref<2x128x128xf32, #tpu.memory_space<vmem>> -> memref<1x128x128xf32, #tpu.memory_space<vmem>>
        %dma_start3A_119 = tpu.memref_squeeze %dma_start3A_118 : memref<1x128x128xf32, #tpu.memory_space<vmem>> -> memref<128x128xf32, #tpu.memory_space<vmem>>
        %dma_start3A_120 = arith.constant 0 : i32
        %dma_start3A_121 = tpu.memref_slice %arg6[%mul3A_77, %dma_start3A_120] : memref<40x128xi32, #tpu.memory_space<vmem>> -> memref<1x128xi32, #tpu.memory_space<vmem>>
        %dma_start3A_122 = tpu.memref_squeeze %dma_start3A_121 : memref<1x128xi32, #tpu.memory_space<vmem>> -> memref<128xi32, #tpu.memory_space<vmem>>
        %dma_start3A_123 = arith.constant 0 : i32
        %dma_start3A_124 = arith.constant 0 : i32
        %dma_start3A_125 = tpu.memref_slice %arg10[%dma_start3A_123, %dma_start3A_124] : memref<10240x128xf32, #tpu.memory_space<vmem_shared>> -> memref<10240x128xf32, #tpu.memory_space<vmem_shared>>
        tpu.enqueue_indirect_dma source(%dma_start3A_119 : memref<128x128xf32, #tpu.memory_space<vmem>>) target(%dma_start3A_125 : memref<10240x128xf32, #tpu.memory_space<vmem_shared>>) offsets(%dma_start3A_122 : memref<128xi32, #tpu.memory_space<vmem>>) semaphore(%run_scoped3A_115 : memref<!tpu.dma_semaphore, #tpu.memory_space<semaphore_mem>>) {add = true}
        %dma_wait3A_126 = arith.constant 0 : i32
        %dma_wait3A_127 = arith.constant 0 : i32
        %dma_wait3A_128 = tpu.memref_slice %arg7[%scan3A_43, %dma_wait3A_126, %dma_wait3A_127] : memref<2x128x128xf32, #tpu.memory_space<vmem>> -> memref<1x128x128xf32, #tpu.memory_space<vmem>>
        %dma_wait3A_129 = tpu.memref_squeeze %dma_wait3A_128 : memref<1x128x128xf32, #tpu.memory_space<vmem>> -> memref<128x128xf32, #tpu.memory_space<vmem>>
        %dma_wait3A_130 = arith.constant 0 : i32
        %dma_wait3A_131 = tpu.memref_slice %arg6[%mul3A_77, %dma_wait3A_130] : memref<40x128xi32, #tpu.memory_space<vmem>> -> memref<1x128xi32, #tpu.memory_space<vmem>>
        %dma_wait3A_132 = tpu.memref_squeeze %dma_wait3A_131 : memref<1x128xi32, #tpu.memory_space<vmem>> -> memref<128xi32, #tpu.memory_space<vmem>>
        %dma_wait3A_133 = arith.constant 0 : i32
        %dma_wait3A_134 = arith.constant 0 : i32
        %dma_wait3A_135 = tpu.memref_slice %arg10[%dma_wait3A_133, %dma_wait3A_134] : memref<10240x128xf32, #tpu.memory_space<vmem_shared>> -> memref<10240x128xf32, #tpu.memory_space<vmem_shared>>
        tpu.wait_indirect_dma semaphore(%run_scoped3A_115 : memref<!tpu.dma_semaphore, #tpu.memory_space<semaphore_mem>>) src(%dma_wait3A_129 : memref<128x128xf32, #tpu.memory_space<vmem>>) dst(%dma_wait3A_135 : memref<10240x128xf32, #tpu.memory_space<vmem_shared>>)
        tpu.yield
      }) : () -> ()
      %lt3A = arith.constant 19 : i32
      %lt3A_99 = arith.cmpi slt, %scan3A_75, %lt3A : i32
      %convert_element_type3A = arith.extui %lt3A_99 : i1 to i32
      %cond3A = arith.constant 0 : i32
      %cond3A_100 = arith.cmpi ne, %convert_element_type3A, %cond3A : i32
      scf.if %cond3A_100 {
        %add3A_115 = arith.constant 2 : i32
        %add3A_116 = arith.addi %mul3A_77, %add3A_115 : i32
        %dma_start3A_117 = arith.constant 0 : i32
        %dma_start3A_118 = arith.constant 0 : i32
        %dma_start3A_119 = tpu.memref_slice %arg7[%scan3A_43, %dma_start3A_117, %dma_start3A_118] : memref<2x128x128xf32, #tpu.memory_space<vmem>> -> memref<1x128x128xf32, #tpu.memory_space<vmem>>
        %dma_start3A_120 = tpu.memref_squeeze %dma_start3A_119 : memref<1x128x128xf32, #tpu.memory_space<vmem>> -> memref<128x128xf32, #tpu.memory_space<vmem>>
        %dma_start3A_121 = arith.constant 0 : i32
        %dma_start3A_122 = tpu.memref_slice %arg5[%add3A_116, %dma_start3A_121] : memref<40x128xi32, #tpu.memory_space<vmem>> -> memref<1x128xi32, #tpu.memory_space<vmem>>
        %dma_start3A_123 = tpu.memref_squeeze %dma_start3A_122 : memref<1x128xi32, #tpu.memory_space<vmem>> -> memref<128xi32, #tpu.memory_space<vmem>>
        %dma_start3A_124 = arith.constant 0 : i32
        %dma_start3A_125 = arith.constant 0 : i32
        %dma_start3A_126 = tpu.memref_slice %arg2[%dma_start3A_124, %dma_start3A_125] : memref<10240x128xf32, #tpu.memory_space<hbm>> -> memref<10240x128xf32, #tpu.memory_space<hbm>>
        tpu.enqueue_indirect_dma source(%dma_start3A_126 : memref<10240x128xf32, #tpu.memory_space<hbm>>) target(%dma_start3A_120 : memref<128x128xf32, #tpu.memory_space<vmem>>) offsets(%dma_start3A_123 : memref<128xi32, #tpu.memory_space<vmem>>) semaphore(%arg8 : memref<!tpu.dma_semaphore, #tpu.memory_space<semaphore_mem>>)
      } else {
      }
      %add3A_101 = arith.constant 1 : i32
      %add3A_102 = arith.addi %mul3A_77, %add3A_101 : i32
      %dma_wait3A_103 = arith.constant 0 : i32
      %dma_wait3A_104 = arith.constant 0 : i32
      %dma_wait3A_105 = tpu.memref_slice %arg7[%scan3A_42, %dma_wait3A_103, %dma_wait3A_104] : memref<2x128x128xf32, #tpu.memory_space<vmem>> -> memref<1x128x128xf32, #tpu.memory_space<vmem>>
      %dma_wait3A_106 = tpu.memref_squeeze %dma_wait3A_105 : memref<1x128x128xf32, #tpu.memory_space<vmem>> -> memref<128x128xf32, #tpu.memory_space<vmem>>
      %dma_wait3A_107 = arith.constant 0 : i32
      %dma_wait3A_108 = tpu.memref_slice %arg5[%add3A_102, %dma_wait3A_107] : memref<40x128xi32, #tpu.memory_space<vmem>> -> memref<1x128xi32, #tpu.memory_space<vmem>>
      %dma_wait3A_109 = tpu.memref_squeeze %dma_wait3A_108 : memref<1x128xi32, #tpu.memory_space<vmem>> -> memref<128xi32, #tpu.memory_space<vmem>>
      %dma_wait3A_110 = arith.constant 0 : i32
      %dma_wait3A_111 = arith.constant 0 : i32
      %dma_wait3A_112 = tpu.memref_slice %arg2[%dma_wait3A_110, %dma_wait3A_111] : memref<10240x128xf32, #tpu.memory_space<hbm>> -> memref<10240x128xf32, #tpu.memory_space<hbm>>
      tpu.wait_indirect_dma semaphore(%arg9 : memref<!tpu.dma_semaphore, #tpu.memory_space<semaphore_mem>>) src(%dma_wait3A_112 : memref<10240x128xf32, #tpu.memory_space<hbm>>) dst(%dma_wait3A_106 : memref<128x128xf32, #tpu.memory_space<vmem>>)
      %add3A_113 = arith.constant 1 : i32
      %add3A_114 = arith.addi %mul3A_77, %add3A_113 : i32
      "tpu.region"() ({
        %run_scoped3A_115 = tpu.sem_alloc : memref<!tpu.dma_semaphore, #tpu.memory_space<semaphore_mem>>
        %dma_start3A_116 = arith.constant 0 : i32
        %dma_start3A_117 = arith.constant 0 : i32
        %dma_start3A_118 = tpu.memref_slice %arg7[%scan3A_42, %dma_start3A_116, %dma_start3A_117] : memref<2x128x128xf32, #tpu.memory_space<vmem>> -> memref<1x128x128xf32, #tpu.memory_space<vmem>>
        %dma_start3A_119 = tpu.memref_squeeze %dma_start3A_118 : memref<1x128x128xf32, #tpu.memory_space<vmem>> -> memref<128x128xf32, #tpu.memory_space<vmem>>
        %dma_start3A_120 = arith.constant 0 : i32
        %dma_start3A_121 = tpu.memref_slice %arg6[%add3A_114, %dma_start3A_120] : memref<40x128xi32, #tpu.memory_space<vmem>> -> memref<1x128xi32, #tpu.memory_space<vmem>>
        %dma_start3A_122 = tpu.memref_squeeze %dma_start3A_121 : memref<1x128xi32, #tpu.memory_space<vmem>> -> memref<128xi32, #tpu.memory_space<vmem>>
        %dma_start3A_123 = arith.constant 0 : i32
        %dma_start3A_124 = arith.constant 0 : i32
        %dma_start3A_125 = tpu.memref_slice %arg10[%dma_start3A_123, %dma_start3A_124] : memref<10240x128xf32, #tpu.memory_space<vmem_shared>> -> memref<10240x128xf32, #tpu.memory_space<vmem_shared>>
        tpu.enqueue_indirect_dma source(%dma_start3A_119 : memref<128x128xf32, #tpu.memory_space<vmem>>) target(%dma_start3A_125 : memref<10240x128xf32, #tpu.memory_space<vmem_shared>>) offsets(%dma_start3A_122 : memref<128xi32, #tpu.memory_space<vmem>>) semaphore(%run_scoped3A_115 : memref<!tpu.dma_semaphore, #tpu.memory_space<semaphore_mem>>) {add = true}
        %dma_wait3A_126 = arith.constant 0 : i32
        %dma_wait3A_127 = arith.constant 0 : i32
        %dma_wait3A_128 = tpu.memref_slice %arg7[%scan3A_42, %dma_wait3A_126, %dma_wait3A_127] : memref<2x128x128xf32, #tpu.memory_space<vmem>> -> memref<1x128x128xf32, #tpu.memory_space<vmem>>
        %dma_wait3A_129 = tpu.memref_squeeze %dma_wait3A_128 : memref<1x128x128xf32, #tpu.memory_space<vmem>> -> memref<128x128xf32, #tpu.memory_space<vmem>>
        %dma_wait3A_130 = arith.constant 0 : i32
        %dma_wait3A_131 = tpu.memref_slice %arg6[%add3A_114, %dma_wait3A_130] : memref<40x128xi32, #tpu.memory_space<vmem>> -> memref<1x128xi32, #tpu.memory_space<vmem>>
        %dma_wait3A_132 = tpu.memref_squeeze %dma_wait3A_131 : memref<1x128xi32, #tpu.memory_space<vmem>> -> memref<128xi32, #tpu.memory_space<vmem>>
        %dma_wait3A_133 = arith.constant 0 : i32
        %dma_wait3A_134 = arith.constant 0 : i32
        %dma_wait3A_135 = tpu.memref_slice %arg10[%dma_wait3A_133, %dma_wait3A_134] : memref<10240x128xf32, #tpu.memory_space<vmem_shared>> -> memref<10240x128xf32, #tpu.memory_space<vmem_shared>>
        tpu.wait_indirect_dma semaphore(%run_scoped3A_115 : memref<!tpu.dma_semaphore, #tpu.memory_space<semaphore_mem>>) src(%dma_wait3A_129 : memref<128x128xf32, #tpu.memory_space<vmem>>) dst(%dma_wait3A_135 : memref<10240x128xf32, #tpu.memory_space<vmem_shared>>)
        tpu.yield
      }) : () -> ()
    }
    %scan3A_48 = arith.constant 20 : i32
    %run_scoped3A_49 = arith.constant 0 : i32
    "tpu.region"() ({
      %run_scoped3A_75 = tpu.sem_alloc : memref<!tpu.dma_semaphore, #tpu.memory_space<semaphore_mem>>
      %dma_start3A_76 = arith.constant 40 : i32
      %dma_start3A_77 = arith.constant 0 : i32
      %dma_start3A_78 = tpu.memref_slice %arg3[%run_scoped3A_49, %add3A, %dma_start3A_76, %dma_start3A_77] : memref<2x32x80x128xi32, #tpu.memory_space<hbm>> -> memref<1x1x40x128xi32, #tpu.memory_space<hbm>>
      %dma_start3A_79 = tpu.memref_squeeze %dma_start3A_78 : memref<1x1x40x128xi32, #tpu.memory_space<hbm>> -> memref<40x128xi32, #tpu.memory_space<hbm>>
      %dma_start3A_80 = arith.constant 40 : i32
      %dma_start3A_81 = arith.constant 0 : i32
      %dma_start3A_82 = tpu.memref_slice %arg3[%run_scoped3A_49, %add3A, %dma_start3A_80, %dma_start3A_81] : memref<2x32x80x128xi32, #tpu.memory_space<hbm>> -> memref<1x1x40x128xi32, #tpu.memory_space<hbm>>
      %dma_start3A_83 = tpu.memref_squeeze %dma_start3A_82 : memref<1x1x40x128xi32, #tpu.memory_space<hbm>> -> memref<40x128xi32, #tpu.memory_space<hbm>>
      tpu.enqueue_dma source(%dma_start3A_83 : memref<40x128xi32, #tpu.memory_space<hbm>>) target(%arg5 : memref<40x128xi32, #tpu.memory_space<vmem>>) target_semaphore(%run_scoped3A_75 : memref<!tpu.dma_semaphore, #tpu.memory_space<semaphore_mem>>)
      %dma_wait3A = arith.constant 40 : i32
      %dma_wait3A_84 = arith.constant 0 : i32
      %dma_wait3A_85 = tpu.memref_slice %arg3[%run_scoped3A_49, %add3A, %dma_wait3A, %dma_wait3A_84] : memref<2x32x80x128xi32, #tpu.memory_space<hbm>> -> memref<1x1x40x128xi32, #tpu.memory_space<hbm>>
      %dma_wait3A_86 = tpu.memref_squeeze %dma_wait3A_85 : memref<1x1x40x128xi32, #tpu.memory_space<hbm>> -> memref<40x128xi32, #tpu.memory_space<hbm>>
      %dma_wait3A_87 = arith.constant 40 : i32
      %dma_wait3A_88 = arith.constant 0 : i32
      %dma_wait3A_89 = tpu.memref_slice %arg3[%run_scoped3A_49, %add3A, %dma_wait3A_87, %dma_wait3A_88] : memref<2x32x80x128xi32, #tpu.memory_space<hbm>> -> memref<1x1x40x128xi32, #tpu.memory_space<hbm>>
      %dma_wait3A_90 = tpu.memref_squeeze %dma_wait3A_89 : memref<1x1x40x128xi32, #tpu.memory_space<hbm>> -> memref<40x128xi32, #tpu.memory_space<hbm>>
      tpu.wait_dma2 semaphore(%run_scoped3A_75 : memref<!tpu.dma_semaphore, #tpu.memory_space<semaphore_mem>>) src(%dma_wait3A_90 : memref<40x128xi32, #tpu.memory_space<hbm>>) dst(%arg5 : memref<40x128xi32, #tpu.memory_space<vmem>>)
      tpu.yield
    }) : () -> ()
    %run_scoped3A_50 = arith.constant 1 : i32
    "tpu.region"() ({
      %run_scoped3A_75 = tpu.sem_alloc : memref<!tpu.dma_semaphore, #tpu.memory_space<semaphore_mem>>
      %dma_start3A_76 = arith.constant 40 : i32
      %dma_start3A_77 = arith.constant 0 : i32
      %dma_start3A_78 = tpu.memref_slice %arg3[%run_scoped3A_50, %add3A, %dma_start3A_76, %dma_start3A_77] : memref<2x32x80x128xi32, #tpu.memory_space<hbm>> -> memref<1x1x40x128xi32, #tpu.memory_space<hbm>>
      %dma_start3A_79 = tpu.memref_squeeze %dma_start3A_78 : memref<1x1x40x128xi32, #tpu.memory_space<hbm>> -> memref<40x128xi32, #tpu.memory_space<hbm>>
      %dma_start3A_80 = arith.constant 40 : i32
      %dma_start3A_81 = arith.constant 0 : i32
      %dma_start3A_82 = tpu.memref_slice %arg3[%run_scoped3A_50, %add3A, %dma_start3A_80, %dma_start3A_81] : memref<2x32x80x128xi32, #tpu.memory_space<hbm>> -> memref<1x1x40x128xi32, #tpu.memory_space<hbm>>
      %dma_start3A_83 = tpu.memref_squeeze %dma_start3A_82 : memref<1x1x40x128xi32, #tpu.memory_space<hbm>> -> memref<40x128xi32, #tpu.memory_space<hbm>>
      tpu.enqueue_dma source(%dma_start3A_83 : memref<40x128xi32, #tpu.memory_space<hbm>>) target(%arg6 : memref<40x128xi32, #tpu.memory_space<vmem>>) target_semaphore(%run_scoped3A_75 : memref<!tpu.dma_semaphore, #tpu.memory_space<semaphore_mem>>)
      %dma_wait3A = arith.constant 40 : i32
      %dma_wait3A_84 = arith.constant 0 : i32
      %dma_wait3A_85 = tpu.memref_slice %arg3[%run_scoped3A_50, %add3A, %dma_wait3A, %dma_wait3A_84] : memref<2x32x80x128xi32, #tpu.memory_space<hbm>> -> memref<1x1x40x128xi32, #tpu.memory_space<hbm>>
      %dma_wait3A_86 = tpu.memref_squeeze %dma_wait3A_85 : memref<1x1x40x128xi32, #tpu.memory_space<hbm>> -> memref<40x128xi32, #tpu.memory_space<hbm>>
      %dma_wait3A_87 = arith.constant 40 : i32
      %dma_wait3A_88 = arith.constant 0 : i32
      %dma_wait3A_89 = tpu.memref_slice %arg3[%run_scoped3A_50, %add3A, %dma_wait3A_87, %dma_wait3A_88] : memref<2x32x80x128xi32, #tpu.memory_space<hbm>> -> memref<1x1x40x128xi32, #tpu.memory_space<hbm>>
      %dma_wait3A_90 = tpu.memref_squeeze %dma_wait3A_89 : memref<1x1x40x128xi32, #tpu.memory_space<hbm>> -> memref<40x128xi32, #tpu.memory_space<hbm>>
      tpu.wait_dma2 semaphore(%run_scoped3A_75 : memref<!tpu.dma_semaphore, #tpu.memory_space<semaphore_mem>>) src(%dma_wait3A_90 : memref<40x128xi32, #tpu.memory_space<hbm>>) dst(%arg6 : memref<40x128xi32, #tpu.memory_space<vmem>>)
      tpu.yield
    }) : () -> ()
    %dma_start3A_51 = arith.constant 0 : i32
    %dma_start3A_52 = arith.constant 0 : i32
    %dma_start3A_53 = arith.constant 0 : i32
    %dma_start3A_54 = arith.constant 0 : i32
    %dma_start3A_55 = tpu.memref_slice %arg7[%dma_start3A_52, %dma_start3A_53, %dma_start3A_54] : memref<2x128x128xf32, #tpu.memory_space<vmem>> -> memref<1x128x128xf32, #tpu.memory_space<vmem>>
    %dma_start3A_56 = tpu.memref_squeeze %dma_start3A_55 : memref<1x128x128xf32, #tpu.memory_space<vmem>> -> memref<128x128xf32, #tpu.memory_space<vmem>>
    %dma_start3A_57 = arith.constant 0 : i32
    %dma_start3A_58 = tpu.memref_slice %arg5[%dma_start3A_51, %dma_start3A_57] : memref<40x128xi32, #tpu.memory_space<vmem>> -> memref<1x128xi32, #tpu.memory_space<vmem>>
    %dma_start3A_59 = tpu.memref_squeeze %dma_start3A_58 : memref<1x128xi32, #tpu.memory_space<vmem>> -> memref<128xi32, #tpu.memory_space<vmem>>
    %dma_start3A_60 = arith.constant 0 : i32
    %dma_start3A_61 = arith.constant 0 : i32
    %dma_start3A_62 = tpu.memref_slice %arg2[%dma_start3A_60, %dma_start3A_61] : memref<10240x128xf32, #tpu.memory_space<hbm>> -> memref<10240x128xf32, #tpu.memory_space<hbm>>
    tpu.enqueue_indirect_dma source(%dma_start3A_62 : memref<10240x128xf32, #tpu.memory_space<hbm>>) target(%dma_start3A_56 : memref<128x128xf32, #tpu.memory_space<vmem>>) offsets(%dma_start3A_59 : memref<128xi32, #tpu.memory_space<vmem>>) semaphore(%arg8 : memref<!tpu.dma_semaphore, #tpu.memory_space<semaphore_mem>>)
    %scan3A_63 = arith.constant 1 : i32
    %scan3A_64 = arith.constant 0 : i32
    %scan3A_65 = arith.constant 0 : i32
    %scan3A_66 = arith.constant 20 : i32
    %scan3A_67 = arith.addi %scan3A_65, %scan3A_66 : i32
    %scan3A_68 = arith.constant 1 : i32
    scf.for %scan3A_75 = %scan3A_65 to %scan3A_67 step %scan3A_68  : i32 {
      %mul3A_76 = arith.constant 2 : i32
      %mul3A_77 = arith.muli %mul3A_76, %scan3A_75 : i32
      %add3A_78 = arith.constant 1 : i32
      %add3A_79 = arith.addi %mul3A_77, %add3A_78 : i32
      %dma_start3A_80 = arith.constant 0 : i32
      %dma_start3A_81 = arith.constant 0 : i32
      %dma_start3A_82 = tpu.memref_slice %arg7[%scan3A_63, %dma_start3A_80, %dma_start3A_81] : memref<2x128x128xf32, #tpu.memory_space<vmem>> -> memref<1x128x128xf32, #tpu.memory_space<vmem>>
      %dma_start3A_83 = tpu.memref_squeeze %dma_start3A_82 : memref<1x128x128xf32, #tpu.memory_space<vmem>> -> memref<128x128xf32, #tpu.memory_space<vmem>>
      %dma_start3A_84 = arith.constant 0 : i32
      %dma_start3A_85 = tpu.memref_slice %arg5[%add3A_79, %dma_start3A_84] : memref<40x128xi32, #tpu.memory_space<vmem>> -> memref<1x128xi32, #tpu.memory_space<vmem>>
      %dma_start3A_86 = tpu.memref_squeeze %dma_start3A_85 : memref<1x128xi32, #tpu.memory_space<vmem>> -> memref<128xi32, #tpu.memory_space<vmem>>
      %dma_start3A_87 = arith.constant 0 : i32
      %dma_start3A_88 = arith.constant 0 : i32
      %dma_start3A_89 = tpu.memref_slice %arg2[%dma_start3A_87, %dma_start3A_88] : memref<10240x128xf32, #tpu.memory_space<hbm>> -> memref<10240x128xf32, #tpu.memory_space<hbm>>
      tpu.enqueue_indirect_dma source(%dma_start3A_89 : memref<10240x128xf32, #tpu.memory_space<hbm>>) target(%dma_start3A_83 : memref<128x128xf32, #tpu.memory_space<vmem>>) offsets(%dma_start3A_86 : memref<128xi32, #tpu.memory_space<vmem>>) semaphore(%arg9 : memref<!tpu.dma_semaphore, #tpu.memory_space<semaphore_mem>>)
      %dma_wait3A = arith.constant 0 : i32
      %dma_wait3A_90 = arith.constant 0 : i32
      %dma_wait3A_91 = tpu.memref_slice %arg7[%scan3A_64, %dma_wait3A, %dma_wait3A_90] : memref<2x128x128xf32, #tpu.memory_space<vmem>> -> memref<1x128x128xf32, #tpu.memory_space<vmem>>
      %dma_wait3A_92 = tpu.memref_squeeze %dma_wait3A_91 : memref<1x128x128xf32, #tpu.memory_space<vmem>> -> memref<128x128xf32, #tpu.memory_space<vmem>>
      %dma_wait3A_93 = arith.constant 0 : i32
      %dma_wait3A_94 = tpu.memref_slice %arg5[%mul3A_77, %dma_wait3A_93] : memref<40x128xi32, #tpu.memory_space<vmem>> -> memref<1x128xi32, #tpu.memory_space<vmem>>
      %dma_wait3A_95 = tpu.memref_squeeze %dma_wait3A_94 : memref<1x128xi32, #tpu.memory_space<vmem>> -> memref<128xi32, #tpu.memory_space<vmem>>
      %dma_wait3A_96 = arith.constant 0 : i32
      %dma_wait3A_97 = arith.constant 0 : i32
      %dma_wait3A_98 = tpu.memref_slice %arg2[%dma_wait3A_96, %dma_wait3A_97] : memref<10240x128xf32, #tpu.memory_space<hbm>> -> memref<10240x128xf32, #tpu.memory_space<hbm>>
      tpu.wait_indirect_dma semaphore(%arg8 : memref<!tpu.dma_semaphore, #tpu.memory_space<semaphore_mem>>) src(%dma_wait3A_98 : memref<10240x128xf32, #tpu.memory_space<hbm>>) dst(%dma_wait3A_92 : memref<128x128xf32, #tpu.memory_space<vmem>>)
      "tpu.region"() ({
        %run_scoped3A_115 = tpu.sem_alloc : memref<!tpu.dma_semaphore, #tpu.memory_space<semaphore_mem>>
        %dma_start3A_116 = arith.constant 0 : i32
        %dma_start3A_117 = arith.constant 0 : i32
        %dma_start3A_118 = tpu.memref_slice %arg7[%scan3A_64, %dma_start3A_116, %dma_start3A_117] : memref<2x128x128xf32, #tpu.memory_space<vmem>> -> memref<1x128x128xf32, #tpu.memory_space<vmem>>
        %dma_start3A_119 = tpu.memref_squeeze %dma_start3A_118 : memref<1x128x128xf32, #tpu.memory_space<vmem>> -> memref<128x128xf32, #tpu.memory_space<vmem>>
        %dma_start3A_120 = arith.constant 0 : i32
        %dma_start3A_121 = tpu.memref_slice %arg6[%mul3A_77, %dma_start3A_120] : memref<40x128xi32, #tpu.memory_space<vmem>> -> memref<1x128xi32, #tpu.memory_space<vmem>>
        %dma_start3A_122 = tpu.memref_squeeze %dma_start3A_121 : memref<1x128xi32, #tpu.memory_space<vmem>> -> memref<128xi32, #tpu.memory_space<vmem>>
        %dma_start3A_123 = arith.constant 0 : i32
        %dma_start3A_124 = arith.constant 0 : i32
        %dma_start3A_125 = tpu.memref_slice %arg10[%dma_start3A_123, %dma_start3A_124] : memref<10240x128xf32, #tpu.memory_space<vmem_shared>> -> memref<10240x128xf32, #tpu.memory_space<vmem_shared>>
        tpu.enqueue_indirect_dma source(%dma_start3A_119 : memref<128x128xf32, #tpu.memory_space<vmem>>) target(%dma_start3A_125 : memref<10240x128xf32, #tpu.memory_space<vmem_shared>>) offsets(%dma_start3A_122 : memref<128xi32, #tpu.memory_space<vmem>>) semaphore(%run_scoped3A_115 : memref<!tpu.dma_semaphore, #tpu.memory_space<semaphore_mem>>) {add = true}
        %dma_wait3A_126 = arith.constant 0 : i32
        %dma_wait3A_127 = arith.constant 0 : i32
        %dma_wait3A_128 = tpu.memref_slice %arg7[%scan3A_64, %dma_wait3A_126, %dma_wait3A_127] : memref<2x128x128xf32, #tpu.memory_space<vmem>> -> memref<1x128x128xf32, #tpu.memory_space<vmem>>
        %dma_wait3A_129 = tpu.memref_squeeze %dma_wait3A_128 : memref<1x128x128xf32, #tpu.memory_space<vmem>> -> memref<128x128xf32, #tpu.memory_space<vmem>>
        %dma_wait3A_130 = arith.constant 0 : i32
        %dma_wait3A_131 = tpu.memref_slice %arg6[%mul3A_77, %dma_wait3A_130] : memref<40x128xi32, #tpu.memory_space<vmem>> -> memref<1x128xi32, #tpu.memory_space<vmem>>
        %dma_wait3A_132 = tpu.memref_squeeze %dma_wait3A_131 : memref<1x128xi32, #tpu.memory_space<vmem>> -> memref<128xi32, #tpu.memory_space<vmem>>
        %dma_wait3A_133 = arith.constant 0 : i32
        %dma_wait3A_134 = arith.constant 0 : i32
        %dma_wait3A_135 = tpu.memref_slice %arg10[%dma_wait3A_133, %dma_wait3A_134] : memref<10240x128xf32, #tpu.memory_space<vmem_shared>> -> memref<10240x128xf32, #tpu.memory_space<vmem_shared>>
        tpu.wait_indirect_dma semaphore(%run_scoped3A_115 : memref<!tpu.dma_semaphore, #tpu.memory_space<semaphore_mem>>) src(%dma_wait3A_129 : memref<128x128xf32, #tpu.memory_space<vmem>>) dst(%dma_wait3A_135 : memref<10240x128xf32, #tpu.memory_space<vmem_shared>>)
        tpu.yield
      }) : () -> ()
      %lt3A = arith.constant 19 : i32
      %lt3A_99 = arith.cmpi slt, %scan3A_75, %lt3A : i32
      %convert_element_type3A = arith.extui %lt3A_99 : i1 to i32
      %cond3A = arith.constant 0 : i32
      %cond3A_100 = arith.cmpi ne, %convert_element_type3A, %cond3A : i32
      scf.if %cond3A_100 {
        %add3A_115 = arith.constant 2 : i32
        %add3A_116 = arith.addi %mul3A_77, %add3A_115 : i32
        %dma_start3A_117 = arith.constant 0 : i32
        %dma_start3A_118 = arith.constant 0 : i32
        %dma_start3A_119 = tpu.memref_slice %arg7[%scan3A_64, %dma_start3A_117, %dma_start3A_118] : memref<2x128x128xf32, #tpu.memory_space<vmem>> -> memref<1x128x128xf32, #tpu.memory_space<vmem>>
        %dma_start3A_120 = tpu.memref_squeeze %dma_start3A_119 : memref<1x128x128xf32, #tpu.memory_space<vmem>> -> memref<128x128xf32, #tpu.memory_space<vmem>>
        %dma_start3A_121 = arith.constant 0 : i32
        %dma_start3A_122 = tpu.memref_slice %arg5[%add3A_116, %dma_start3A_121] : memref<40x128xi32, #tpu.memory_space<vmem>> -> memref<1x128xi32, #tpu.memory_space<vmem>>
        %dma_start3A_123 = tpu.memref_squeeze %dma_start3A_122 : memref<1x128xi32, #tpu.memory_space<vmem>> -> memref<128xi32, #tpu.memory_space<vmem>>
        %dma_start3A_124 = arith.constant 0 : i32
        %dma_start3A_125 = arith.constant 0 : i32
        %dma_start3A_126 = tpu.memref_slice %arg2[%dma_start3A_124, %dma_start3A_125] : memref<10240x128xf32, #tpu.memory_space<hbm>> -> memref<10240x128xf32, #tpu.memory_space<hbm>>
        tpu.enqueue_indirect_dma source(%dma_start3A_126 : memref<10240x128xf32, #tpu.memory_space<hbm>>) target(%dma_start3A_120 : memref<128x128xf32, #tpu.memory_space<vmem>>) offsets(%dma_start3A_123 : memref<128xi32, #tpu.memory_space<vmem>>) semaphore(%arg8 : memref<!tpu.dma_semaphore, #tpu.memory_space<semaphore_mem>>)
      } else {
      }
      %add3A_101 = arith.constant 1 : i32
      %add3A_102 = arith.addi %mul3A_77, %add3A_101 : i32
      %dma_wait3A_103 = arith.constant 0 : i32
      %dma_wait3A_104 = arith.constant 0 : i32
      %dma_wait3A_105 = tpu.memref_slice %arg7[%scan3A_63, %dma_wait3A_103, %dma_wait3A_104] : memref<2x128x128xf32, #tpu.memory_space<vmem>> -> memref<1x128x128xf32, #tpu.memory_space<vmem>>
      %dma_wait3A_106 = tpu.memref_squeeze %dma_wait3A_105 : memref<1x128x128xf32, #tpu.memory_space<vmem>> -> memref<128x128xf32, #tpu.memory_space<vmem>>
      %dma_wait3A_107 = arith.constant 0 : i32
      %dma_wait3A_108 = tpu.memref_slice %arg5[%add3A_102, %dma_wait3A_107] : memref<40x128xi32, #tpu.memory_space<vmem>> -> memref<1x128xi32, #tpu.memory_space<vmem>>
      %dma_wait3A_109 = tpu.memref_squeeze %dma_wait3A_108 : memref<1x128xi32, #tpu.memory_space<vmem>> -> memref<128xi32, #tpu.memory_space<vmem>>
      %dma_wait3A_110 = arith.constant 0 : i32
      %dma_wait3A_111 = arith.constant 0 : i32
      %dma_wait3A_112 = tpu.memref_slice %arg2[%dma_wait3A_110, %dma_wait3A_111] : memref<10240x128xf32, #tpu.memory_space<hbm>> -> memref<10240x128xf32, #tpu.memory_space<hbm>>
      tpu.wait_indirect_dma semaphore(%arg9 : memref<!tpu.dma_semaphore, #tpu.memory_space<semaphore_mem>>) src(%dma_wait3A_112 : memref<10240x128xf32, #tpu.memory_space<hbm>>) dst(%dma_wait3A_106 : memref<128x128xf32, #tpu.memory_space<vmem>>)
      %add3A_113 = arith.constant 1 : i32
      %add3A_114 = arith.addi %mul3A_77, %add3A_113 : i32
      "tpu.region"() ({
        %run_scoped3A_115 = tpu.sem_alloc : memref<!tpu.dma_semaphore, #tpu.memory_space<semaphore_mem>>
        %dma_start3A_116 = arith.constant 0 : i32
        %dma_start3A_117 = arith.constant 0 : i32
        %dma_start3A_118 = tpu.memref_slice %arg7[%scan3A_63, %dma_start3A_116, %dma_start3A_117] : memref<2x128x128xf32, #tpu.memory_space<vmem>> -> memref<1x128x128xf32, #tpu.memory_space<vmem>>
        %dma_start3A_119 = tpu.memref_squeeze %dma_start3A_118 : memref<1x128x128xf32, #tpu.memory_space<vmem>> -> memref<128x128xf32, #tpu.memory_space<vmem>>
        %dma_start3A_120 = arith.constant 0 : i32
        %dma_start3A_121 = tpu.memref_slice %arg6[%add3A_114, %dma_start3A_120] : memref<40x128xi32, #tpu.memory_space<vmem>> -> memref<1x128xi32, #tpu.memory_space<vmem>>
        %dma_start3A_122 = tpu.memref_squeeze %dma_start3A_121 : memref<1x128xi32, #tpu.memory_space<vmem>> -> memref<128xi32, #tpu.memory_space<vmem>>
        %dma_start3A_123 = arith.constant 0 : i32
        %dma_start3A_124 = arith.constant 0 : i32
        %dma_start3A_125 = tpu.memref_slice %arg10[%dma_start3A_123, %dma_start3A_124] : memref<10240x128xf32, #tpu.memory_space<vmem_shared>> -> memref<10240x128xf32, #tpu.memory_space<vmem_shared>>
        tpu.enqueue_indirect_dma source(%dma_start3A_119 : memref<128x128xf32, #tpu.memory_space<vmem>>) target(%dma_start3A_125 : memref<10240x128xf32, #tpu.memory_space<vmem_shared>>) offsets(%dma_start3A_122 : memref<128xi32, #tpu.memory_space<vmem>>) semaphore(%run_scoped3A_115 : memref<!tpu.dma_semaphore, #tpu.memory_space<semaphore_mem>>) {add = true}
        %dma_wait3A_126 = arith.constant 0 : i32
        %dma_wait3A_127 = arith.constant 0 : i32
        %dma_wait3A_128 = tpu.memref_slice %arg7[%scan3A_63, %dma_wait3A_126, %dma_wait3A_127] : memref<2x128x128xf32, #tpu.memory_space<vmem>> -> memref<1x128x128xf32, #tpu.memory_space<vmem>>
        %dma_wait3A_129 = tpu.memref_squeeze %dma_wait3A_128 : memref<1x128x128xf32, #tpu.memory_space<vmem>> -> memref<128x128xf32, #tpu.memory_space<vmem>>
        %dma_wait3A_130 = arith.constant 0 : i32
        %dma_wait3A_131 = tpu.memref_slice %arg6[%add3A_114, %dma_wait3A_130] : memref<40x128xi32, #tpu.memory_space<vmem>> -> memref<1x128xi32, #tpu.memory_space<vmem>>
        %dma_wait3A_132 = tpu.memref_squeeze %dma_wait3A_131 : memref<1x128xi32, #tpu.memory_space<vmem>> -> memref<128xi32, #tpu.memory_space<vmem>>
        %dma_wait3A_133 = arith.constant 0 : i32
        %dma_wait3A_134 = arith.constant 0 : i32
        %dma_wait3A_135 = tpu.memref_slice %arg10[%dma_wait3A_133, %dma_wait3A_134] : memref<10240x128xf32, #tpu.memory_space<vmem_shared>> -> memref<10240x128xf32, #tpu.memory_space<vmem_shared>>
        tpu.wait_indirect_dma semaphore(%run_scoped3A_115 : memref<!tpu.dma_semaphore, #tpu.memory_space<semaphore_mem>>) src(%dma_wait3A_129 : memref<128x128xf32, #tpu.memory_space<vmem>>) dst(%dma_wait3A_135 : memref<10240x128xf32, #tpu.memory_space<vmem_shared>>)
        tpu.yield
      }) : () -> ()
    }
    %scan3A_69 = arith.constant 20 : i32
    %barrier3A_70 = arith.constant 0 : index
    tpu.barrier barrier_id(%barrier3A_70)
    %mul3A_71 = arith.constant 640 : i32
    %mul3A_72 = arith.muli %arg1, %mul3A_71 : i32
    %mul3A_73 = arith.constant 640 : i32
    %mul3A_74 = arith.muli %arg1, %mul3A_73 : i32
    "tpu.region"() ({
      %run_scoped3A_75 = tpu.sem_alloc : memref<!tpu.dma_semaphore, #tpu.memory_space<semaphore_mem>>
      %dma_start3A_76 = arith.constant 0 : i32
      %dma_start3A_77 = tpu.memref_slice %arg4[%arg0, %mul3A_74, %dma_start3A_76] : memref<2x10240x128xf32, #tpu.memory_space<hbm>> -> memref<1x640x128xf32, #tpu.memory_space<hbm>>
      %dma_start3A_78 = tpu.memref_squeeze %dma_start3A_77 : memref<1x640x128xf32, #tpu.memory_space<hbm>> -> memref<640x128xf32, #tpu.memory_space<hbm>>
      %dma_start3A_79 = arith.constant 0 : i32
      %dma_start3A_80 = tpu.memref_slice %arg10[%mul3A_72, %dma_start3A_79] : memref<10240x128xf32, #tpu.memory_space<vmem_shared>> -> memref<640x128xf32, #tpu.memory_space<vmem_shared>>
      tpu.enqueue_dma source(%dma_start3A_80 : memref<640x128xf32, #tpu.memory_space<vmem_shared>>) target(%dma_start3A_78 : memref<640x128xf32, #tpu.memory_space<hbm>>) target_semaphore(%run_scoped3A_75 : memref<!tpu.dma_semaphore, #tpu.memory_space<semaphore_mem>>)
      %dma_wait3A = arith.constant 0 : i32
      %dma_wait3A_81 = tpu.memref_slice %arg4[%arg0, %mul3A_74, %dma_wait3A] : memref<2x10240x128xf32, #tpu.memory_space<hbm>> -> memref<1x640x128xf32, #tpu.memory_space<hbm>>
      %dma_wait3A_82 = tpu.memref_squeeze %dma_wait3A_81 : memref<1x640x128xf32, #tpu.memory_space<hbm>> -> memref<640x128xf32, #tpu.memory_space<hbm>>
      %dma_wait3A_83 = arith.constant 0 : i32
      %dma_wait3A_84 = tpu.memref_slice %arg10[%mul3A_72, %dma_wait3A_83] : memref<10240x128xf32, #tpu.memory_space<vmem_shared>> -> memref<640x128xf32, #tpu.memory_space<vmem_shared>>
      tpu.wait_dma2 semaphore(%run_scoped3A_75 : memref<!tpu.dma_semaphore, #tpu.memory_space<semaphore_mem>>) src(%dma_wait3A_84 : memref<640x128xf32, #tpu.memory_space<vmem_shared>>) dst(%dma_wait3A_82 : memref<640x128xf32, #tpu.memory_space<hbm>>)
      tpu.yield
    }) : () -> ()
    return
  }
}

#map = affine_map<(d0, d1) -> (0, 0, 0, 0)>
#map1 = affine_map<(d0, d1) -> (0, 0)>
module attributes {stable_mosaic.version = 14 : i64} {
  func.func @_degree_body(%arg0: i32, %arg1: i32, %arg2: memref<2x16x160x128xi32, #tpu.memory_space<hbm>>, %arg3: memref<2x10240xf32, #tpu.memory_space<hbm>>, %arg4: memref<160x128xi32, #tpu.memory_space<vmem>>, %arg5: memref<128xf32, #tpu.memory_space<vmem>>, %arg6: memref<656xf32, #tpu.memory_space<vmem>>, %arg7: memref<640xf32, #tpu.memory_space<vmem>>, %arg8: memref<!tpu.dma_semaphore, #tpu.memory_space<semaphore_mem>>, %arg9: memref<10496xf32, #tpu.memory_space<vmem_shared>>) attributes {dimension_semantics = [#tpu.dimension_semantics<core_parallel>, #tpu.dimension_semantics<subcore_parallel>], iteration_bounds = array<i64: 2, 16>, scalar_prefetch = 0 : i64, scratch_operands = 6 : i64, tpu.core_type = #tpu.core_type<sc_vector_subcore>, window_params = [{transform_indices = #map}, {transform_indices = #map1}]} {
    "tpu.region"() ({
      %run_scoped3A = tpu.sem_alloc : memref<!tpu.dma_semaphore, #tpu.memory_space<semaphore_mem>>
      %dma_start3A = arith.constant 0 : i32
      %dma_start3A_25 = arith.constant 0 : i32
      %dma_start3A_26 = tpu.memref_slice %arg2[%arg0, %arg1, %dma_start3A, %dma_start3A_25] : memref<2x16x160x128xi32, #tpu.memory_space<hbm>> -> memref<1x1x160x128xi32, #tpu.memory_space<hbm>>
      %dma_start3A_27 = tpu.memref_squeeze %dma_start3A_26 : memref<1x1x160x128xi32, #tpu.memory_space<hbm>> -> memref<160x128xi32, #tpu.memory_space<hbm>>
      %dma_start3A_28 = arith.constant 0 : i32
      %dma_start3A_29 = arith.constant 0 : i32
      %dma_start3A_30 = tpu.memref_slice %arg2[%arg0, %arg1, %dma_start3A_28, %dma_start3A_29] : memref<2x16x160x128xi32, #tpu.memory_space<hbm>> -> memref<1x1x160x128xi32, #tpu.memory_space<hbm>>
      %dma_start3A_31 = tpu.memref_squeeze %dma_start3A_30 : memref<1x1x160x128xi32, #tpu.memory_space<hbm>> -> memref<160x128xi32, #tpu.memory_space<hbm>>
      tpu.enqueue_dma source(%dma_start3A_31 : memref<160x128xi32, #tpu.memory_space<hbm>>) target(%arg4 : memref<160x128xi32, #tpu.memory_space<vmem>>) target_semaphore(%run_scoped3A : memref<!tpu.dma_semaphore, #tpu.memory_space<semaphore_mem>>)
      %dma_wait3A = arith.constant 0 : i32
      %dma_wait3A_32 = arith.constant 0 : i32
      %dma_wait3A_33 = tpu.memref_slice %arg2[%arg0, %arg1, %dma_wait3A, %dma_wait3A_32] : memref<2x16x160x128xi32, #tpu.memory_space<hbm>> -> memref<1x1x160x128xi32, #tpu.memory_space<hbm>>
      %dma_wait3A_34 = tpu.memref_squeeze %dma_wait3A_33 : memref<1x1x160x128xi32, #tpu.memory_space<hbm>> -> memref<160x128xi32, #tpu.memory_space<hbm>>
      %dma_wait3A_35 = arith.constant 0 : i32
      %dma_wait3A_36 = arith.constant 0 : i32
      %dma_wait3A_37 = tpu.memref_slice %arg2[%arg0, %arg1, %dma_wait3A_35, %dma_wait3A_36] : memref<2x16x160x128xi32, #tpu.memory_space<hbm>> -> memref<1x1x160x128xi32, #tpu.memory_space<hbm>>
      %dma_wait3A_38 = tpu.memref_squeeze %dma_wait3A_37 : memref<1x1x160x128xi32, #tpu.memory_space<hbm>> -> memref<160x128xi32, #tpu.memory_space<hbm>>
      tpu.wait_dma2 semaphore(%run_scoped3A : memref<!tpu.dma_semaphore, #tpu.memory_space<semaphore_mem>>) src(%dma_wait3A_38 : memref<160x128xi32, #tpu.memory_space<hbm>>) dst(%arg4 : memref<160x128xi32, #tpu.memory_space<vmem>>)
      tpu.yield
    }) : () -> ()
    %scan3A = arith.constant 0 : i32
    %scan3A_0 = arith.constant 8 : i32
    %scan3A_1 = arith.addi %scan3A, %scan3A_0 : i32
    %scan3A_2 = arith.constant 1 : i32
    scf.for %scan3A_25 = %scan3A to %scan3A_1 step %scan3A_2  : i32 {
      %broadcast_in_dim3A = arith.constant 1.000000e+00 : f32
      %broadcast_in_dim3A_26 = vector.broadcast %broadcast_in_dim3A : f32 to vector<16xf32>
      %mul3A_27 = arith.constant 16 : i32
      %mul3A_28 = arith.muli %scan3A_25, %mul3A_27 : i32
      %swap3A = arith.index_cast %mul3A_28 : i32 to index
      %swap3A_29 = tpu.vector_load %arg5[%swap3A] {strides = array<i32>} : memref<128xf32, #tpu.memory_space<vmem>>, vector<16xf32>,
      %swap3A_30 = vector.shape_cast %swap3A_29 : vector<16xf32> to vector<16xf32>
      %swap3A_31 = vector.shape_cast %broadcast_in_dim3A_26 : vector<16xf32> to vector<16xf32>
      tpu.vector_store %arg5[%swap3A], %swap3A_31 {strides = array<i32>} : memref<128xf32, #tpu.memory_space<vmem>>, vector<16xf32>,
    }
    %scan3A_3 = arith.constant 8 : i32
    %scan3A_4 = arith.constant 0 : i32
    %scan3A_5 = arith.constant 41 : i32
    %scan3A_6 = arith.addi %scan3A_4, %scan3A_5 : i32
    %scan3A_7 = arith.constant 1 : i32
    scf.for %scan3A_25 = %scan3A_4 to %scan3A_6 step %scan3A_7  : i32 {
      %broadcast_in_dim3A = arith.constant 1.000000e+00 : f32
      %broadcast_in_dim3A_26 = vector.broadcast %broadcast_in_dim3A : f32 to vector<16xf32>
      %mul3A_27 = arith.constant 16 : i32
      %mul3A_28 = arith.muli %scan3A_25, %mul3A_27 : i32
      %swap3A = arith.index_cast %mul3A_28 : i32 to index
      %swap3A_29 = tpu.vector_load %arg6[%swap3A] {strides = array<i32>} : memref<656xf32, #tpu.memory_space<vmem>>, vector<16xf32>,
      %swap3A_30 = vector.shape_cast %swap3A_29 : vector<16xf32> to vector<16xf32>
      %swap3A_31 = vector.shape_cast %broadcast_in_dim3A_26 : vector<16xf32> to vector<16xf32>
      tpu.vector_store %arg6[%swap3A], %swap3A_31 {strides = array<i32>} : memref<656xf32, #tpu.memory_space<vmem>>, vector<16xf32>,
    }
    %scan3A_8 = arith.constant 41 : i32
    %mul3A = arith.constant 656 : i32
    %mul3A_9 = arith.muli %arg1, %mul3A : i32
    "tpu.region"() ({
      %run_scoped3A = tpu.sem_alloc : memref<!tpu.dma_semaphore, #tpu.memory_space<semaphore_mem>>
      %dma_start3A = tpu.memref_slice %arg9[%mul3A_9] : memref<10496xf32, #tpu.memory_space<vmem_shared>> -> memref<656xf32, #tpu.memory_space<vmem_shared>>
      %dma_start3A_25 = tpu.memref_slice %arg9[%mul3A_9] : memref<10496xf32, #tpu.memory_space<vmem_shared>> -> memref<656xf32, #tpu.memory_space<vmem_shared>>
      tpu.enqueue_dma source(%arg6 : memref<656xf32, #tpu.memory_space<vmem>>) target(%dma_start3A_25 : memref<656xf32, #tpu.memory_space<vmem_shared>>) target_semaphore(%run_scoped3A : memref<!tpu.dma_semaphore, #tpu.memory_space<semaphore_mem>>)
      %dma_wait3A = tpu.memref_slice %arg9[%mul3A_9] : memref<10496xf32, #tpu.memory_space<vmem_shared>> -> memref<656xf32, #tpu.memory_space<vmem_shared>>
      %dma_wait3A_26 = tpu.memref_slice %arg9[%mul3A_9] : memref<10496xf32, #tpu.memory_space<vmem_shared>> -> memref<656xf32, #tpu.memory_space<vmem_shared>>
      tpu.wait_dma2 semaphore(%run_scoped3A : memref<!tpu.dma_semaphore, #tpu.memory_space<semaphore_mem>>) src(%arg6 : memref<656xf32, #tpu.memory_space<vmem>>) dst(%dma_wait3A_26 : memref<656xf32, #tpu.memory_space<vmem_shared>>)
      tpu.yield
    }) : () -> ()
    %barrier3A = arith.constant 0 : index
    tpu.barrier barrier_id(%barrier3A)
    %scan3A_10 = arith.constant 0 : i32
    %scan3A_11 = arith.constant 10 : i32
    %scan3A_12 = arith.addi %scan3A_10, %scan3A_11 : i32
    %scan3A_13 = arith.constant 1 : i32
    scf.for %scan3A_25 = %scan3A_10 to %scan3A_12 step %scan3A_13  : i32 {
      %mul3A_26 = arith.constant 16 : i32
      %mul3A_27 = arith.muli %scan3A_25, %mul3A_26 : i32
      %add3A = arith.constant 0 : i32
      %add3A_28 = arith.addi %mul3A_27, %add3A : i32
      %dma_start3A = arith.constant 0 : i32
      %dma_start3A_29 = tpu.memref_slice %arg4[%add3A_28, %dma_start3A] : memref<160x128xi32, #tpu.memory_space<vmem>> -> memref<1x128xi32, #tpu.memory_space<vmem>>
      %dma_start3A_30 = tpu.memref_squeeze %dma_start3A_29 : memref<1x128xi32, #tpu.memory_space<vmem>> -> memref<128xi32, #tpu.memory_space<vmem>>
      %dma_start3A_31 = arith.constant 0 : i32
      %dma_start3A_32 = tpu.memref_slice %arg9[%dma_start3A_31] : memref<10496xf32, #tpu.memory_space<vmem_shared>> -> memref<10496xf32, #tpu.memory_space<vmem_shared>>
      tpu.enqueue_indirect_dma source(%arg5 : memref<128xf32, #tpu.memory_space<vmem>>) target(%dma_start3A_32 : memref<10496xf32, #tpu.memory_space<vmem_shared>>) offsets(%dma_start3A_30 : memref<128xi32, #tpu.memory_space<vmem>>) semaphore(%arg8 : memref<!tpu.dma_semaphore, #tpu.memory_space<semaphore_mem>>) {add = true}
      %mul3A_33 = arith.constant 16 : i32
      %mul3A_34 = arith.muli %scan3A_25, %mul3A_33 : i32
      %add3A_35 = arith.constant 1 : i32
      %add3A_36 = arith.addi %mul3A_34, %add3A_35 : i32
      %dma_start3A_37 = arith.constant 0 : i32
      %dma_start3A_38 = tpu.memref_slice %arg4[%add3A_36, %dma_start3A_37] : memref<160x128xi32, #tpu.memory_space<vmem>> -> memref<1x128xi32, #tpu.memory_space<vmem>>
      %dma_start3A_39 = tpu.memref_squeeze %dma_start3A_38 : memref<1x128xi32, #tpu.memory_space<vmem>> -> memref<128xi32, #tpu.memory_space<vmem>>
      %dma_start3A_40 = arith.constant 0 : i32
      %dma_start3A_41 = tpu.memref_slice %arg9[%dma_start3A_40] : memref<10496xf32, #tpu.memory_space<vmem_shared>> -> memref<10496xf32, #tpu.memory_space<vmem_shared>>
      tpu.enqueue_indirect_dma source(%arg5 : memref<128xf32, #tpu.memory_space<vmem>>) target(%dma_start3A_41 : memref<10496xf32, #tpu.memory_space<vmem_shared>>) offsets(%dma_start3A_39 : memref<128xi32, #tpu.memory_space<vmem>>) semaphore(%arg8 : memref<!tpu.dma_semaphore, #tpu.memory_space<semaphore_mem>>) {add = true}
      %mul3A_42 = arith.constant 16 : i32
      %mul3A_43 = arith.muli %scan3A_25, %mul3A_42 : i32
      %add3A_44 = arith.constant 2 : i32
      %add3A_45 = arith.addi %mul3A_43, %add3A_44 : i32
      %dma_start3A_46 = arith.constant 0 : i32
      %dma_start3A_47 = tpu.memref_slice %arg4[%add3A_45, %dma_start3A_46] : memref<160x128xi32, #tpu.memory_space<vmem>> -> memref<1x128xi32, #tpu.memory_space<vmem>>
      %dma_start3A_48 = tpu.memref_squeeze %dma_start3A_47 : memref<1x128xi32, #tpu.memory_space<vmem>> -> memref<128xi32, #tpu.memory_space<vmem>>
      %dma_start3A_49 = arith.constant 0 : i32
      %dma_start3A_50 = tpu.memref_slice %arg9[%dma_start3A_49] : memref<10496xf32, #tpu.memory_space<vmem_shared>> -> memref<10496xf32, #tpu.memory_space<vmem_shared>>
      tpu.enqueue_indirect_dma source(%arg5 : memref<128xf32, #tpu.memory_space<vmem>>) target(%dma_start3A_50 : memref<10496xf32, #tpu.memory_space<vmem_shared>>) offsets(%dma_start3A_48 : memref<128xi32, #tpu.memory_space<vmem>>) semaphore(%arg8 : memref<!tpu.dma_semaphore, #tpu.memory_space<semaphore_mem>>) {add = true}
      %mul3A_51 = arith.constant 16 : i32
      %mul3A_52 = arith.muli %scan3A_25, %mul3A_51 : i32
      %add3A_53 = arith.constant 3 : i32
      %add3A_54 = arith.addi %mul3A_52, %add3A_53 : i32
      %dma_start3A_55 = arith.constant 0 : i32
      %dma_start3A_56 = tpu.memref_slice %arg4[%add3A_54, %dma_start3A_55] : memref<160x128xi32, #tpu.memory_space<vmem>> -> memref<1x128xi32, #tpu.memory_space<vmem>>
      %dma_start3A_57 = tpu.memref_squeeze %dma_start3A_56 : memref<1x128xi32, #tpu.memory_space<vmem>> -> memref<128xi32, #tpu.memory_space<vmem>>
      %dma_start3A_58 = arith.constant 0 : i32
      %dma_start3A_59 = tpu.memref_slice %arg9[%dma_start3A_58] : memref<10496xf32, #tpu.memory_space<vmem_shared>> -> memref<10496xf32, #tpu.memory_space<vmem_shared>>
      tpu.enqueue_indirect_dma source(%arg5 : memref<128xf32, #tpu.memory_space<vmem>>) target(%dma_start3A_59 : memref<10496xf32, #tpu.memory_space<vmem_shared>>) offsets(%dma_start3A_57 : memref<128xi32, #tpu.memory_space<vmem>>) semaphore(%arg8 : memref<!tpu.dma_semaphore, #tpu.memory_space<semaphore_mem>>) {add = true}
      %mul3A_60 = arith.constant 16 : i32
      %mul3A_61 = arith.muli %scan3A_25, %mul3A_60 : i32
      %add3A_62 = arith.constant 4 : i32
      %add3A_63 = arith.addi %mul3A_61, %add3A_62 : i32
      %dma_start3A_64 = arith.constant 0 : i32
      %dma_start3A_65 = tpu.memref_slice %arg4[%add3A_63, %dma_start3A_64] : memref<160x128xi32, #tpu.memory_space<vmem>> -> memref<1x128xi32, #tpu.memory_space<vmem>>
      %dma_start3A_66 = tpu.memref_squeeze %dma_start3A_65 : memref<1x128xi32, #tpu.memory_space<vmem>> -> memref<128xi32, #tpu.memory_space<vmem>>
      %dma_start3A_67 = arith.constant 0 : i32
      %dma_start3A_68 = tpu.memref_slice %arg9[%dma_start3A_67] : memref<10496xf32, #tpu.memory_space<vmem_shared>> -> memref<10496xf32, #tpu.memory_space<vmem_shared>>
      tpu.enqueue_indirect_dma source(%arg5 : memref<128xf32, #tpu.memory_space<vmem>>) target(%dma_start3A_68 : memref<10496xf32, #tpu.memory_space<vmem_shared>>) offsets(%dma_start3A_66 : memref<128xi32, #tpu.memory_space<vmem>>) semaphore(%arg8 : memref<!tpu.dma_semaphore, #tpu.memory_space<semaphore_mem>>) {add = true}
      %mul3A_69 = arith.constant 16 : i32
      %mul3A_70 = arith.muli %scan3A_25, %mul3A_69 : i32
      %add3A_71 = arith.constant 5 : i32
      %add3A_72 = arith.addi %mul3A_70, %add3A_71 : i32
      %dma_start3A_73 = arith.constant 0 : i32
      %dma_start3A_74 = tpu.memref_slice %arg4[%add3A_72, %dma_start3A_73] : memref<160x128xi32, #tpu.memory_space<vmem>> -> memref<1x128xi32, #tpu.memory_space<vmem>>
      %dma_start3A_75 = tpu.memref_squeeze %dma_start3A_74 : memref<1x128xi32, #tpu.memory_space<vmem>> -> memref<128xi32, #tpu.memory_space<vmem>>
      %dma_start3A_76 = arith.constant 0 : i32
      %dma_start3A_77 = tpu.memref_slice %arg9[%dma_start3A_76] : memref<10496xf32, #tpu.memory_space<vmem_shared>> -> memref<10496xf32, #tpu.memory_space<vmem_shared>>
      tpu.enqueue_indirect_dma source(%arg5 : memref<128xf32, #tpu.memory_space<vmem>>) target(%dma_start3A_77 : memref<10496xf32, #tpu.memory_space<vmem_shared>>) offsets(%dma_start3A_75 : memref<128xi32, #tpu.memory_space<vmem>>) semaphore(%arg8 : memref<!tpu.dma_semaphore, #tpu.memory_space<semaphore_mem>>) {add = true}
      %mul3A_78 = arith.constant 16 : i32
      %mul3A_79 = arith.muli %scan3A_25, %mul3A_78 : i32
      %add3A_80 = arith.constant 6 : i32
      %add3A_81 = arith.addi %mul3A_79, %add3A_80 : i32
      %dma_start3A_82 = arith.constant 0 : i32
      %dma_start3A_83 = tpu.memref_slice %arg4[%add3A_81, %dma_start3A_82] : memref<160x128xi32, #tpu.memory_space<vmem>> -> memref<1x128xi32, #tpu.memory_space<vmem>>
      %dma_start3A_84 = tpu.memref_squeeze %dma_start3A_83 : memref<1x128xi32, #tpu.memory_space<vmem>> -> memref<128xi32, #tpu.memory_space<vmem>>
      %dma_start3A_85 = arith.constant 0 : i32
      %dma_start3A_86 = tpu.memref_slice %arg9[%dma_start3A_85] : memref<10496xf32, #tpu.memory_space<vmem_shared>> -> memref<10496xf32, #tpu.memory_space<vmem_shared>>
      tpu.enqueue_indirect_dma source(%arg5 : memref<128xf32, #tpu.memory_space<vmem>>) target(%dma_start3A_86 : memref<10496xf32, #tpu.memory_space<vmem_shared>>) offsets(%dma_start3A_84 : memref<128xi32, #tpu.memory_space<vmem>>) semaphore(%arg8 : memref<!tpu.dma_semaphore, #tpu.memory_space<semaphore_mem>>) {add = true}
      %mul3A_87 = arith.constant 16 : i32
      %mul3A_88 = arith.muli %scan3A_25, %mul3A_87 : i32
      %add3A_89 = arith.constant 7 : i32
      %add3A_90 = arith.addi %mul3A_88, %add3A_89 : i32
      %dma_start3A_91 = arith.constant 0 : i32
      %dma_start3A_92 = tpu.memref_slice %arg4[%add3A_90, %dma_start3A_91] : memref<160x128xi32, #tpu.memory_space<vmem>> -> memref<1x128xi32, #tpu.memory_space<vmem>>
      %dma_start3A_93 = tpu.memref_squeeze %dma_start3A_92 : memref<1x128xi32, #tpu.memory_space<vmem>> -> memref<128xi32, #tpu.memory_space<vmem>>
      %dma_start3A_94 = arith.constant 0 : i32
      %dma_start3A_95 = tpu.memref_slice %arg9[%dma_start3A_94] : memref<10496xf32, #tpu.memory_space<vmem_shared>> -> memref<10496xf32, #tpu.memory_space<vmem_shared>>
      tpu.enqueue_indirect_dma source(%arg5 : memref<128xf32, #tpu.memory_space<vmem>>) target(%dma_start3A_95 : memref<10496xf32, #tpu.memory_space<vmem_shared>>) offsets(%dma_start3A_93 : memref<128xi32, #tpu.memory_space<vmem>>) semaphore(%arg8 : memref<!tpu.dma_semaphore, #tpu.memory_space<semaphore_mem>>) {add = true}
      %mul3A_96 = arith.constant 16 : i32
      %mul3A_97 = arith.muli %scan3A_25, %mul3A_96 : i32
      %add3A_98 = arith.constant 8 : i32
      %add3A_99 = arith.addi %mul3A_97, %add3A_98 : i32
      %dma_start3A_100 = arith.constant 0 : i32
      %dma_start3A_101 = tpu.memref_slice %arg4[%add3A_99, %dma_start3A_100] : memref<160x128xi32, #tpu.memory_space<vmem>> -> memref<1x128xi32, #tpu.memory_space<vmem>>
      %dma_start3A_102 = tpu.memref_squeeze %dma_start3A_101 : memref<1x128xi32, #tpu.memory_space<vmem>> -> memref<128xi32, #tpu.memory_space<vmem>>
      %dma_start3A_103 = arith.constant 0 : i32
      %dma_start3A_104 = tpu.memref_slice %arg9[%dma_start3A_103] : memref<10496xf32, #tpu.memory_space<vmem_shared>> -> memref<10496xf32, #tpu.memory_space<vmem_shared>>
      tpu.enqueue_indirect_dma source(%arg5 : memref<128xf32, #tpu.memory_space<vmem>>) target(%dma_start3A_104 : memref<10496xf32, #tpu.memory_space<vmem_shared>>) offsets(%dma_start3A_102 : memref<128xi32, #tpu.memory_space<vmem>>) semaphore(%arg8 : memref<!tpu.dma_semaphore, #tpu.memory_space<semaphore_mem>>) {add = true}
      %mul3A_105 = arith.constant 16 : i32
      %mul3A_106 = arith.muli %scan3A_25, %mul3A_105 : i32
      %add3A_107 = arith.constant 9 : i32
      %add3A_108 = arith.addi %mul3A_106, %add3A_107 : i32
      %dma_start3A_109 = arith.constant 0 : i32
      %dma_start3A_110 = tpu.memref_slice %arg4[%add3A_108, %dma_start3A_109] : memref<160x128xi32, #tpu.memory_space<vmem>> -> memref<1x128xi32, #tpu.memory_space<vmem>>
      %dma_start3A_111 = tpu.memref_squeeze %dma_start3A_110 : memref<1x128xi32, #tpu.memory_space<vmem>> -> memref<128xi32, #tpu.memory_space<vmem>>
      %dma_start3A_112 = arith.constant 0 : i32
      %dma_start3A_113 = tpu.memref_slice %arg9[%dma_start3A_112] : memref<10496xf32, #tpu.memory_space<vmem_shared>> -> memref<10496xf32, #tpu.memory_space<vmem_shared>>
      tpu.enqueue_indirect_dma source(%arg5 : memref<128xf32, #tpu.memory_space<vmem>>) target(%dma_start3A_113 : memref<10496xf32, #tpu.memory_space<vmem_shared>>) offsets(%dma_start3A_111 : memref<128xi32, #tpu.memory_space<vmem>>) semaphore(%arg8 : memref<!tpu.dma_semaphore, #tpu.memory_space<semaphore_mem>>) {add = true}
      %mul3A_114 = arith.constant 16 : i32
      %mul3A_115 = arith.muli %scan3A_25, %mul3A_114 : i32
      %add3A_116 = arith.constant 10 : i32
      %add3A_117 = arith.addi %mul3A_115, %add3A_116 : i32
      %dma_start3A_118 = arith.constant 0 : i32
      %dma_start3A_119 = tpu.memref_slice %arg4[%add3A_117, %dma_start3A_118] : memref<160x128xi32, #tpu.memory_space<vmem>> -> memref<1x128xi32, #tpu.memory_space<vmem>>
      %dma_start3A_120 = tpu.memref_squeeze %dma_start3A_119 : memref<1x128xi32, #tpu.memory_space<vmem>> -> memref<128xi32, #tpu.memory_space<vmem>>
      %dma_start3A_121 = arith.constant 0 : i32
      %dma_start3A_122 = tpu.memref_slice %arg9[%dma_start3A_121] : memref<10496xf32, #tpu.memory_space<vmem_shared>> -> memref<10496xf32, #tpu.memory_space<vmem_shared>>
      tpu.enqueue_indirect_dma source(%arg5 : memref<128xf32, #tpu.memory_space<vmem>>) target(%dma_start3A_122 : memref<10496xf32, #tpu.memory_space<vmem_shared>>) offsets(%dma_start3A_120 : memref<128xi32, #tpu.memory_space<vmem>>) semaphore(%arg8 : memref<!tpu.dma_semaphore, #tpu.memory_space<semaphore_mem>>) {add = true}
      %mul3A_123 = arith.constant 16 : i32
      %mul3A_124 = arith.muli %scan3A_25, %mul3A_123 : i32
      %add3A_125 = arith.constant 11 : i32
      %add3A_126 = arith.addi %mul3A_124, %add3A_125 : i32
      %dma_start3A_127 = arith.constant 0 : i32
      %dma_start3A_128 = tpu.memref_slice %arg4[%add3A_126, %dma_start3A_127] : memref<160x128xi32, #tpu.memory_space<vmem>> -> memref<1x128xi32, #tpu.memory_space<vmem>>
      %dma_start3A_129 = tpu.memref_squeeze %dma_start3A_128 : memref<1x128xi32, #tpu.memory_space<vmem>> -> memref<128xi32, #tpu.memory_space<vmem>>
      %dma_start3A_130 = arith.constant 0 : i32
      %dma_start3A_131 = tpu.memref_slice %arg9[%dma_start3A_130] : memref<10496xf32, #tpu.memory_space<vmem_shared>> -> memref<10496xf32, #tpu.memory_space<vmem_shared>>
      tpu.enqueue_indirect_dma source(%arg5 : memref<128xf32, #tpu.memory_space<vmem>>) target(%dma_start3A_131 : memref<10496xf32, #tpu.memory_space<vmem_shared>>) offsets(%dma_start3A_129 : memref<128xi32, #tpu.memory_space<vmem>>) semaphore(%arg8 : memref<!tpu.dma_semaphore, #tpu.memory_space<semaphore_mem>>) {add = true}
      %mul3A_132 = arith.constant 16 : i32
      %mul3A_133 = arith.muli %scan3A_25, %mul3A_132 : i32
      %add3A_134 = arith.constant 12 : i32
      %add3A_135 = arith.addi %mul3A_133, %add3A_134 : i32
      %dma_start3A_136 = arith.constant 0 : i32
      %dma_start3A_137 = tpu.memref_slice %arg4[%add3A_135, %dma_start3A_136] : memref<160x128xi32, #tpu.memory_space<vmem>> -> memref<1x128xi32, #tpu.memory_space<vmem>>
      %dma_start3A_138 = tpu.memref_squeeze %dma_start3A_137 : memref<1x128xi32, #tpu.memory_space<vmem>> -> memref<128xi32, #tpu.memory_space<vmem>>
      %dma_start3A_139 = arith.constant 0 : i32
      %dma_start3A_140 = tpu.memref_slice %arg9[%dma_start3A_139] : memref<10496xf32, #tpu.memory_space<vmem_shared>> -> memref<10496xf32, #tpu.memory_space<vmem_shared>>
      tpu.enqueue_indirect_dma source(%arg5 : memref<128xf32, #tpu.memory_space<vmem>>) target(%dma_start3A_140 : memref<10496xf32, #tpu.memory_space<vmem_shared>>) offsets(%dma_start3A_138 : memref<128xi32, #tpu.memory_space<vmem>>) semaphore(%arg8 : memref<!tpu.dma_semaphore, #tpu.memory_space<semaphore_mem>>) {add = true}
      %mul3A_141 = arith.constant 16 : i32
      %mul3A_142 = arith.muli %scan3A_25, %mul3A_141 : i32
      %add3A_143 = arith.constant 13 : i32
      %add3A_144 = arith.addi %mul3A_142, %add3A_143 : i32
      %dma_start3A_145 = arith.constant 0 : i32
      %dma_start3A_146 = tpu.memref_slice %arg4[%add3A_144, %dma_start3A_145] : memref<160x128xi32, #tpu.memory_space<vmem>> -> memref<1x128xi32, #tpu.memory_space<vmem>>
      %dma_start3A_147 = tpu.memref_squeeze %dma_start3A_146 : memref<1x128xi32, #tpu.memory_space<vmem>> -> memref<128xi32, #tpu.memory_space<vmem>>
      %dma_start3A_148 = arith.constant 0 : i32
      %dma_start3A_149 = tpu.memref_slice %arg9[%dma_start3A_148] : memref<10496xf32, #tpu.memory_space<vmem_shared>> -> memref<10496xf32, #tpu.memory_space<vmem_shared>>
      tpu.enqueue_indirect_dma source(%arg5 : memref<128xf32, #tpu.memory_space<vmem>>) target(%dma_start3A_149 : memref<10496xf32, #tpu.memory_space<vmem_shared>>) offsets(%dma_start3A_147 : memref<128xi32, #tpu.memory_space<vmem>>) semaphore(%arg8 : memref<!tpu.dma_semaphore, #tpu.memory_space<semaphore_mem>>) {add = true}
      %mul3A_150 = arith.constant 16 : i32
      %mul3A_151 = arith.muli %scan3A_25, %mul3A_150 : i32
      %add3A_152 = arith.constant 14 : i32
      %add3A_153 = arith.addi %mul3A_151, %add3A_152 : i32
      %dma_start3A_154 = arith.constant 0 : i32
      %dma_start3A_155 = tpu.memref_slice %arg4[%add3A_153, %dma_start3A_154] : memref<160x128xi32, #tpu.memory_space<vmem>> -> memref<1x128xi32, #tpu.memory_space<vmem>>
      %dma_start3A_156 = tpu.memref_squeeze %dma_start3A_155 : memref<1x128xi32, #tpu.memory_space<vmem>> -> memref<128xi32, #tpu.memory_space<vmem>>
      %dma_start3A_157 = arith.constant 0 : i32
      %dma_start3A_158 = tpu.memref_slice %arg9[%dma_start3A_157] : memref<10496xf32, #tpu.memory_space<vmem_shared>> -> memref<10496xf32, #tpu.memory_space<vmem_shared>>
      tpu.enqueue_indirect_dma source(%arg5 : memref<128xf32, #tpu.memory_space<vmem>>) target(%dma_start3A_158 : memref<10496xf32, #tpu.memory_space<vmem_shared>>) offsets(%dma_start3A_156 : memref<128xi32, #tpu.memory_space<vmem>>) semaphore(%arg8 : memref<!tpu.dma_semaphore, #tpu.memory_space<semaphore_mem>>) {add = true}
      %mul3A_159 = arith.constant 16 : i32
      %mul3A_160 = arith.muli %scan3A_25, %mul3A_159 : i32
      %add3A_161 = arith.constant 15 : i32
      %add3A_162 = arith.addi %mul3A_160, %add3A_161 : i32
      %dma_start3A_163 = arith.constant 0 : i32
      %dma_start3A_164 = tpu.memref_slice %arg4[%add3A_162, %dma_start3A_163] : memref<160x128xi32, #tpu.memory_space<vmem>> -> memref<1x128xi32, #tpu.memory_space<vmem>>
      %dma_start3A_165 = tpu.memref_squeeze %dma_start3A_164 : memref<1x128xi32, #tpu.memory_space<vmem>> -> memref<128xi32, #tpu.memory_space<vmem>>
      %dma_start3A_166 = arith.constant 0 : i32
      %dma_start3A_167 = tpu.memref_slice %arg9[%dma_start3A_166] : memref<10496xf32, #tpu.memory_space<vmem_shared>> -> memref<10496xf32, #tpu.memory_space<vmem_shared>>
      tpu.enqueue_indirect_dma source(%arg5 : memref<128xf32, #tpu.memory_space<vmem>>) target(%dma_start3A_167 : memref<10496xf32, #tpu.memory_space<vmem_shared>>) offsets(%dma_start3A_165 : memref<128xi32, #tpu.memory_space<vmem>>) semaphore(%arg8 : memref<!tpu.dma_semaphore, #tpu.memory_space<semaphore_mem>>) {add = true}
      %mul3A_168 = arith.constant 16 : i32
      %mul3A_169 = arith.muli %scan3A_25, %mul3A_168 : i32
      %add3A_170 = arith.constant 0 : i32
      %add3A_171 = arith.addi %mul3A_169, %add3A_170 : i32
      %dma_wait3A = arith.constant 0 : i32
      %dma_wait3A_172 = tpu.memref_slice %arg4[%add3A_171, %dma_wait3A] : memref<160x128xi32, #tpu.memory_space<vmem>> -> memref<1x128xi32, #tpu.memory_space<vmem>>
      %dma_wait3A_173 = tpu.memref_squeeze %dma_wait3A_172 : memref<1x128xi32, #tpu.memory_space<vmem>> -> memref<128xi32, #tpu.memory_space<vmem>>
      %dma_wait3A_174 = arith.constant 0 : i32
      %dma_wait3A_175 = tpu.memref_slice %arg9[%dma_wait3A_174] : memref<10496xf32, #tpu.memory_space<vmem_shared>> -> memref<10496xf32, #tpu.memory_space<vmem_shared>>
      tpu.wait_indirect_dma semaphore(%arg8 : memref<!tpu.dma_semaphore, #tpu.memory_space<semaphore_mem>>) src(%arg5 : memref<128xf32, #tpu.memory_space<vmem>>) dst(%dma_wait3A_175 : memref<10496xf32, #tpu.memory_space<vmem_shared>>)
      %mul3A_176 = arith.constant 16 : i32
      %mul3A_177 = arith.muli %scan3A_25, %mul3A_176 : i32
      %add3A_178 = arith.constant 1 : i32
      %add3A_179 = arith.addi %mul3A_177, %add3A_178 : i32
      %dma_wait3A_180 = arith.constant 0 : i32
      %dma_wait3A_181 = tpu.memref_slice %arg4[%add3A_179, %dma_wait3A_180] : memref<160x128xi32, #tpu.memory_space<vmem>> -> memref<1x128xi32, #tpu.memory_space<vmem>>
      %dma_wait3A_182 = tpu.memref_squeeze %dma_wait3A_181 : memref<1x128xi32, #tpu.memory_space<vmem>> -> memref<128xi32, #tpu.memory_space<vmem>>
      %dma_wait3A_183 = arith.constant 0 : i32
      %dma_wait3A_184 = tpu.memref_slice %arg9[%dma_wait3A_183] : memref<10496xf32, #tpu.memory_space<vmem_shared>> -> memref<10496xf32, #tpu.memory_space<vmem_shared>>
      tpu.wait_indirect_dma semaphore(%arg8 : memref<!tpu.dma_semaphore, #tpu.memory_space<semaphore_mem>>) src(%arg5 : memref<128xf32, #tpu.memory_space<vmem>>) dst(%dma_wait3A_184 : memref<10496xf32, #tpu.memory_space<vmem_shared>>)
      %mul3A_185 = arith.constant 16 : i32
      %mul3A_186 = arith.muli %scan3A_25, %mul3A_185 : i32
      %add3A_187 = arith.constant 2 : i32
      %add3A_188 = arith.addi %mul3A_186, %add3A_187 : i32
      %dma_wait3A_189 = arith.constant 0 : i32
      %dma_wait3A_190 = tpu.memref_slice %arg4[%add3A_188, %dma_wait3A_189] : memref<160x128xi32, #tpu.memory_space<vmem>> -> memref<1x128xi32, #tpu.memory_space<vmem>>
      %dma_wait3A_191 = tpu.memref_squeeze %dma_wait3A_190 : memref<1x128xi32, #tpu.memory_space<vmem>> -> memref<128xi32, #tpu.memory_space<vmem>>
      %dma_wait3A_192 = arith.constant 0 : i32
      %dma_wait3A_193 = tpu.memref_slice %arg9[%dma_wait3A_192] : memref<10496xf32, #tpu.memory_space<vmem_shared>> -> memref<10496xf32, #tpu.memory_space<vmem_shared>>
      tpu.wait_indirect_dma semaphore(%arg8 : memref<!tpu.dma_semaphore, #tpu.memory_space<semaphore_mem>>) src(%arg5 : memref<128xf32, #tpu.memory_space<vmem>>) dst(%dma_wait3A_193 : memref<10496xf32, #tpu.memory_space<vmem_shared>>)
      %mul3A_194 = arith.constant 16 : i32
      %mul3A_195 = arith.muli %scan3A_25, %mul3A_194 : i32
      %add3A_196 = arith.constant 3 : i32
      %add3A_197 = arith.addi %mul3A_195, %add3A_196 : i32
      %dma_wait3A_198 = arith.constant 0 : i32
      %dma_wait3A_199 = tpu.memref_slice %arg4[%add3A_197, %dma_wait3A_198] : memref<160x128xi32, #tpu.memory_space<vmem>> -> memref<1x128xi32, #tpu.memory_space<vmem>>
      %dma_wait3A_200 = tpu.memref_squeeze %dma_wait3A_199 : memref<1x128xi32, #tpu.memory_space<vmem>> -> memref<128xi32, #tpu.memory_space<vmem>>
      %dma_wait3A_201 = arith.constant 0 : i32
      %dma_wait3A_202 = tpu.memref_slice %arg9[%dma_wait3A_201] : memref<10496xf32, #tpu.memory_space<vmem_shared>> -> memref<10496xf32, #tpu.memory_space<vmem_shared>>
      tpu.wait_indirect_dma semaphore(%arg8 : memref<!tpu.dma_semaphore, #tpu.memory_space<semaphore_mem>>) src(%arg5 : memref<128xf32, #tpu.memory_space<vmem>>) dst(%dma_wait3A_202 : memref<10496xf32, #tpu.memory_space<vmem_shared>>)
      %mul3A_203 = arith.constant 16 : i32
      %mul3A_204 = arith.muli %scan3A_25, %mul3A_203 : i32
      %add3A_205 = arith.constant 4 : i32
      %add3A_206 = arith.addi %mul3A_204, %add3A_205 : i32
      %dma_wait3A_207 = arith.constant 0 : i32
      %dma_wait3A_208 = tpu.memref_slice %arg4[%add3A_206, %dma_wait3A_207] : memref<160x128xi32, #tpu.memory_space<vmem>> -> memref<1x128xi32, #tpu.memory_space<vmem>>
      %dma_wait3A_209 = tpu.memref_squeeze %dma_wait3A_208 : memref<1x128xi32, #tpu.memory_space<vmem>> -> memref<128xi32, #tpu.memory_space<vmem>>
      %dma_wait3A_210 = arith.constant 0 : i32
      %dma_wait3A_211 = tpu.memref_slice %arg9[%dma_wait3A_210] : memref<10496xf32, #tpu.memory_space<vmem_shared>> -> memref<10496xf32, #tpu.memory_space<vmem_shared>>
      tpu.wait_indirect_dma semaphore(%arg8 : memref<!tpu.dma_semaphore, #tpu.memory_space<semaphore_mem>>) src(%arg5 : memref<128xf32, #tpu.memory_space<vmem>>) dst(%dma_wait3A_211 : memref<10496xf32, #tpu.memory_space<vmem_shared>>)
      %mul3A_212 = arith.constant 16 : i32
      %mul3A_213 = arith.muli %scan3A_25, %mul3A_212 : i32
      %add3A_214 = arith.constant 5 : i32
      %add3A_215 = arith.addi %mul3A_213, %add3A_214 : i32
      %dma_wait3A_216 = arith.constant 0 : i32
      %dma_wait3A_217 = tpu.memref_slice %arg4[%add3A_215, %dma_wait3A_216] : memref<160x128xi32, #tpu.memory_space<vmem>> -> memref<1x128xi32, #tpu.memory_space<vmem>>
      %dma_wait3A_218 = tpu.memref_squeeze %dma_wait3A_217 : memref<1x128xi32, #tpu.memory_space<vmem>> -> memref<128xi32, #tpu.memory_space<vmem>>
      %dma_wait3A_219 = arith.constant 0 : i32
      %dma_wait3A_220 = tpu.memref_slice %arg9[%dma_wait3A_219] : memref<10496xf32, #tpu.memory_space<vmem_shared>> -> memref<10496xf32, #tpu.memory_space<vmem_shared>>
      tpu.wait_indirect_dma semaphore(%arg8 : memref<!tpu.dma_semaphore, #tpu.memory_space<semaphore_mem>>) src(%arg5 : memref<128xf32, #tpu.memory_space<vmem>>) dst(%dma_wait3A_220 : memref<10496xf32, #tpu.memory_space<vmem_shared>>)
      %mul3A_221 = arith.constant 16 : i32
      %mul3A_222 = arith.muli %scan3A_25, %mul3A_221 : i32
      %add3A_223 = arith.constant 6 : i32
      %add3A_224 = arith.addi %mul3A_222, %add3A_223 : i32
      %dma_wait3A_225 = arith.constant 0 : i32
      %dma_wait3A_226 = tpu.memref_slice %arg4[%add3A_224, %dma_wait3A_225] : memref<160x128xi32, #tpu.memory_space<vmem>> -> memref<1x128xi32, #tpu.memory_space<vmem>>
      %dma_wait3A_227 = tpu.memref_squeeze %dma_wait3A_226 : memref<1x128xi32, #tpu.memory_space<vmem>> -> memref<128xi32, #tpu.memory_space<vmem>>
      %dma_wait3A_228 = arith.constant 0 : i32
      %dma_wait3A_229 = tpu.memref_slice %arg9[%dma_wait3A_228] : memref<10496xf32, #tpu.memory_space<vmem_shared>> -> memref<10496xf32, #tpu.memory_space<vmem_shared>>
      tpu.wait_indirect_dma semaphore(%arg8 : memref<!tpu.dma_semaphore, #tpu.memory_space<semaphore_mem>>) src(%arg5 : memref<128xf32, #tpu.memory_space<vmem>>) dst(%dma_wait3A_229 : memref<10496xf32, #tpu.memory_space<vmem_shared>>)
      %mul3A_230 = arith.constant 16 : i32
      %mul3A_231 = arith.muli %scan3A_25, %mul3A_230 : i32
      %add3A_232 = arith.constant 7 : i32
      %add3A_233 = arith.addi %mul3A_231, %add3A_232 : i32
      %dma_wait3A_234 = arith.constant 0 : i32
      %dma_wait3A_235 = tpu.memref_slice %arg4[%add3A_233, %dma_wait3A_234] : memref<160x128xi32, #tpu.memory_space<vmem>> -> memref<1x128xi32, #tpu.memory_space<vmem>>
      %dma_wait3A_236 = tpu.memref_squeeze %dma_wait3A_235 : memref<1x128xi32, #tpu.memory_space<vmem>> -> memref<128xi32, #tpu.memory_space<vmem>>
      %dma_wait3A_237 = arith.constant 0 : i32
      %dma_wait3A_238 = tpu.memref_slice %arg9[%dma_wait3A_237] : memref<10496xf32, #tpu.memory_space<vmem_shared>> -> memref<10496xf32, #tpu.memory_space<vmem_shared>>
      tpu.wait_indirect_dma semaphore(%arg8 : memref<!tpu.dma_semaphore, #tpu.memory_space<semaphore_mem>>) src(%arg5 : memref<128xf32, #tpu.memory_space<vmem>>) dst(%dma_wait3A_238 : memref<10496xf32, #tpu.memory_space<vmem_shared>>)
      %mul3A_239 = arith.constant 16 : i32
      %mul3A_240 = arith.muli %scan3A_25, %mul3A_239 : i32
      %add3A_241 = arith.constant 8 : i32
      %add3A_242 = arith.addi %mul3A_240, %add3A_241 : i32
      %dma_wait3A_243 = arith.constant 0 : i32
      %dma_wait3A_244 = tpu.memref_slice %arg4[%add3A_242, %dma_wait3A_243] : memref<160x128xi32, #tpu.memory_space<vmem>> -> memref<1x128xi32, #tpu.memory_space<vmem>>
      %dma_wait3A_245 = tpu.memref_squeeze %dma_wait3A_244 : memref<1x128xi32, #tpu.memory_space<vmem>> -> memref<128xi32, #tpu.memory_space<vmem>>
      %dma_wait3A_246 = arith.constant 0 : i32
      %dma_wait3A_247 = tpu.memref_slice %arg9[%dma_wait3A_246] : memref<10496xf32, #tpu.memory_space<vmem_shared>> -> memref<10496xf32, #tpu.memory_space<vmem_shared>>
      tpu.wait_indirect_dma semaphore(%arg8 : memref<!tpu.dma_semaphore, #tpu.memory_space<semaphore_mem>>) src(%arg5 : memref<128xf32, #tpu.memory_space<vmem>>) dst(%dma_wait3A_247 : memref<10496xf32, #tpu.memory_space<vmem_shared>>)
      %mul3A_248 = arith.constant 16 : i32
      %mul3A_249 = arith.muli %scan3A_25, %mul3A_248 : i32
      %add3A_250 = arith.constant 9 : i32
      %add3A_251 = arith.addi %mul3A_249, %add3A_250 : i32
      %dma_wait3A_252 = arith.constant 0 : i32
      %dma_wait3A_253 = tpu.memref_slice %arg4[%add3A_251, %dma_wait3A_252] : memref<160x128xi32, #tpu.memory_space<vmem>> -> memref<1x128xi32, #tpu.memory_space<vmem>>
      %dma_wait3A_254 = tpu.memref_squeeze %dma_wait3A_253 : memref<1x128xi32, #tpu.memory_space<vmem>> -> memref<128xi32, #tpu.memory_space<vmem>>
      %dma_wait3A_255 = arith.constant 0 : i32
      %dma_wait3A_256 = tpu.memref_slice %arg9[%dma_wait3A_255] : memref<10496xf32, #tpu.memory_space<vmem_shared>> -> memref<10496xf32, #tpu.memory_space<vmem_shared>>
      tpu.wait_indirect_dma semaphore(%arg8 : memref<!tpu.dma_semaphore, #tpu.memory_space<semaphore_mem>>) src(%arg5 : memref<128xf32, #tpu.memory_space<vmem>>) dst(%dma_wait3A_256 : memref<10496xf32, #tpu.memory_space<vmem_shared>>)
      %mul3A_257 = arith.constant 16 : i32
      %mul3A_258 = arith.muli %scan3A_25, %mul3A_257 : i32
      %add3A_259 = arith.constant 10 : i32
      %add3A_260 = arith.addi %mul3A_258, %add3A_259 : i32
      %dma_wait3A_261 = arith.constant 0 : i32
      %dma_wait3A_262 = tpu.memref_slice %arg4[%add3A_260, %dma_wait3A_261] : memref<160x128xi32, #tpu.memory_space<vmem>> -> memref<1x128xi32, #tpu.memory_space<vmem>>
      %dma_wait3A_263 = tpu.memref_squeeze %dma_wait3A_262 : memref<1x128xi32, #tpu.memory_space<vmem>> -> memref<128xi32, #tpu.memory_space<vmem>>
      %dma_wait3A_264 = arith.constant 0 : i32
      %dma_wait3A_265 = tpu.memref_slice %arg9[%dma_wait3A_264] : memref<10496xf32, #tpu.memory_space<vmem_shared>> -> memref<10496xf32, #tpu.memory_space<vmem_shared>>
      tpu.wait_indirect_dma semaphore(%arg8 : memref<!tpu.dma_semaphore, #tpu.memory_space<semaphore_mem>>) src(%arg5 : memref<128xf32, #tpu.memory_space<vmem>>) dst(%dma_wait3A_265 : memref<10496xf32, #tpu.memory_space<vmem_shared>>)
      %mul3A_266 = arith.constant 16 : i32
      %mul3A_267 = arith.muli %scan3A_25, %mul3A_266 : i32
      %add3A_268 = arith.constant 11 : i32
      %add3A_269 = arith.addi %mul3A_267, %add3A_268 : i32
      %dma_wait3A_270 = arith.constant 0 : i32
      %dma_wait3A_271 = tpu.memref_slice %arg4[%add3A_269, %dma_wait3A_270] : memref<160x128xi32, #tpu.memory_space<vmem>> -> memref<1x128xi32, #tpu.memory_space<vmem>>
      %dma_wait3A_272 = tpu.memref_squeeze %dma_wait3A_271 : memref<1x128xi32, #tpu.memory_space<vmem>> -> memref<128xi32, #tpu.memory_space<vmem>>
      %dma_wait3A_273 = arith.constant 0 : i32
      %dma_wait3A_274 = tpu.memref_slice %arg9[%dma_wait3A_273] : memref<10496xf32, #tpu.memory_space<vmem_shared>> -> memref<10496xf32, #tpu.memory_space<vmem_shared>>
      tpu.wait_indirect_dma semaphore(%arg8 : memref<!tpu.dma_semaphore, #tpu.memory_space<semaphore_mem>>) src(%arg5 : memref<128xf32, #tpu.memory_space<vmem>>) dst(%dma_wait3A_274 : memref<10496xf32, #tpu.memory_space<vmem_shared>>)
      %mul3A_275 = arith.constant 16 : i32
      %mul3A_276 = arith.muli %scan3A_25, %mul3A_275 : i32
      %add3A_277 = arith.constant 12 : i32
      %add3A_278 = arith.addi %mul3A_276, %add3A_277 : i32
      %dma_wait3A_279 = arith.constant 0 : i32
      %dma_wait3A_280 = tpu.memref_slice %arg4[%add3A_278, %dma_wait3A_279] : memref<160x128xi32, #tpu.memory_space<vmem>> -> memref<1x128xi32, #tpu.memory_space<vmem>>
      %dma_wait3A_281 = tpu.memref_squeeze %dma_wait3A_280 : memref<1x128xi32, #tpu.memory_space<vmem>> -> memref<128xi32, #tpu.memory_space<vmem>>
      %dma_wait3A_282 = arith.constant 0 : i32
      %dma_wait3A_283 = tpu.memref_slice %arg9[%dma_wait3A_282] : memref<10496xf32, #tpu.memory_space<vmem_shared>> -> memref<10496xf32, #tpu.memory_space<vmem_shared>>
      tpu.wait_indirect_dma semaphore(%arg8 : memref<!tpu.dma_semaphore, #tpu.memory_space<semaphore_mem>>) src(%arg5 : memref<128xf32, #tpu.memory_space<vmem>>) dst(%dma_wait3A_283 : memref<10496xf32, #tpu.memory_space<vmem_shared>>)
      %mul3A_284 = arith.constant 16 : i32
      %mul3A_285 = arith.muli %scan3A_25, %mul3A_284 : i32
      %add3A_286 = arith.constant 13 : i32
      %add3A_287 = arith.addi %mul3A_285, %add3A_286 : i32
      %dma_wait3A_288 = arith.constant 0 : i32
      %dma_wait3A_289 = tpu.memref_slice %arg4[%add3A_287, %dma_wait3A_288] : memref<160x128xi32, #tpu.memory_space<vmem>> -> memref<1x128xi32, #tpu.memory_space<vmem>>
      %dma_wait3A_290 = tpu.memref_squeeze %dma_wait3A_289 : memref<1x128xi32, #tpu.memory_space<vmem>> -> memref<128xi32, #tpu.memory_space<vmem>>
      %dma_wait3A_291 = arith.constant 0 : i32
      %dma_wait3A_292 = tpu.memref_slice %arg9[%dma_wait3A_291] : memref<10496xf32, #tpu.memory_space<vmem_shared>> -> memref<10496xf32, #tpu.memory_space<vmem_shared>>
      tpu.wait_indirect_dma semaphore(%arg8 : memref<!tpu.dma_semaphore, #tpu.memory_space<semaphore_mem>>) src(%arg5 : memref<128xf32, #tpu.memory_space<vmem>>) dst(%dma_wait3A_292 : memref<10496xf32, #tpu.memory_space<vmem_shared>>)
      %mul3A_293 = arith.constant 16 : i32
      %mul3A_294 = arith.muli %scan3A_25, %mul3A_293 : i32
      %add3A_295 = arith.constant 14 : i32
      %add3A_296 = arith.addi %mul3A_294, %add3A_295 : i32
      %dma_wait3A_297 = arith.constant 0 : i32
      %dma_wait3A_298 = tpu.memref_slice %arg4[%add3A_296, %dma_wait3A_297] : memref<160x128xi32, #tpu.memory_space<vmem>> -> memref<1x128xi32, #tpu.memory_space<vmem>>
      %dma_wait3A_299 = tpu.memref_squeeze %dma_wait3A_298 : memref<1x128xi32, #tpu.memory_space<vmem>> -> memref<128xi32, #tpu.memory_space<vmem>>
      %dma_wait3A_300 = arith.constant 0 : i32
      %dma_wait3A_301 = tpu.memref_slice %arg9[%dma_wait3A_300] : memref<10496xf32, #tpu.memory_space<vmem_shared>> -> memref<10496xf32, #tpu.memory_space<vmem_shared>>
      tpu.wait_indirect_dma semaphore(%arg8 : memref<!tpu.dma_semaphore, #tpu.memory_space<semaphore_mem>>) src(%arg5 : memref<128xf32, #tpu.memory_space<vmem>>) dst(%dma_wait3A_301 : memref<10496xf32, #tpu.memory_space<vmem_shared>>)
      %mul3A_302 = arith.constant 16 : i32
      %mul3A_303 = arith.muli %scan3A_25, %mul3A_302 : i32
      %add3A_304 = arith.constant 15 : i32
      %add3A_305 = arith.addi %mul3A_303, %add3A_304 : i32
      %dma_wait3A_306 = arith.constant 0 : i32
      %dma_wait3A_307 = tpu.memref_slice %arg4[%add3A_305, %dma_wait3A_306] : memref<160x128xi32, #tpu.memory_space<vmem>> -> memref<1x128xi32, #tpu.memory_space<vmem>>
      %dma_wait3A_308 = tpu.memref_squeeze %dma_wait3A_307 : memref<1x128xi32, #tpu.memory_space<vmem>> -> memref<128xi32, #tpu.memory_space<vmem>>
      %dma_wait3A_309 = arith.constant 0 : i32
      %dma_wait3A_310 = tpu.memref_slice %arg9[%dma_wait3A_309] : memref<10496xf32, #tpu.memory_space<vmem_shared>> -> memref<10496xf32, #tpu.memory_space<vmem_shared>>
      tpu.wait_indirect_dma semaphore(%arg8 : memref<!tpu.dma_semaphore, #tpu.memory_space<semaphore_mem>>) src(%arg5 : memref<128xf32, #tpu.memory_space<vmem>>) dst(%dma_wait3A_310 : memref<10496xf32, #tpu.memory_space<vmem_shared>>)
    }
    %scan3A_14 = arith.constant 10 : i32
    %barrier3A_15 = arith.constant 0 : index
    tpu.barrier barrier_id(%barrier3A_15)
    %mul3A_16 = arith.constant 640 : i32
    %mul3A_17 = arith.muli %arg1, %mul3A_16 : i32
    "tpu.region"() ({
      %run_scoped3A = tpu.sem_alloc : memref<!tpu.dma_semaphore, #tpu.memory_space<semaphore_mem>>
      %dma_start3A = tpu.memref_slice %arg9[%mul3A_17] : memref<10496xf32, #tpu.memory_space<vmem_shared>> -> memref<640xf32, #tpu.memory_space<vmem_shared>>
      %dma_start3A_25 = tpu.memref_slice %arg9[%mul3A_17] : memref<10496xf32, #tpu.memory_space<vmem_shared>> -> memref<640xf32, #tpu.memory_space<vmem_shared>>
      tpu.enqueue_dma source(%dma_start3A_25 : memref<640xf32, #tpu.memory_space<vmem_shared>>) target(%arg7 : memref<640xf32, #tpu.memory_space<vmem>>) target_semaphore(%run_scoped3A : memref<!tpu.dma_semaphore, #tpu.memory_space<semaphore_mem>>)
      %dma_wait3A = tpu.memref_slice %arg9[%mul3A_17] : memref<10496xf32, #tpu.memory_space<vmem_shared>> -> memref<640xf32, #tpu.memory_space<vmem_shared>>
      %dma_wait3A_26 = tpu.memref_slice %arg9[%mul3A_17] : memref<10496xf32, #tpu.memory_space<vmem_shared>> -> memref<640xf32, #tpu.memory_space<vmem_shared>>
      tpu.wait_dma2 semaphore(%run_scoped3A : memref<!tpu.dma_semaphore, #tpu.memory_space<semaphore_mem>>) src(%dma_wait3A_26 : memref<640xf32, #tpu.memory_space<vmem_shared>>) dst(%arg7 : memref<640xf32, #tpu.memory_space<vmem>>)
      tpu.yield
    }) : () -> ()
    %scan3A_18 = arith.constant 0 : i32
    %scan3A_19 = arith.constant 40 : i32
    %scan3A_20 = arith.addi %scan3A_18, %scan3A_19 : i32
    %scan3A_21 = arith.constant 1 : i32
    scf.for %scan3A_25 = %scan3A_18 to %scan3A_20 step %scan3A_21  : i32 {
      %mul3A_26 = arith.constant 16 : i32
      %mul3A_27 = arith.muli %scan3A_25, %mul3A_26 : i32
      %get3A = arith.index_cast %mul3A_27 : i32 to index
      %get3A_28 = tpu.vector_load %arg7[%get3A] {strides = array<i32>} : memref<640xf32, #tpu.memory_space<vmem>>, vector<16xf32>,
      %get3A_29 = vector.shape_cast %get3A_28 : vector<16xf32> to vector<16xf32>
      %bitcast_convert_type3A = tpu.bitcast %get3A_29 : vector<16xf32> -> vector<16xi32>
      %shift_right_arithmetic3A = arith.constant 1 : i32
      %shift_right_arithmetic3A_30 = vector.broadcast %shift_right_arithmetic3A : i32 to vector<16xi32>
      %shift_right_arithmetic3A_31 = arith.shrsi %bitcast_convert_type3A, %shift_right_arithmetic3A_30 : vector<16xi32>
      %sub3A = arith.constant 1597463007 : i32
      %sub3A_32 = vector.broadcast %sub3A : i32 to vector<16xi32>
      %sub3A_33 = arith.subi %sub3A_32, %shift_right_arithmetic3A_31 : vector<16xi32>
      %bitcast_convert_type3A_34 = tpu.bitcast %sub3A_33 : vector<16xi32> -> vector<16xf32>
      %mul3A_35 = arith.constant 5.000000e-01 : f32
      %mul3A_36 = vector.broadcast %mul3A_35 : f32 to vector<16xf32>
      %mul3A_37 = arith.mulf %mul3A_36, %get3A_29 : vector<16xf32>
      %mul3A_38 = arith.mulf %mul3A_37, %bitcast_convert_type3A_34 : vector<16xf32>
      %mul3A_39 = arith.mulf %mul3A_38, %bitcast_convert_type3A_34 : vector<16xf32>
      %sub3A_40 = arith.constant 1.500000e+00 : f32
      %sub3A_41 = vector.broadcast %sub3A_40 : f32 to vector<16xf32>
      %sub3A_42 = arith.subf %sub3A_41, %mul3A_39 : vector<16xf32>
      %mul3A_43 = arith.mulf %bitcast_convert_type3A_34, %sub3A_42 : vector<16xf32>
      %mul3A_44 = arith.constant 5.000000e-01 : f32
      %mul3A_45 = vector.broadcast %mul3A_44 : f32 to vector<16xf32>
      %mul3A_46 = arith.mulf %mul3A_45, %get3A_29 : vector<16xf32>
      %mul3A_47 = arith.mulf %mul3A_46, %mul3A_43 : vector<16xf32>
      %mul3A_48 = arith.mulf %mul3A_47, %mul3A_43 : vector<16xf32>
      %sub3A_49 = arith.constant 1.500000e+00 : f32
      %sub3A_50 = vector.broadcast %sub3A_49 : f32 to vector<16xf32>
      %sub3A_51 = arith.subf %sub3A_50, %mul3A_48 : vector<16xf32>
      %mul3A_52 = arith.mulf %mul3A_43, %sub3A_51 : vector<16xf32>
      %mul3A_53 = arith.constant 5.000000e-01 : f32
      %mul3A_54 = vector.broadcast %mul3A_53 : f32 to vector<16xf32>
      %mul3A_55 = arith.mulf %mul3A_54, %get3A_29 : vector<16xf32>
      %mul3A_56 = arith.mulf %mul3A_55, %mul3A_52 : vector<16xf32>
      %mul3A_57 = arith.mulf %mul3A_56, %mul3A_52 : vector<16xf32>
      %sub3A_58 = arith.constant 1.500000e+00 : f32
      %sub3A_59 = vector.broadcast %sub3A_58 : f32 to vector<16xf32>
      %sub3A_60 = arith.subf %sub3A_59, %mul3A_57 : vector<16xf32>
      %mul3A_61 = arith.mulf %mul3A_52, %sub3A_60 : vector<16xf32>
      %mul3A_62 = arith.constant 16 : i32
      %mul3A_63 = arith.muli %scan3A_25, %mul3A_62 : i32
      %swap3A = arith.index_cast %mul3A_63 : i32 to index
      %swap3A_64 = tpu.vector_load %arg7[%swap3A] {strides = array<i32>} : memref<640xf32, #tpu.memory_space<vmem>>, vector<16xf32>,
      %swap3A_65 = vector.shape_cast %swap3A_64 : vector<16xf32> to vector<16xf32>
      %swap3A_66 = vector.shape_cast %mul3A_61 : vector<16xf32> to vector<16xf32>
      tpu.vector_store %arg7[%swap3A], %swap3A_66 {strides = array<i32>} : memref<640xf32, #tpu.memory_space<vmem>>, vector<16xf32>,
    }
    %scan3A_22 = arith.constant 40 : i32
    %mul3A_23 = arith.constant 640 : i32
    %mul3A_24 = arith.muli %arg1, %mul3A_23 : i32
    "tpu.region"() ({
      %run_scoped3A = tpu.sem_alloc : memref<!tpu.dma_semaphore, #tpu.memory_space<semaphore_mem>>
      %dma_start3A = tpu.memref_slice %arg3[%arg0, %mul3A_24] : memref<2x10240xf32, #tpu.memory_space<hbm>> -> memref<1x640xf32, #tpu.memory_space<hbm>>
      %dma_start3A_25 = tpu.memref_squeeze %dma_start3A : memref<1x640xf32, #tpu.memory_space<hbm>> -> memref<640xf32, #tpu.memory_space<hbm>>
      %dma_start3A_26 = tpu.memref_slice %arg3[%arg0, %mul3A_24] : memref<2x10240xf32, #tpu.memory_space<hbm>> -> memref<1x640xf32, #tpu.memory_space<hbm>>
      %dma_start3A_27 = tpu.memref_squeeze %dma_start3A_26 : memref<1x640xf32, #tpu.memory_space<hbm>> -> memref<640xf32, #tpu.memory_space<hbm>>
      tpu.enqueue_dma source(%arg7 : memref<640xf32, #tpu.memory_space<vmem>>) target(%dma_start3A_27 : memref<640xf32, #tpu.memory_space<hbm>>) target_semaphore(%run_scoped3A : memref<!tpu.dma_semaphore, #tpu.memory_space<semaphore_mem>>)
      %dma_wait3A = tpu.memref_slice %arg3[%arg0, %mul3A_24] : memref<2x10240xf32, #tpu.memory_space<hbm>> -> memref<1x640xf32, #tpu.memory_space<hbm>>
      %dma_wait3A_28 = tpu.memref_squeeze %dma_wait3A : memref<1x640xf32, #tpu.memory_space<hbm>> -> memref<640xf32, #tpu.memory_space<hbm>>
      %dma_wait3A_29 = tpu.memref_slice %arg3[%arg0, %mul3A_24] : memref<2x10240xf32, #tpu.memory_space<hbm>> -> memref<1x640xf32, #tpu.memory_space<hbm>>
      %dma_wait3A_30 = tpu.memref_squeeze %dma_wait3A_29 : memref<1x640xf32, #tpu.memory_space<hbm>> -> memref<640xf32, #tpu.memory_space<hbm>>
      tpu.wait_dma2 semaphore(%run_scoped3A : memref<!tpu.dma_semaphore, #tpu.memory_space<semaphore_mem>>) src(%arg7 : memref<640xf32, #tpu.memory_space<vmem>>) dst(%dma_wait3A_30 : memref<640xf32, #tpu.memory_space<hbm>>)
      tpu.yield
    }) : () -> ()
    return
  }
}

#map = affine_map<(d0, d1) -> (0, 0)>
#map1 = affine_map<(d0, d1) -> (0, 0, 0, 0)>
#map2 = affine_map<(d0, d1) -> (0, 0, 0)>
module attributes {stable_mosaic.version = 14 : i64} {
  func.func @_scatter_body(%arg0: i32, %arg1: i32, %arg2: memref<10240x128xf32, #tpu.memory_space<hbm>>, %arg3: memref<2x32x80x128xi32, #tpu.memory_space<hbm>>, %arg4: memref<2x10240x128xf32, #tpu.memory_space<hbm>>, %arg5: memref<40x128xi32, #tpu.memory_space<vmem>>, %arg6: memref<40x128xi32, #tpu.memory_space<vmem>>, %arg7: memref<2x128x128xf32, #tpu.memory_space<vmem>>, %arg8: memref<!tpu.dma_semaphore, #tpu.memory_space<semaphore_mem>>, %arg9: memref<!tpu.dma_semaphore, #tpu.memory_space<semaphore_mem>>, %arg10: memref<10240x128xf32, #tpu.memory_space<vmem_shared>>) attributes {dimension_semantics = [#tpu.dimension_semantics<core_parallel>, #tpu.dimension_semantics<subcore_parallel>], iteration_bounds = array<i64: 2, 16>, scalar_prefetch = 0 : i64, scratch_operands = 6 : i64, tpu.core_type = #tpu.core_type<sc_vector_subcore>, window_params = [{transform_indices = #map}, {transform_indices = #map1}, {transform_indices = #map2}]} {
    %mul3A = arith.constant 16 : i32
    %mul3A_0 = arith.muli %arg0, %mul3A : i32
    %add3A = arith.addi %mul3A_0, %arg1 : i32
    %scan3A = arith.constant 0 : i32
    %scan3A_1 = arith.constant 128 : i32
    %scan3A_2 = arith.addi %scan3A, %scan3A_1 : i32
    %scan3A_3 = arith.constant 1 : i32
    scf.for %scan3A_75 = %scan3A to %scan3A_2 step %scan3A_3  : i32 {
      %broadcast_in_dim3A = arith.constant 0.000000e+00 : f32
      %broadcast_in_dim3A_76 = vector.broadcast %broadcast_in_dim3A : f32 to vector<16xf32>
      %swap3A = arith.constant 0 : i32
      %swap3A_77 = arith.index_cast %swap3A : i32 to index
      %swap3A_78 = arith.index_cast %scan3A_75 : i32 to index
      %swap3A_79 = arith.constant 0 : index
      %swap3A_80 = tpu.vector_load %arg7[%swap3A_77, %swap3A_78, %swap3A_79] {strides = array<i32>} : memref<2x128x128xf32, #tpu.memory_space<vmem>>, vector<1x1x16xf32>,
      %swap3A_81 = vector.shape_cast %swap3A_80 : vector<1x1x16xf32> to vector<16xf32>
      %swap3A_82 = vector.shape_cast %broadcast_in_dim3A_76 : vector<16xf32> to vector<1x1x16xf32>
      tpu.vector_store %arg7[%swap3A_77, %swap3A_78, %swap3A_79], %swap3A_82 {strides = array<i32>} : memref<2x128x128xf32, #tpu.memory_space<vmem>>, vector<1x1x16xf32>,
      %broadcast_in_dim3A_83 = arith.constant 0.000000e+00 : f32
      %broadcast_in_dim3A_84 = vector.broadcast %broadcast_in_dim3A_83 : f32 to vector<16xf32>
      %swap3A_85 = arith.constant 0 : i32
      %swap3A_86 = arith.index_cast %swap3A_85 : i32 to index
      %swap3A_87 = arith.index_cast %scan3A_75 : i32 to index
      %swap3A_88 = arith.constant 16 : index
      %swap3A_89 = tpu.vector_load %arg7[%swap3A_86, %swap3A_87, %swap3A_88] {strides = array<i32>} : memref<2x128x128xf32, #tpu.memory_space<vmem>>, vector<1x1x16xf32>,
      %swap3A_90 = vector.shape_cast %swap3A_89 : vector<1x1x16xf32> to vector<16xf32>
      %swap3A_91 = vector.shape_cast %broadcast_in_dim3A_84 : vector<16xf32> to vector<1x1x16xf32>
      tpu.vector_store %arg7[%swap3A_86, %swap3A_87, %swap3A_88], %swap3A_91 {strides = array<i32>} : memref<2x128x128xf32, #tpu.memory_space<vmem>>, vector<1x1x16xf32>,
      %broadcast_in_dim3A_92 = arith.constant 0.000000e+00 : f32
      %broadcast_in_dim3A_93 = vector.broadcast %broadcast_in_dim3A_92 : f32 to vector<16xf32>
      %swap3A_94 = arith.constant 0 : i32
      %swap3A_95 = arith.index_cast %swap3A_94 : i32 to index
      %swap3A_96 = arith.index_cast %scan3A_75 : i32 to index
      %swap3A_97 = arith.constant 32 : index
      %swap3A_98 = tpu.vector_load %arg7[%swap3A_95, %swap3A_96, %swap3A_97] {strides = array<i32>} : memref<2x128x128xf32, #tpu.memory_space<vmem>>, vector<1x1x16xf32>,
      %swap3A_99 = vector.shape_cast %swap3A_98 : vector<1x1x16xf32> to vector<16xf32>
      %swap3A_100 = vector.shape_cast %broadcast_in_dim3A_93 : vector<16xf32> to vector<1x1x16xf32>
      tpu.vector_store %arg7[%swap3A_95, %swap3A_96, %swap3A_97], %swap3A_100 {strides = array<i32>} : memref<2x128x128xf32, #tpu.memory_space<vmem>>, vector<1x1x16xf32>,
      %broadcast_in_dim3A_101 = arith.constant 0.000000e+00 : f32
      %broadcast_in_dim3A_102 = vector.broadcast %broadcast_in_dim3A_101 : f32 to vector<16xf32>
      %swap3A_103 = arith.constant 0 : i32
      %swap3A_104 = arith.index_cast %swap3A_103 : i32 to index
      %swap3A_105 = arith.index_cast %scan3A_75 : i32 to index
      %swap3A_106 = arith.constant 48 : index
      %swap3A_107 = tpu.vector_load %arg7[%swap3A_104, %swap3A_105, %swap3A_106] {strides = array<i32>} : memref<2x128x128xf32, #tpu.memory_space<vmem>>, vector<1x1x16xf32>,
      %swap3A_108 = vector.shape_cast %swap3A_107 : vector<1x1x16xf32> to vector<16xf32>
      %swap3A_109 = vector.shape_cast %broadcast_in_dim3A_102 : vector<16xf32> to vector<1x1x16xf32>
      tpu.vector_store %arg7[%swap3A_104, %swap3A_105, %swap3A_106], %swap3A_109 {strides = array<i32>} : memref<2x128x128xf32, #tpu.memory_space<vmem>>, vector<1x1x16xf32>,
      %broadcast_in_dim3A_110 = arith.constant 0.000000e+00 : f32
      %broadcast_in_dim3A_111 = vector.broadcast %broadcast_in_dim3A_110 : f32 to vector<16xf32>
      %swap3A_112 = arith.constant 0 : i32
      %swap3A_113 = arith.index_cast %swap3A_112 : i32 to index
      %swap3A_114 = arith.index_cast %scan3A_75 : i32 to index
      %swap3A_115 = arith.constant 64 : index
      %swap3A_116 = tpu.vector_load %arg7[%swap3A_113, %swap3A_114, %swap3A_115] {strides = array<i32>} : memref<2x128x128xf32, #tpu.memory_space<vmem>>, vector<1x1x16xf32>,
      %swap3A_117 = vector.shape_cast %swap3A_116 : vector<1x1x16xf32> to vector<16xf32>
      %swap3A_118 = vector.shape_cast %broadcast_in_dim3A_111 : vector<16xf32> to vector<1x1x16xf32>
      tpu.vector_store %arg7[%swap3A_113, %swap3A_114, %swap3A_115], %swap3A_118 {strides = array<i32>} : memref<2x128x128xf32, #tpu.memory_space<vmem>>, vector<1x1x16xf32>,
      %broadcast_in_dim3A_119 = arith.constant 0.000000e+00 : f32
      %broadcast_in_dim3A_120 = vector.broadcast %broadcast_in_dim3A_119 : f32 to vector<16xf32>
      %swap3A_121 = arith.constant 0 : i32
      %swap3A_122 = arith.index_cast %swap3A_121 : i32 to index
      %swap3A_123 = arith.index_cast %scan3A_75 : i32 to index
      %swap3A_124 = arith.constant 80 : index
      %swap3A_125 = tpu.vector_load %arg7[%swap3A_122, %swap3A_123, %swap3A_124] {strides = array<i32>} : memref<2x128x128xf32, #tpu.memory_space<vmem>>, vector<1x1x16xf32>,
      %swap3A_126 = vector.shape_cast %swap3A_125 : vector<1x1x16xf32> to vector<16xf32>
      %swap3A_127 = vector.shape_cast %broadcast_in_dim3A_120 : vector<16xf32> to vector<1x1x16xf32>
      tpu.vector_store %arg7[%swap3A_122, %swap3A_123, %swap3A_124], %swap3A_127 {strides = array<i32>} : memref<2x128x128xf32, #tpu.memory_space<vmem>>, vector<1x1x16xf32>,
      %broadcast_in_dim3A_128 = arith.constant 0.000000e+00 : f32
      %broadcast_in_dim3A_129 = vector.broadcast %broadcast_in_dim3A_128 : f32 to vector<16xf32>
      %swap3A_130 = arith.constant 0 : i32
      %swap3A_131 = arith.index_cast %swap3A_130 : i32 to index
      %swap3A_132 = arith.index_cast %scan3A_75 : i32 to index
      %swap3A_133 = arith.constant 96 : index
      %swap3A_134 = tpu.vector_load %arg7[%swap3A_131, %swap3A_132, %swap3A_133] {strides = array<i32>} : memref<2x128x128xf32, #tpu.memory_space<vmem>>, vector<1x1x16xf32>,
      %swap3A_135 = vector.shape_cast %swap3A_134 : vector<1x1x16xf32> to vector<16xf32>
      %swap3A_136 = vector.shape_cast %broadcast_in_dim3A_129 : vector<16xf32> to vector<1x1x16xf32>
      tpu.vector_store %arg7[%swap3A_131, %swap3A_132, %swap3A_133], %swap3A_136 {strides = array<i32>} : memref<2x128x128xf32, #tpu.memory_space<vmem>>, vector<1x1x16xf32>,
      %broadcast_in_dim3A_137 = arith.constant 0.000000e+00 : f32
      %broadcast_in_dim3A_138 = vector.broadcast %broadcast_in_dim3A_137 : f32 to vector<16xf32>
      %swap3A_139 = arith.constant 0 : i32
      %swap3A_140 = arith.index_cast %swap3A_139 : i32 to index
      %swap3A_141 = arith.index_cast %scan3A_75 : i32 to index
      %swap3A_142 = arith.constant 112 : index
      %swap3A_143 = tpu.vector_load %arg7[%swap3A_140, %swap3A_141, %swap3A_142] {strides = array<i32>} : memref<2x128x128xf32, #tpu.memory_space<vmem>>, vector<1x1x16xf32>,
      %swap3A_144 = vector.shape_cast %swap3A_143 : vector<1x1x16xf32> to vector<16xf32>
      %swap3A_145 = vector.shape_cast %broadcast_in_dim3A_138 : vector<16xf32> to vector<1x1x16xf32>
      tpu.vector_store %arg7[%swap3A_140, %swap3A_141, %swap3A_142], %swap3A_145 {strides = array<i32>} : memref<2x128x128xf32, #tpu.memory_space<vmem>>, vector<1x1x16xf32>,
    }
    %scan3A_4 = arith.constant 128 : i32
    %mul3A_5 = arith.constant 640 : i32
    %mul3A_6 = arith.muli %arg1, %mul3A_5 : i32
    %add3A_7 = arith.constant 0 : i32
    %add3A_8 = arith.addi %mul3A_6, %add3A_7 : i32
    %run_scoped3A = arith.constant 0 : i32
    "tpu.region"() ({
      %run_scoped3A_75 = tpu.sem_alloc : memref<!tpu.dma_semaphore, #tpu.memory_space<semaphore_mem>>
      %dma_start3A_76 = arith.constant 0 : i32
      %dma_start3A_77 = arith.constant 0 : i32
      %dma_start3A_78 = tpu.memref_slice %arg7[%run_scoped3A, %dma_start3A_76, %dma_start3A_77] : memref<2x128x128xf32, #tpu.memory_space<vmem>> -> memref<1x128x128xf32, #tpu.memory_space<vmem>>
      %dma_start3A_79 = tpu.memref_squeeze %dma_start3A_78 : memref<1x128x128xf32, #tpu.memory_space<vmem>> -> memref<128x128xf32, #tpu.memory_space<vmem>>
      %dma_start3A_80 = arith.constant 0 : i32
      %dma_start3A_81 = tpu.memref_slice %arg10[%add3A_8, %dma_start3A_80] : memref<10240x128xf32, #tpu.memory_space<vmem_shared>> -> memref<128x128xf32, #tpu.memory_space<vmem_shared>>
      %dma_start3A_82 = arith.constant 0 : i32
      %dma_start3A_83 = tpu.memref_slice %arg10[%add3A_8, %dma_start3A_82] : memref<10240x128xf32, #tpu.memory_space<vmem_shared>> -> memref<128x128xf32, #tpu.memory_space<vmem_shared>>
      %dma_start3A_84 = arith.constant 0 : i32
      %dma_start3A_85 = arith.constant 0 : i32
      %dma_start3A_86 = tpu.memref_slice %arg7[%run_scoped3A, %dma_start3A_84, %dma_start3A_85] : memref<2x128x128xf32, #tpu.memory_space<vmem>> -> memref<1x128x128xf32, #tpu.memory_space<vmem>>
      %dma_start3A_87 = tpu.memref_squeeze %dma_start3A_86 : memref<1x128x128xf32, #tpu.memory_space<vmem>> -> memref<128x128xf32, #tpu.memory_space<vmem>>
      tpu.enqueue_dma source(%dma_start3A_87 : memref<128x128xf32, #tpu.memory_space<vmem>>) target(%dma_start3A_83 : memref<128x128xf32, #tpu.memory_space<vmem_shared>>) target_semaphore(%run_scoped3A_75 : memref<!tpu.dma_semaphore, #tpu.memory_space<semaphore_mem>>)
      %dma_wait3A = arith.constant 0 : i32
      %dma_wait3A_88 = arith.constant 0 : i32
      %dma_wait3A_89 = tpu.memref_slice %arg7[%run_scoped3A, %dma_wait3A, %dma_wait3A_88] : memref<2x128x128xf32, #tpu.memory_space<vmem>> -> memref<1x128x128xf32, #tpu.memory_space<vmem>>
      %dma_wait3A_90 = tpu.memref_squeeze %dma_wait3A_89 : memref<1x128x128xf32, #tpu.memory_space<vmem>> -> memref<128x128xf32, #tpu.memory_space<vmem>>
      %dma_wait3A_91 = arith.constant 0 : i32
      %dma_wait3A_92 = tpu.memref_slice %arg10[%add3A_8, %dma_wait3A_91] : memref<10240x128xf32, #tpu.memory_space<vmem_shared>> -> memref<128x128xf32, #tpu.memory_space<vmem_shared>>
      %dma_wait3A_93 = arith.constant 0 : i32
      %dma_wait3A_94 = tpu.memref_slice %arg10[%add3A_8, %dma_wait3A_93] : memref<10240x128xf32, #tpu.memory_space<vmem_shared>> -> memref<128x128xf32, #tpu.memory_space<vmem_shared>>
      %dma_wait3A_95 = arith.constant 0 : i32
      %dma_wait3A_96 = arith.constant 0 : i32
      %dma_wait3A_97 = tpu.memref_slice %arg7[%run_scoped3A, %dma_wait3A_95, %dma_wait3A_96] : memref<2x128x128xf32, #tpu.memory_space<vmem>> -> memref<1x128x128xf32, #tpu.memory_space<vmem>>
      %dma_wait3A_98 = tpu.memref_squeeze %dma_wait3A_97 : memref<1x128x128xf32, #tpu.memory_space<vmem>> -> memref<128x128xf32, #tpu.memory_space<vmem>>
      tpu.wait_dma2 semaphore(%run_scoped3A_75 : memref<!tpu.dma_semaphore, #tpu.memory_space<semaphore_mem>>) src(%dma_wait3A_98 : memref<128x128xf32, #tpu.memory_space<vmem>>) dst(%dma_wait3A_94 : memref<128x128xf32, #tpu.memory_space<vmem_shared>>)
      tpu.yield
    }) : () -> ()
    %mul3A_9 = arith.constant 640 : i32
    %mul3A_10 = arith.muli %arg1, %mul3A_9 : i32
    %add3A_11 = arith.constant 128 : i32
    %add3A_12 = arith.addi %mul3A_10, %add3A_11 : i32
    %run_scoped3A_13 = arith.constant 0 : i32
    "tpu.region"() ({
      %run_scoped3A_75 = tpu.sem_alloc : memref<!tpu.dma_semaphore, #tpu.memory_space<semaphore_mem>>
      %dma_start3A_76 = arith.constant 0 : i32
      %dma_start3A_77 = arith.constant 0 : i32
      %dma_start3A_78 = tpu.memref_slice %arg7[%run_scoped3A_13, %dma_start3A_76, %dma_start3A_77] : memref<2x128x128xf32, #tpu.memory_space<vmem>> -> memref<1x128x128xf32, #tpu.memory_space<vmem>>
      %dma_start3A_79 = tpu.memref_squeeze %dma_start3A_78 : memref<1x128x128xf32, #tpu.memory_space<vmem>> -> memref<128x128xf32, #tpu.memory_space<vmem>>
      %dma_start3A_80 = arith.constant 0 : i32
      %dma_start3A_81 = tpu.memref_slice %arg10[%add3A_12, %dma_start3A_80] : memref<10240x128xf32, #tpu.memory_space<vmem_shared>> -> memref<128x128xf32, #tpu.memory_space<vmem_shared>>
      %dma_start3A_82 = arith.constant 0 : i32
      %dma_start3A_83 = tpu.memref_slice %arg10[%add3A_12, %dma_start3A_82] : memref<10240x128xf32, #tpu.memory_space<vmem_shared>> -> memref<128x128xf32, #tpu.memory_space<vmem_shared>>
      %dma_start3A_84 = arith.constant 0 : i32
      %dma_start3A_85 = arith.constant 0 : i32
      %dma_start3A_86 = tpu.memref_slice %arg7[%run_scoped3A_13, %dma_start3A_84, %dma_start3A_85] : memref<2x128x128xf32, #tpu.memory_space<vmem>> -> memref<1x128x128xf32, #tpu.memory_space<vmem>>
      %dma_start3A_87 = tpu.memref_squeeze %dma_start3A_86 : memref<1x128x128xf32, #tpu.memory_space<vmem>> -> memref<128x128xf32, #tpu.memory_space<vmem>>
      tpu.enqueue_dma source(%dma_start3A_87 : memref<128x128xf32, #tpu.memory_space<vmem>>) target(%dma_start3A_83 : memref<128x128xf32, #tpu.memory_space<vmem_shared>>) target_semaphore(%run_scoped3A_75 : memref<!tpu.dma_semaphore, #tpu.memory_space<semaphore_mem>>)
      %dma_wait3A = arith.constant 0 : i32
      %dma_wait3A_88 = arith.constant 0 : i32
      %dma_wait3A_89 = tpu.memref_slice %arg7[%run_scoped3A_13, %dma_wait3A, %dma_wait3A_88] : memref<2x128x128xf32, #tpu.memory_space<vmem>> -> memref<1x128x128xf32, #tpu.memory_space<vmem>>
      %dma_wait3A_90 = tpu.memref_squeeze %dma_wait3A_89 : memref<1x128x128xf32, #tpu.memory_space<vmem>> -> memref<128x128xf32, #tpu.memory_space<vmem>>
      %dma_wait3A_91 = arith.constant 0 : i32
      %dma_wait3A_92 = tpu.memref_slice %arg10[%add3A_12, %dma_wait3A_91] : memref<10240x128xf32, #tpu.memory_space<vmem_shared>> -> memref<128x128xf32, #tpu.memory_space<vmem_shared>>
      %dma_wait3A_93 = arith.constant 0 : i32
      %dma_wait3A_94 = tpu.memref_slice %arg10[%add3A_12, %dma_wait3A_93] : memref<10240x128xf32, #tpu.memory_space<vmem_shared>> -> memref<128x128xf32, #tpu.memory_space<vmem_shared>>
      %dma_wait3A_95 = arith.constant 0 : i32
      %dma_wait3A_96 = arith.constant 0 : i32
      %dma_wait3A_97 = tpu.memref_slice %arg7[%run_scoped3A_13, %dma_wait3A_95, %dma_wait3A_96] : memref<2x128x128xf32, #tpu.memory_space<vmem>> -> memref<1x128x128xf32, #tpu.memory_space<vmem>>
      %dma_wait3A_98 = tpu.memref_squeeze %dma_wait3A_97 : memref<1x128x128xf32, #tpu.memory_space<vmem>> -> memref<128x128xf32, #tpu.memory_space<vmem>>
      tpu.wait_dma2 semaphore(%run_scoped3A_75 : memref<!tpu.dma_semaphore, #tpu.memory_space<semaphore_mem>>) src(%dma_wait3A_98 : memref<128x128xf32, #tpu.memory_space<vmem>>) dst(%dma_wait3A_94 : memref<128x128xf32, #tpu.memory_space<vmem_shared>>)
      tpu.yield
    }) : () -> ()
    %mul3A_14 = arith.constant 640 : i32
    %mul3A_15 = arith.muli %arg1, %mul3A_14 : i32
    %add3A_16 = arith.constant 256 : i32
    %add3A_17 = arith.addi %mul3A_15, %add3A_16 : i32
    %run_scoped3A_18 = arith.constant 0 : i32
    "tpu.region"() ({
      %run_scoped3A_75 = tpu.sem_alloc : memref<!tpu.dma_semaphore, #tpu.memory_space<semaphore_mem>>
      %dma_start3A_76 = arith.constant 0 : i32
      %dma_start3A_77 = arith.constant 0 : i32
      %dma_start3A_78 = tpu.memref_slice %arg7[%run_scoped3A_18, %dma_start3A_76, %dma_start3A_77] : memref<2x128x128xf32, #tpu.memory_space<vmem>> -> memref<1x128x128xf32, #tpu.memory_space<vmem>>
      %dma_start3A_79 = tpu.memref_squeeze %dma_start3A_78 : memref<1x128x128xf32, #tpu.memory_space<vmem>> -> memref<128x128xf32, #tpu.memory_space<vmem>>
      %dma_start3A_80 = arith.constant 0 : i32
      %dma_start3A_81 = tpu.memref_slice %arg10[%add3A_17, %dma_start3A_80] : memref<10240x128xf32, #tpu.memory_space<vmem_shared>> -> memref<128x128xf32, #tpu.memory_space<vmem_shared>>
      %dma_start3A_82 = arith.constant 0 : i32
      %dma_start3A_83 = tpu.memref_slice %arg10[%add3A_17, %dma_start3A_82] : memref<10240x128xf32, #tpu.memory_space<vmem_shared>> -> memref<128x128xf32, #tpu.memory_space<vmem_shared>>
      %dma_start3A_84 = arith.constant 0 : i32
      %dma_start3A_85 = arith.constant 0 : i32
      %dma_start3A_86 = tpu.memref_slice %arg7[%run_scoped3A_18, %dma_start3A_84, %dma_start3A_85] : memref<2x128x128xf32, #tpu.memory_space<vmem>> -> memref<1x128x128xf32, #tpu.memory_space<vmem>>
      %dma_start3A_87 = tpu.memref_squeeze %dma_start3A_86 : memref<1x128x128xf32, #tpu.memory_space<vmem>> -> memref<128x128xf32, #tpu.memory_space<vmem>>
      tpu.enqueue_dma source(%dma_start3A_87 : memref<128x128xf32, #tpu.memory_space<vmem>>) target(%dma_start3A_83 : memref<128x128xf32, #tpu.memory_space<vmem_shared>>) target_semaphore(%run_scoped3A_75 : memref<!tpu.dma_semaphore, #tpu.memory_space<semaphore_mem>>)
      %dma_wait3A = arith.constant 0 : i32
      %dma_wait3A_88 = arith.constant 0 : i32
      %dma_wait3A_89 = tpu.memref_slice %arg7[%run_scoped3A_18, %dma_wait3A, %dma_wait3A_88] : memref<2x128x128xf32, #tpu.memory_space<vmem>> -> memref<1x128x128xf32, #tpu.memory_space<vmem>>
      %dma_wait3A_90 = tpu.memref_squeeze %dma_wait3A_89 : memref<1x128x128xf32, #tpu.memory_space<vmem>> -> memref<128x128xf32, #tpu.memory_space<vmem>>
      %dma_wait3A_91 = arith.constant 0 : i32
      %dma_wait3A_92 = tpu.memref_slice %arg10[%add3A_17, %dma_wait3A_91] : memref<10240x128xf32, #tpu.memory_space<vmem_shared>> -> memref<128x128xf32, #tpu.memory_space<vmem_shared>>
      %dma_wait3A_93 = arith.constant 0 : i32
      %dma_wait3A_94 = tpu.memref_slice %arg10[%add3A_17, %dma_wait3A_93] : memref<10240x128xf32, #tpu.memory_space<vmem_shared>> -> memref<128x128xf32, #tpu.memory_space<vmem_shared>>
      %dma_wait3A_95 = arith.constant 0 : i32
      %dma_wait3A_96 = arith.constant 0 : i32
      %dma_wait3A_97 = tpu.memref_slice %arg7[%run_scoped3A_18, %dma_wait3A_95, %dma_wait3A_96] : memref<2x128x128xf32, #tpu.memory_space<vmem>> -> memref<1x128x128xf32, #tpu.memory_space<vmem>>
      %dma_wait3A_98 = tpu.memref_squeeze %dma_wait3A_97 : memref<1x128x128xf32, #tpu.memory_space<vmem>> -> memref<128x128xf32, #tpu.memory_space<vmem>>
      tpu.wait_dma2 semaphore(%run_scoped3A_75 : memref<!tpu.dma_semaphore, #tpu.memory_space<semaphore_mem>>) src(%dma_wait3A_98 : memref<128x128xf32, #tpu.memory_space<vmem>>) dst(%dma_wait3A_94 : memref<128x128xf32, #tpu.memory_space<vmem_shared>>)
      tpu.yield
    }) : () -> ()
    %mul3A_19 = arith.constant 640 : i32
    %mul3A_20 = arith.muli %arg1, %mul3A_19 : i32
    %add3A_21 = arith.constant 384 : i32
    %add3A_22 = arith.addi %mul3A_20, %add3A_21 : i32
    %run_scoped3A_23 = arith.constant 0 : i32
    "tpu.region"() ({
      %run_scoped3A_75 = tpu.sem_alloc : memref<!tpu.dma_semaphore, #tpu.memory_space<semaphore_mem>>
      %dma_start3A_76 = arith.constant 0 : i32
      %dma_start3A_77 = arith.constant 0 : i32
      %dma_start3A_78 = tpu.memref_slice %arg7[%run_scoped3A_23, %dma_start3A_76, %dma_start3A_77] : memref<2x128x128xf32, #tpu.memory_space<vmem>> -> memref<1x128x128xf32, #tpu.memory_space<vmem>>
      %dma_start3A_79 = tpu.memref_squeeze %dma_start3A_78 : memref<1x128x128xf32, #tpu.memory_space<vmem>> -> memref<128x128xf32, #tpu.memory_space<vmem>>
      %dma_start3A_80 = arith.constant 0 : i32
      %dma_start3A_81 = tpu.memref_slice %arg10[%add3A_22, %dma_start3A_80] : memref<10240x128xf32, #tpu.memory_space<vmem_shared>> -> memref<128x128xf32, #tpu.memory_space<vmem_shared>>
      %dma_start3A_82 = arith.constant 0 : i32
      %dma_start3A_83 = tpu.memref_slice %arg10[%add3A_22, %dma_start3A_82] : memref<10240x128xf32, #tpu.memory_space<vmem_shared>> -> memref<128x128xf32, #tpu.memory_space<vmem_shared>>
      %dma_start3A_84 = arith.constant 0 : i32
      %dma_start3A_85 = arith.constant 0 : i32
      %dma_start3A_86 = tpu.memref_slice %arg7[%run_scoped3A_23, %dma_start3A_84, %dma_start3A_85] : memref<2x128x128xf32, #tpu.memory_space<vmem>> -> memref<1x128x128xf32, #tpu.memory_space<vmem>>
      %dma_start3A_87 = tpu.memref_squeeze %dma_start3A_86 : memref<1x128x128xf32, #tpu.memory_space<vmem>> -> memref<128x128xf32, #tpu.memory_space<vmem>>
      tpu.enqueue_dma source(%dma_start3A_87 : memref<128x128xf32, #tpu.memory_space<vmem>>) target(%dma_start3A_83 : memref<128x128xf32, #tpu.memory_space<vmem_shared>>) target_semaphore(%run_scoped3A_75 : memref<!tpu.dma_semaphore, #tpu.memory_space<semaphore_mem>>)
      %dma_wait3A = arith.constant 0 : i32
      %dma_wait3A_88 = arith.constant 0 : i32
      %dma_wait3A_89 = tpu.memref_slice %arg7[%run_scoped3A_23, %dma_wait3A, %dma_wait3A_88] : memref<2x128x128xf32, #tpu.memory_space<vmem>> -> memref<1x128x128xf32, #tpu.memory_space<vmem>>
      %dma_wait3A_90 = tpu.memref_squeeze %dma_wait3A_89 : memref<1x128x128xf32, #tpu.memory_space<vmem>> -> memref<128x128xf32, #tpu.memory_space<vmem>>
      %dma_wait3A_91 = arith.constant 0 : i32
      %dma_wait3A_92 = tpu.memref_slice %arg10[%add3A_22, %dma_wait3A_91] : memref<10240x128xf32, #tpu.memory_space<vmem_shared>> -> memref<128x128xf32, #tpu.memory_space<vmem_shared>>
      %dma_wait3A_93 = arith.constant 0 : i32
      %dma_wait3A_94 = tpu.memref_slice %arg10[%add3A_22, %dma_wait3A_93] : memref<10240x128xf32, #tpu.memory_space<vmem_shared>> -> memref<128x128xf32, #tpu.memory_space<vmem_shared>>
      %dma_wait3A_95 = arith.constant 0 : i32
      %dma_wait3A_96 = arith.constant 0 : i32
      %dma_wait3A_97 = tpu.memref_slice %arg7[%run_scoped3A_23, %dma_wait3A_95, %dma_wait3A_96] : memref<2x128x128xf32, #tpu.memory_space<vmem>> -> memref<1x128x128xf32, #tpu.memory_space<vmem>>
      %dma_wait3A_98 = tpu.memref_squeeze %dma_wait3A_97 : memref<1x128x128xf32, #tpu.memory_space<vmem>> -> memref<128x128xf32, #tpu.memory_space<vmem>>
      tpu.wait_dma2 semaphore(%run_scoped3A_75 : memref<!tpu.dma_semaphore, #tpu.memory_space<semaphore_mem>>) src(%dma_wait3A_98 : memref<128x128xf32, #tpu.memory_space<vmem>>) dst(%dma_wait3A_94 : memref<128x128xf32, #tpu.memory_space<vmem_shared>>)
      tpu.yield
    }) : () -> ()
    %mul3A_24 = arith.constant 640 : i32
    %mul3A_25 = arith.muli %arg1, %mul3A_24 : i32
    %add3A_26 = arith.constant 512 : i32
    %add3A_27 = arith.addi %mul3A_25, %add3A_26 : i32
    %run_scoped3A_28 = arith.constant 0 : i32
    "tpu.region"() ({
      %run_scoped3A_75 = tpu.sem_alloc : memref<!tpu.dma_semaphore, #tpu.memory_space<semaphore_mem>>
      %dma_start3A_76 = arith.constant 0 : i32
      %dma_start3A_77 = arith.constant 0 : i32
      %dma_start3A_78 = tpu.memref_slice %arg7[%run_scoped3A_28, %dma_start3A_76, %dma_start3A_77] : memref<2x128x128xf32, #tpu.memory_space<vmem>> -> memref<1x128x128xf32, #tpu.memory_space<vmem>>
      %dma_start3A_79 = tpu.memref_squeeze %dma_start3A_78 : memref<1x128x128xf32, #tpu.memory_space<vmem>> -> memref<128x128xf32, #tpu.memory_space<vmem>>
      %dma_start3A_80 = arith.constant 0 : i32
      %dma_start3A_81 = tpu.memref_slice %arg10[%add3A_27, %dma_start3A_80] : memref<10240x128xf32, #tpu.memory_space<vmem_shared>> -> memref<128x128xf32, #tpu.memory_space<vmem_shared>>
      %dma_start3A_82 = arith.constant 0 : i32
      %dma_start3A_83 = tpu.memref_slice %arg10[%add3A_27, %dma_start3A_82] : memref<10240x128xf32, #tpu.memory_space<vmem_shared>> -> memref<128x128xf32, #tpu.memory_space<vmem_shared>>
      %dma_start3A_84 = arith.constant 0 : i32
      %dma_start3A_85 = arith.constant 0 : i32
      %dma_start3A_86 = tpu.memref_slice %arg7[%run_scoped3A_28, %dma_start3A_84, %dma_start3A_85] : memref<2x128x128xf32, #tpu.memory_space<vmem>> -> memref<1x128x128xf32, #tpu.memory_space<vmem>>
      %dma_start3A_87 = tpu.memref_squeeze %dma_start3A_86 : memref<1x128x128xf32, #tpu.memory_space<vmem>> -> memref<128x128xf32, #tpu.memory_space<vmem>>
      tpu.enqueue_dma source(%dma_start3A_87 : memref<128x128xf32, #tpu.memory_space<vmem>>) target(%dma_start3A_83 : memref<128x128xf32, #tpu.memory_space<vmem_shared>>) target_semaphore(%run_scoped3A_75 : memref<!tpu.dma_semaphore, #tpu.memory_space<semaphore_mem>>)
      %dma_wait3A = arith.constant 0 : i32
      %dma_wait3A_88 = arith.constant 0 : i32
      %dma_wait3A_89 = tpu.memref_slice %arg7[%run_scoped3A_28, %dma_wait3A, %dma_wait3A_88] : memref<2x128x128xf32, #tpu.memory_space<vmem>> -> memref<1x128x128xf32, #tpu.memory_space<vmem>>
      %dma_wait3A_90 = tpu.memref_squeeze %dma_wait3A_89 : memref<1x128x128xf32, #tpu.memory_space<vmem>> -> memref<128x128xf32, #tpu.memory_space<vmem>>
      %dma_wait3A_91 = arith.constant 0 : i32
      %dma_wait3A_92 = tpu.memref_slice %arg10[%add3A_27, %dma_wait3A_91] : memref<10240x128xf32, #tpu.memory_space<vmem_shared>> -> memref<128x128xf32, #tpu.memory_space<vmem_shared>>
      %dma_wait3A_93 = arith.constant 0 : i32
      %dma_wait3A_94 = tpu.memref_slice %arg10[%add3A_27, %dma_wait3A_93] : memref<10240x128xf32, #tpu.memory_space<vmem_shared>> -> memref<128x128xf32, #tpu.memory_space<vmem_shared>>
      %dma_wait3A_95 = arith.constant 0 : i32
      %dma_wait3A_96 = arith.constant 0 : i32
      %dma_wait3A_97 = tpu.memref_slice %arg7[%run_scoped3A_28, %dma_wait3A_95, %dma_wait3A_96] : memref<2x128x128xf32, #tpu.memory_space<vmem>> -> memref<1x128x128xf32, #tpu.memory_space<vmem>>
      %dma_wait3A_98 = tpu.memref_squeeze %dma_wait3A_97 : memref<1x128x128xf32, #tpu.memory_space<vmem>> -> memref<128x128xf32, #tpu.memory_space<vmem>>
      tpu.wait_dma2 semaphore(%run_scoped3A_75 : memref<!tpu.dma_semaphore, #tpu.memory_space<semaphore_mem>>) src(%dma_wait3A_98 : memref<128x128xf32, #tpu.memory_space<vmem>>) dst(%dma_wait3A_94 : memref<128x128xf32, #tpu.memory_space<vmem_shared>>)
      tpu.yield
    }) : () -> ()
    %barrier3A = arith.constant 0 : index
    tpu.barrier barrier_id(%barrier3A)
    %run_scoped3A_29 = arith.constant 0 : i32
    "tpu.region"() ({
      %run_scoped3A_75 = tpu.sem_alloc : memref<!tpu.dma_semaphore, #tpu.memory_space<semaphore_mem>>
      %dma_start3A_76 = arith.constant 0 : i32
      %dma_start3A_77 = arith.constant 0 : i32
      %dma_start3A_78 = tpu.memref_slice %arg3[%run_scoped3A_29, %add3A, %dma_start3A_76, %dma_start3A_77] : memref<2x32x80x128xi32, #tpu.memory_space<hbm>> -> memref<1x1x40x128xi32, #tpu.memory_space<hbm>>
      %dma_start3A_79 = tpu.memref_squeeze %dma_start3A_78 : memref<1x1x40x128xi32, #tpu.memory_space<hbm>> -> memref<40x128xi32, #tpu.memory_space<hbm>>
      %dma_start3A_80 = arith.constant 0 : i32
      %dma_start3A_81 = arith.constant 0 : i32
      %dma_start3A_82 = tpu.memref_slice %arg3[%run_scoped3A_29, %add3A, %dma_start3A_80, %dma_start3A_81] : memref<2x32x80x128xi32, #tpu.memory_space<hbm>> -> memref<1x1x40x128xi32, #tpu.memory_space<hbm>>
      %dma_start3A_83 = tpu.memref_squeeze %dma_start3A_82 : memref<1x1x40x128xi32, #tpu.memory_space<hbm>> -> memref<40x128xi32, #tpu.memory_space<hbm>>
      tpu.enqueue_dma source(%dma_start3A_83 : memref<40x128xi32, #tpu.memory_space<hbm>>) target(%arg5 : memref<40x128xi32, #tpu.memory_space<vmem>>) target_semaphore(%run_scoped3A_75 : memref<!tpu.dma_semaphore, #tpu.memory_space<semaphore_mem>>)
      %dma_wait3A = arith.constant 0 : i32
      %dma_wait3A_84 = arith.constant 0 : i32
      %dma_wait3A_85 = tpu.memref_slice %arg3[%run_scoped3A_29, %add3A, %dma_wait3A, %dma_wait3A_84] : memref<2x32x80x128xi32, #tpu.memory_space<hbm>> -> memref<1x1x40x128xi32, #tpu.memory_space<hbm>>
      %dma_wait3A_86 = tpu.memref_squeeze %dma_wait3A_85 : memref<1x1x40x128xi32, #tpu.memory_space<hbm>> -> memref<40x128xi32, #tpu.memory_space<hbm>>
      %dma_wait3A_87 = arith.constant 0 : i32
      %dma_wait3A_88 = arith.constant 0 : i32
      %dma_wait3A_89 = tpu.memref_slice %arg3[%run_scoped3A_29, %add3A, %dma_wait3A_87, %dma_wait3A_88] : memref<2x32x80x128xi32, #tpu.memory_space<hbm>> -> memref<1x1x40x128xi32, #tpu.memory_space<hbm>>
      %dma_wait3A_90 = tpu.memref_squeeze %dma_wait3A_89 : memref<1x1x40x128xi32, #tpu.memory_space<hbm>> -> memref<40x128xi32, #tpu.memory_space<hbm>>
      tpu.wait_dma2 semaphore(%run_scoped3A_75 : memref<!tpu.dma_semaphore, #tpu.memory_space<semaphore_mem>>) src(%dma_wait3A_90 : memref<40x128xi32, #tpu.memory_space<hbm>>) dst(%arg5 : memref<40x128xi32, #tpu.memory_space<vmem>>)
      tpu.yield
    }) : () -> ()
    %run_scoped3A_30 = arith.constant 1 : i32
    "tpu.region"() ({
      %run_scoped3A_75 = tpu.sem_alloc : memref<!tpu.dma_semaphore, #tpu.memory_space<semaphore_mem>>
      %dma_start3A_76 = arith.constant 0 : i32
      %dma_start3A_77 = arith.constant 0 : i32
      %dma_start3A_78 = tpu.memref_slice %arg3[%run_scoped3A_30, %add3A, %dma_start3A_76, %dma_start3A_77] : memref<2x32x80x128xi32, #tpu.memory_space<hbm>> -> memref<1x1x40x128xi32, #tpu.memory_space<hbm>>
      %dma_start3A_79 = tpu.memref_squeeze %dma_start3A_78 : memref<1x1x40x128xi32, #tpu.memory_space<hbm>> -> memref<40x128xi32, #tpu.memory_space<hbm>>
      %dma_start3A_80 = arith.constant 0 : i32
      %dma_start3A_81 = arith.constant 0 : i32
      %dma_start3A_82 = tpu.memref_slice %arg3[%run_scoped3A_30, %add3A, %dma_start3A_80, %dma_start3A_81] : memref<2x32x80x128xi32, #tpu.memory_space<hbm>> -> memref<1x1x40x128xi32, #tpu.memory_space<hbm>>
      %dma_start3A_83 = tpu.memref_squeeze %dma_start3A_82 : memref<1x1x40x128xi32, #tpu.memory_space<hbm>> -> memref<40x128xi32, #tpu.memory_space<hbm>>
      tpu.enqueue_dma source(%dma_start3A_83 : memref<40x128xi32, #tpu.memory_space<hbm>>) target(%arg6 : memref<40x128xi32, #tpu.memory_space<vmem>>) target_semaphore(%run_scoped3A_75 : memref<!tpu.dma_semaphore, #tpu.memory_space<semaphore_mem>>)
      %dma_wait3A = arith.constant 0 : i32
      %dma_wait3A_84 = arith.constant 0 : i32
      %dma_wait3A_85 = tpu.memref_slice %arg3[%run_scoped3A_30, %add3A, %dma_wait3A, %dma_wait3A_84] : memref<2x32x80x128xi32, #tpu.memory_space<hbm>> -> memref<1x1x40x128xi32, #tpu.memory_space<hbm>>
      %dma_wait3A_86 = tpu.memref_squeeze %dma_wait3A_85 : memref<1x1x40x128xi32, #tpu.memory_space<hbm>> -> memref<40x128xi32, #tpu.memory_space<hbm>>
      %dma_wait3A_87 = arith.constant 0 : i32
      %dma_wait3A_88 = arith.constant 0 : i32
      %dma_wait3A_89 = tpu.memref_slice %arg3[%run_scoped3A_30, %add3A, %dma_wait3A_87, %dma_wait3A_88] : memref<2x32x80x128xi32, #tpu.memory_space<hbm>> -> memref<1x1x40x128xi32, #tpu.memory_space<hbm>>
      %dma_wait3A_90 = tpu.memref_squeeze %dma_wait3A_89 : memref<1x1x40x128xi32, #tpu.memory_space<hbm>> -> memref<40x128xi32, #tpu.memory_space<hbm>>
      tpu.wait_dma2 semaphore(%run_scoped3A_75 : memref<!tpu.dma_semaphore, #tpu.memory_space<semaphore_mem>>) src(%dma_wait3A_90 : memref<40x128xi32, #tpu.memory_space<hbm>>) dst(%arg6 : memref<40x128xi32, #tpu.memory_space<vmem>>)
      tpu.yield
    }) : () -> ()
    %dma_start3A = arith.constant 0 : i32
    %dma_start3A_31 = arith.constant 0 : i32
    %dma_start3A_32 = arith.constant 0 : i32
    %dma_start3A_33 = arith.constant 0 : i32
    %dma_start3A_34 = tpu.memref_slice %arg7[%dma_start3A_31, %dma_start3A_32, %dma_start3A_33] : memref<2x128x128xf32, #tpu.memory_space<vmem>> -> memref<1x128x128xf32, #tpu.memory_space<vmem>>
    %dma_start3A_35 = tpu.memref_squeeze %dma_start3A_34 : memref<1x128x128xf32, #tpu.memory_space<vmem>> -> memref<128x128xf32, #tpu.memory_space<vmem>>
    %dma_start3A_36 = arith.constant 0 : i32
    %dma_start3A_37 = tpu.memref_slice %arg5[%dma_start3A, %dma_start3A_36] : memref<40x128xi32, #tpu.memory_space<vmem>> -> memref<1x128xi32, #tpu.memory_space<vmem>>
    %dma_start3A_38 = tpu.memref_squeeze %dma_start3A_37 : memref<1x128xi32, #tpu.memory_space<vmem>> -> memref<128xi32, #tpu.memory_space<vmem>>
    %dma_start3A_39 = arith.constant 0 : i32
    %dma_start3A_40 = arith.constant 0 : i32
    %dma_start3A_41 = tpu.memref_slice %arg2[%dma_start3A_39, %dma_start3A_40] : memref<10240x128xf32, #tpu.memory_space<hbm>> -> memref<10240x128xf32, #tpu.memory_space<hbm>>
    tpu.enqueue_indirect_dma source(%dma_start3A_41 : memref<10240x128xf32, #tpu.memory_space<hbm>>) target(%dma_start3A_35 : memref<128x128xf32, #tpu.memory_space<vmem>>) offsets(%dma_start3A_38 : memref<128xi32, #tpu.memory_space<vmem>>) semaphore(%arg8 : memref<!tpu.dma_semaphore, #tpu.memory_space<semaphore_mem>>)
    %scan3A_42 = arith.constant 1 : i32
    %scan3A_43 = arith.constant 0 : i32
    %scan3A_44 = arith.constant 0 : i32
    %scan3A_45 = arith.constant 20 : i32
    %scan3A_46 = arith.addi %scan3A_44, %scan3A_45 : i32
    %scan3A_47 = arith.constant 1 : i32
    scf.for %scan3A_75 = %scan3A_44 to %scan3A_46 step %scan3A_47  : i32 {
      %mul3A_76 = arith.constant 2 : i32
      %mul3A_77 = arith.muli %mul3A_76, %scan3A_75 : i32
      %add3A_78 = arith.constant 1 : i32
      %add3A_79 = arith.addi %mul3A_77, %add3A_78 : i32
      %dma_start3A_80 = arith.constant 0 : i32
      %dma_start3A_81 = arith.constant 0 : i32
      %dma_start3A_82 = tpu.memref_slice %arg7[%scan3A_42, %dma_start3A_80, %dma_start3A_81] : memref<2x128x128xf32, #tpu.memory_space<vmem>> -> memref<1x128x128xf32, #tpu.memory_space<vmem>>
      %dma_start3A_83 = tpu.memref_squeeze %dma_start3A_82 : memref<1x128x128xf32, #tpu.memory_space<vmem>> -> memref<128x128xf32, #tpu.memory_space<vmem>>
      %dma_start3A_84 = arith.constant 0 : i32
      %dma_start3A_85 = tpu.memref_slice %arg5[%add3A_79, %dma_start3A_84] : memref<40x128xi32, #tpu.memory_space<vmem>> -> memref<1x128xi32, #tpu.memory_space<vmem>>
      %dma_start3A_86 = tpu.memref_squeeze %dma_start3A_85 : memref<1x128xi32, #tpu.memory_space<vmem>> -> memref<128xi32, #tpu.memory_space<vmem>>
      %dma_start3A_87 = arith.constant 0 : i32
      %dma_start3A_88 = arith.constant 0 : i32
      %dma_start3A_89 = tpu.memref_slice %arg2[%dma_start3A_87, %dma_start3A_88] : memref<10240x128xf32, #tpu.memory_space<hbm>> -> memref<10240x128xf32, #tpu.memory_space<hbm>>
      tpu.enqueue_indirect_dma source(%dma_start3A_89 : memref<10240x128xf32, #tpu.memory_space<hbm>>) target(%dma_start3A_83 : memref<128x128xf32, #tpu.memory_space<vmem>>) offsets(%dma_start3A_86 : memref<128xi32, #tpu.memory_space<vmem>>) semaphore(%arg9 : memref<!tpu.dma_semaphore, #tpu.memory_space<semaphore_mem>>)
      %dma_wait3A = arith.constant 0 : i32
      %dma_wait3A_90 = arith.constant 0 : i32
      %dma_wait3A_91 = tpu.memref_slice %arg7[%scan3A_43, %dma_wait3A, %dma_wait3A_90] : memref<2x128x128xf32, #tpu.memory_space<vmem>> -> memref<1x128x128xf32, #tpu.memory_space<vmem>>
      %dma_wait3A_92 = tpu.memref_squeeze %dma_wait3A_91 : memref<1x128x128xf32, #tpu.memory_space<vmem>> -> memref<128x128xf32, #tpu.memory_space<vmem>>
      %dma_wait3A_93 = arith.constant 0 : i32
      %dma_wait3A_94 = tpu.memref_slice %arg5[%mul3A_77, %dma_wait3A_93] : memref<40x128xi32, #tpu.memory_space<vmem>> -> memref<1x128xi32, #tpu.memory_space<vmem>>
      %dma_wait3A_95 = tpu.memref_squeeze %dma_wait3A_94 : memref<1x128xi32, #tpu.memory_space<vmem>> -> memref<128xi32, #tpu.memory_space<vmem>>
      %dma_wait3A_96 = arith.constant 0 : i32
      %dma_wait3A_97 = arith.constant 0 : i32
      %dma_wait3A_98 = tpu.memref_slice %arg2[%dma_wait3A_96, %dma_wait3A_97] : memref<10240x128xf32, #tpu.memory_space<hbm>> -> memref<10240x128xf32, #tpu.memory_space<hbm>>
      tpu.wait_indirect_dma semaphore(%arg8 : memref<!tpu.dma_semaphore, #tpu.memory_space<semaphore_mem>>) src(%dma_wait3A_98 : memref<10240x128xf32, #tpu.memory_space<hbm>>) dst(%dma_wait3A_92 : memref<128x128xf32, #tpu.memory_space<vmem>>)
      "tpu.region"() ({
        %run_scoped3A_115 = tpu.sem_alloc : memref<!tpu.dma_semaphore, #tpu.memory_space<semaphore_mem>>
        %dma_start3A_116 = arith.constant 0 : i32
        %dma_start3A_117 = arith.constant 0 : i32
        %dma_start3A_118 = tpu.memref_slice %arg7[%scan3A_43, %dma_start3A_116, %dma_start3A_117] : memref<2x128x128xf32, #tpu.memory_space<vmem>> -> memref<1x128x128xf32, #tpu.memory_space<vmem>>
        %dma_start3A_119 = tpu.memref_squeeze %dma_start3A_118 : memref<1x128x128xf32, #tpu.memory_space<vmem>> -> memref<128x128xf32, #tpu.memory_space<vmem>>
        %dma_start3A_120 = arith.constant 0 : i32
        %dma_start3A_121 = tpu.memref_slice %arg6[%mul3A_77, %dma_start3A_120] : memref<40x128xi32, #tpu.memory_space<vmem>> -> memref<1x128xi32, #tpu.memory_space<vmem>>
        %dma_start3A_122 = tpu.memref_squeeze %dma_start3A_121 : memref<1x128xi32, #tpu.memory_space<vmem>> -> memref<128xi32, #tpu.memory_space<vmem>>
        %dma_start3A_123 = arith.constant 0 : i32
        %dma_start3A_124 = arith.constant 0 : i32
        %dma_start3A_125 = tpu.memref_slice %arg10[%dma_start3A_123, %dma_start3A_124] : memref<10240x128xf32, #tpu.memory_space<vmem_shared>> -> memref<10240x128xf32, #tpu.memory_space<vmem_shared>>
        tpu.enqueue_indirect_dma source(%dma_start3A_119 : memref<128x128xf32, #tpu.memory_space<vmem>>) target(%dma_start3A_125 : memref<10240x128xf32, #tpu.memory_space<vmem_shared>>) offsets(%dma_start3A_122 : memref<128xi32, #tpu.memory_space<vmem>>) semaphore(%run_scoped3A_115 : memref<!tpu.dma_semaphore, #tpu.memory_space<semaphore_mem>>) {add = true}
        %dma_wait3A_126 = arith.constant 0 : i32
        %dma_wait3A_127 = arith.constant 0 : i32
        %dma_wait3A_128 = tpu.memref_slice %arg7[%scan3A_43, %dma_wait3A_126, %dma_wait3A_127] : memref<2x128x128xf32, #tpu.memory_space<vmem>> -> memref<1x128x128xf32, #tpu.memory_space<vmem>>
        %dma_wait3A_129 = tpu.memref_squeeze %dma_wait3A_128 : memref<1x128x128xf32, #tpu.memory_space<vmem>> -> memref<128x128xf32, #tpu.memory_space<vmem>>
        %dma_wait3A_130 = arith.constant 0 : i32
        %dma_wait3A_131 = tpu.memref_slice %arg6[%mul3A_77, %dma_wait3A_130] : memref<40x128xi32, #tpu.memory_space<vmem>> -> memref<1x128xi32, #tpu.memory_space<vmem>>
        %dma_wait3A_132 = tpu.memref_squeeze %dma_wait3A_131 : memref<1x128xi32, #tpu.memory_space<vmem>> -> memref<128xi32, #tpu.memory_space<vmem>>
        %dma_wait3A_133 = arith.constant 0 : i32
        %dma_wait3A_134 = arith.constant 0 : i32
        %dma_wait3A_135 = tpu.memref_slice %arg10[%dma_wait3A_133, %dma_wait3A_134] : memref<10240x128xf32, #tpu.memory_space<vmem_shared>> -> memref<10240x128xf32, #tpu.memory_space<vmem_shared>>
        tpu.wait_indirect_dma semaphore(%run_scoped3A_115 : memref<!tpu.dma_semaphore, #tpu.memory_space<semaphore_mem>>) src(%dma_wait3A_129 : memref<128x128xf32, #tpu.memory_space<vmem>>) dst(%dma_wait3A_135 : memref<10240x128xf32, #tpu.memory_space<vmem_shared>>)
        tpu.yield
      }) : () -> ()
      %lt3A = arith.constant 19 : i32
      %lt3A_99 = arith.cmpi slt, %scan3A_75, %lt3A : i32
      %convert_element_type3A = arith.extui %lt3A_99 : i1 to i32
      %cond3A = arith.constant 0 : i32
      %cond3A_100 = arith.cmpi ne, %convert_element_type3A, %cond3A : i32
      scf.if %cond3A_100 {
        %add3A_115 = arith.constant 2 : i32
        %add3A_116 = arith.addi %mul3A_77, %add3A_115 : i32
        %dma_start3A_117 = arith.constant 0 : i32
        %dma_start3A_118 = arith.constant 0 : i32
        %dma_start3A_119 = tpu.memref_slice %arg7[%scan3A_43, %dma_start3A_117, %dma_start3A_118] : memref<2x128x128xf32, #tpu.memory_space<vmem>> -> memref<1x128x128xf32, #tpu.memory_space<vmem>>
        %dma_start3A_120 = tpu.memref_squeeze %dma_start3A_119 : memref<1x128x128xf32, #tpu.memory_space<vmem>> -> memref<128x128xf32, #tpu.memory_space<vmem>>
        %dma_start3A_121 = arith.constant 0 : i32
        %dma_start3A_122 = tpu.memref_slice %arg5[%add3A_116, %dma_start3A_121] : memref<40x128xi32, #tpu.memory_space<vmem>> -> memref<1x128xi32, #tpu.memory_space<vmem>>
        %dma_start3A_123 = tpu.memref_squeeze %dma_start3A_122 : memref<1x128xi32, #tpu.memory_space<vmem>> -> memref<128xi32, #tpu.memory_space<vmem>>
        %dma_start3A_124 = arith.constant 0 : i32
        %dma_start3A_125 = arith.constant 0 : i32
        %dma_start3A_126 = tpu.memref_slice %arg2[%dma_start3A_124, %dma_start3A_125] : memref<10240x128xf32, #tpu.memory_space<hbm>> -> memref<10240x128xf32, #tpu.memory_space<hbm>>
        tpu.enqueue_indirect_dma source(%dma_start3A_126 : memref<10240x128xf32, #tpu.memory_space<hbm>>) target(%dma_start3A_120 : memref<128x128xf32, #tpu.memory_space<vmem>>) offsets(%dma_start3A_123 : memref<128xi32, #tpu.memory_space<vmem>>) semaphore(%arg8 : memref<!tpu.dma_semaphore, #tpu.memory_space<semaphore_mem>>)
      } else {
      }
      %add3A_101 = arith.constant 1 : i32
      %add3A_102 = arith.addi %mul3A_77, %add3A_101 : i32
      %dma_wait3A_103 = arith.constant 0 : i32
      %dma_wait3A_104 = arith.constant 0 : i32
      %dma_wait3A_105 = tpu.memref_slice %arg7[%scan3A_42, %dma_wait3A_103, %dma_wait3A_104] : memref<2x128x128xf32, #tpu.memory_space<vmem>> -> memref<1x128x128xf32, #tpu.memory_space<vmem>>
      %dma_wait3A_106 = tpu.memref_squeeze %dma_wait3A_105 : memref<1x128x128xf32, #tpu.memory_space<vmem>> -> memref<128x128xf32, #tpu.memory_space<vmem>>
      %dma_wait3A_107 = arith.constant 0 : i32
      %dma_wait3A_108 = tpu.memref_slice %arg5[%add3A_102, %dma_wait3A_107] : memref<40x128xi32, #tpu.memory_space<vmem>> -> memref<1x128xi32, #tpu.memory_space<vmem>>
      %dma_wait3A_109 = tpu.memref_squeeze %dma_wait3A_108 : memref<1x128xi32, #tpu.memory_space<vmem>> -> memref<128xi32, #tpu.memory_space<vmem>>
      %dma_wait3A_110 = arith.constant 0 : i32
      %dma_wait3A_111 = arith.constant 0 : i32
      %dma_wait3A_112 = tpu.memref_slice %arg2[%dma_wait3A_110, %dma_wait3A_111] : memref<10240x128xf32, #tpu.memory_space<hbm>> -> memref<10240x128xf32, #tpu.memory_space<hbm>>
      tpu.wait_indirect_dma semaphore(%arg9 : memref<!tpu.dma_semaphore, #tpu.memory_space<semaphore_mem>>) src(%dma_wait3A_112 : memref<10240x128xf32, #tpu.memory_space<hbm>>) dst(%dma_wait3A_106 : memref<128x128xf32, #tpu.memory_space<vmem>>)
      %add3A_113 = arith.constant 1 : i32
      %add3A_114 = arith.addi %mul3A_77, %add3A_113 : i32
      "tpu.region"() ({
        %run_scoped3A_115 = tpu.sem_alloc : memref<!tpu.dma_semaphore, #tpu.memory_space<semaphore_mem>>
        %dma_start3A_116 = arith.constant 0 : i32
        %dma_start3A_117 = arith.constant 0 : i32
        %dma_start3A_118 = tpu.memref_slice %arg7[%scan3A_42, %dma_start3A_116, %dma_start3A_117] : memref<2x128x128xf32, #tpu.memory_space<vmem>> -> memref<1x128x128xf32, #tpu.memory_space<vmem>>
        %dma_start3A_119 = tpu.memref_squeeze %dma_start3A_118 : memref<1x128x128xf32, #tpu.memory_space<vmem>> -> memref<128x128xf32, #tpu.memory_space<vmem>>
        %dma_start3A_120 = arith.constant 0 : i32
        %dma_start3A_121 = tpu.memref_slice %arg6[%add3A_114, %dma_start3A_120] : memref<40x128xi32, #tpu.memory_space<vmem>> -> memref<1x128xi32, #tpu.memory_space<vmem>>
        %dma_start3A_122 = tpu.memref_squeeze %dma_start3A_121 : memref<1x128xi32, #tpu.memory_space<vmem>> -> memref<128xi32, #tpu.memory_space<vmem>>
        %dma_start3A_123 = arith.constant 0 : i32
        %dma_start3A_124 = arith.constant 0 : i32
        %dma_start3A_125 = tpu.memref_slice %arg10[%dma_start3A_123, %dma_start3A_124] : memref<10240x128xf32, #tpu.memory_space<vmem_shared>> -> memref<10240x128xf32, #tpu.memory_space<vmem_shared>>
        tpu.enqueue_indirect_dma source(%dma_start3A_119 : memref<128x128xf32, #tpu.memory_space<vmem>>) target(%dma_start3A_125 : memref<10240x128xf32, #tpu.memory_space<vmem_shared>>) offsets(%dma_start3A_122 : memref<128xi32, #tpu.memory_space<vmem>>) semaphore(%run_scoped3A_115 : memref<!tpu.dma_semaphore, #tpu.memory_space<semaphore_mem>>) {add = true}
        %dma_wait3A_126 = arith.constant 0 : i32
        %dma_wait3A_127 = arith.constant 0 : i32
        %dma_wait3A_128 = tpu.memref_slice %arg7[%scan3A_42, %dma_wait3A_126, %dma_wait3A_127] : memref<2x128x128xf32, #tpu.memory_space<vmem>> -> memref<1x128x128xf32, #tpu.memory_space<vmem>>
        %dma_wait3A_129 = tpu.memref_squeeze %dma_wait3A_128 : memref<1x128x128xf32, #tpu.memory_space<vmem>> -> memref<128x128xf32, #tpu.memory_space<vmem>>
        %dma_wait3A_130 = arith.constant 0 : i32
        %dma_wait3A_131 = tpu.memref_slice %arg6[%add3A_114, %dma_wait3A_130] : memref<40x128xi32, #tpu.memory_space<vmem>> -> memref<1x128xi32, #tpu.memory_space<vmem>>
        %dma_wait3A_132 = tpu.memref_squeeze %dma_wait3A_131 : memref<1x128xi32, #tpu.memory_space<vmem>> -> memref<128xi32, #tpu.memory_space<vmem>>
        %dma_wait3A_133 = arith.constant 0 : i32
        %dma_wait3A_134 = arith.constant 0 : i32
        %dma_wait3A_135 = tpu.memref_slice %arg10[%dma_wait3A_133, %dma_wait3A_134] : memref<10240x128xf32, #tpu.memory_space<vmem_shared>> -> memref<10240x128xf32, #tpu.memory_space<vmem_shared>>
        tpu.wait_indirect_dma semaphore(%run_scoped3A_115 : memref<!tpu.dma_semaphore, #tpu.memory_space<semaphore_mem>>) src(%dma_wait3A_129 : memref<128x128xf32, #tpu.memory_space<vmem>>) dst(%dma_wait3A_135 : memref<10240x128xf32, #tpu.memory_space<vmem_shared>>)
        tpu.yield
      }) : () -> ()
    }
    %scan3A_48 = arith.constant 20 : i32
    %run_scoped3A_49 = arith.constant 0 : i32
    "tpu.region"() ({
      %run_scoped3A_75 = tpu.sem_alloc : memref<!tpu.dma_semaphore, #tpu.memory_space<semaphore_mem>>
      %dma_start3A_76 = arith.constant 40 : i32
      %dma_start3A_77 = arith.constant 0 : i32
      %dma_start3A_78 = tpu.memref_slice %arg3[%run_scoped3A_49, %add3A, %dma_start3A_76, %dma_start3A_77] : memref<2x32x80x128xi32, #tpu.memory_space<hbm>> -> memref<1x1x40x128xi32, #tpu.memory_space<hbm>>
      %dma_start3A_79 = tpu.memref_squeeze %dma_start3A_78 : memref<1x1x40x128xi32, #tpu.memory_space<hbm>> -> memref<40x128xi32, #tpu.memory_space<hbm>>
      %dma_start3A_80 = arith.constant 40 : i32
      %dma_start3A_81 = arith.constant 0 : i32
      %dma_start3A_82 = tpu.memref_slice %arg3[%run_scoped3A_49, %add3A, %dma_start3A_80, %dma_start3A_81] : memref<2x32x80x128xi32, #tpu.memory_space<hbm>> -> memref<1x1x40x128xi32, #tpu.memory_space<hbm>>
      %dma_start3A_83 = tpu.memref_squeeze %dma_start3A_82 : memref<1x1x40x128xi32, #tpu.memory_space<hbm>> -> memref<40x128xi32, #tpu.memory_space<hbm>>
      tpu.enqueue_dma source(%dma_start3A_83 : memref<40x128xi32, #tpu.memory_space<hbm>>) target(%arg5 : memref<40x128xi32, #tpu.memory_space<vmem>>) target_semaphore(%run_scoped3A_75 : memref<!tpu.dma_semaphore, #tpu.memory_space<semaphore_mem>>)
      %dma_wait3A = arith.constant 40 : i32
      %dma_wait3A_84 = arith.constant 0 : i32
      %dma_wait3A_85 = tpu.memref_slice %arg3[%run_scoped3A_49, %add3A, %dma_wait3A, %dma_wait3A_84] : memref<2x32x80x128xi32, #tpu.memory_space<hbm>> -> memref<1x1x40x128xi32, #tpu.memory_space<hbm>>
      %dma_wait3A_86 = tpu.memref_squeeze %dma_wait3A_85 : memref<1x1x40x128xi32, #tpu.memory_space<hbm>> -> memref<40x128xi32, #tpu.memory_space<hbm>>
      %dma_wait3A_87 = arith.constant 40 : i32
      %dma_wait3A_88 = arith.constant 0 : i32
      %dma_wait3A_89 = tpu.memref_slice %arg3[%run_scoped3A_49, %add3A, %dma_wait3A_87, %dma_wait3A_88] : memref<2x32x80x128xi32, #tpu.memory_space<hbm>> -> memref<1x1x40x128xi32, #tpu.memory_space<hbm>>
      %dma_wait3A_90 = tpu.memref_squeeze %dma_wait3A_89 : memref<1x1x40x128xi32, #tpu.memory_space<hbm>> -> memref<40x128xi32, #tpu.memory_space<hbm>>
      tpu.wait_dma2 semaphore(%run_scoped3A_75 : memref<!tpu.dma_semaphore, #tpu.memory_space<semaphore_mem>>) src(%dma_wait3A_90 : memref<40x128xi32, #tpu.memory_space<hbm>>) dst(%arg5 : memref<40x128xi32, #tpu.memory_space<vmem>>)
      tpu.yield
    }) : () -> ()
    %run_scoped3A_50 = arith.constant 1 : i32
    "tpu.region"() ({
      %run_scoped3A_75 = tpu.sem_alloc : memref<!tpu.dma_semaphore, #tpu.memory_space<semaphore_mem>>
      %dma_start3A_76 = arith.constant 40 : i32
      %dma_start3A_77 = arith.constant 0 : i32
      %dma_start3A_78 = tpu.memref_slice %arg3[%run_scoped3A_50, %add3A, %dma_start3A_76, %dma_start3A_77] : memref<2x32x80x128xi32, #tpu.memory_space<hbm>> -> memref<1x1x40x128xi32, #tpu.memory_space<hbm>>
      %dma_start3A_79 = tpu.memref_squeeze %dma_start3A_78 : memref<1x1x40x128xi32, #tpu.memory_space<hbm>> -> memref<40x128xi32, #tpu.memory_space<hbm>>
      %dma_start3A_80 = arith.constant 40 : i32
      %dma_start3A_81 = arith.constant 0 : i32
      %dma_start3A_82 = tpu.memref_slice %arg3[%run_scoped3A_50, %add3A, %dma_start3A_80, %dma_start3A_81] : memref<2x32x80x128xi32, #tpu.memory_space<hbm>> -> memref<1x1x40x128xi32, #tpu.memory_space<hbm>>
      %dma_start3A_83 = tpu.memref_squeeze %dma_start3A_82 : memref<1x1x40x128xi32, #tpu.memory_space<hbm>> -> memref<40x128xi32, #tpu.memory_space<hbm>>
      tpu.enqueue_dma source(%dma_start3A_83 : memref<40x128xi32, #tpu.memory_space<hbm>>) target(%arg6 : memref<40x128xi32, #tpu.memory_space<vmem>>) target_semaphore(%run_scoped3A_75 : memref<!tpu.dma_semaphore, #tpu.memory_space<semaphore_mem>>)
      %dma_wait3A = arith.constant 40 : i32
      %dma_wait3A_84 = arith.constant 0 : i32
      %dma_wait3A_85 = tpu.memref_slice %arg3[%run_scoped3A_50, %add3A, %dma_wait3A, %dma_wait3A_84] : memref<2x32x80x128xi32, #tpu.memory_space<hbm>> -> memref<1x1x40x128xi32, #tpu.memory_space<hbm>>
      %dma_wait3A_86 = tpu.memref_squeeze %dma_wait3A_85 : memref<1x1x40x128xi32, #tpu.memory_space<hbm>> -> memref<40x128xi32, #tpu.memory_space<hbm>>
      %dma_wait3A_87 = arith.constant 40 : i32
      %dma_wait3A_88 = arith.constant 0 : i32
      %dma_wait3A_89 = tpu.memref_slice %arg3[%run_scoped3A_50, %add3A, %dma_wait3A_87, %dma_wait3A_88] : memref<2x32x80x128xi32, #tpu.memory_space<hbm>> -> memref<1x1x40x128xi32, #tpu.memory_space<hbm>>
      %dma_wait3A_90 = tpu.memref_squeeze %dma_wait3A_89 : memref<1x1x40x128xi32, #tpu.memory_space<hbm>> -> memref<40x128xi32, #tpu.memory_space<hbm>>
      tpu.wait_dma2 semaphore(%run_scoped3A_75 : memref<!tpu.dma_semaphore, #tpu.memory_space<semaphore_mem>>) src(%dma_wait3A_90 : memref<40x128xi32, #tpu.memory_space<hbm>>) dst(%arg6 : memref<40x128xi32, #tpu.memory_space<vmem>>)
      tpu.yield
    }) : () -> ()
    %dma_start3A_51 = arith.constant 0 : i32
    %dma_start3A_52 = arith.constant 0 : i32
    %dma_start3A_53 = arith.constant 0 : i32
    %dma_start3A_54 = arith.constant 0 : i32
    %dma_start3A_55 = tpu.memref_slice %arg7[%dma_start3A_52, %dma_start3A_53, %dma_start3A_54] : memref<2x128x128xf32, #tpu.memory_space<vmem>> -> memref<1x128x128xf32, #tpu.memory_space<vmem>>
    %dma_start3A_56 = tpu.memref_squeeze %dma_start3A_55 : memref<1x128x128xf32, #tpu.memory_space<vmem>> -> memref<128x128xf32, #tpu.memory_space<vmem>>
    %dma_start3A_57 = arith.constant 0 : i32
    %dma_start3A_58 = tpu.memref_slice %arg5[%dma_start3A_51, %dma_start3A_57] : memref<40x128xi32, #tpu.memory_space<vmem>> -> memref<1x128xi32, #tpu.memory_space<vmem>>
    %dma_start3A_59 = tpu.memref_squeeze %dma_start3A_58 : memref<1x128xi32, #tpu.memory_space<vmem>> -> memref<128xi32, #tpu.memory_space<vmem>>
    %dma_start3A_60 = arith.constant 0 : i32
    %dma_start3A_61 = arith.constant 0 : i32
    %dma_start3A_62 = tpu.memref_slice %arg2[%dma_start3A_60, %dma_start3A_61] : memref<10240x128xf32, #tpu.memory_space<hbm>> -> memref<10240x128xf32, #tpu.memory_space<hbm>>
    tpu.enqueue_indirect_dma source(%dma_start3A_62 : memref<10240x128xf32, #tpu.memory_space<hbm>>) target(%dma_start3A_56 : memref<128x128xf32, #tpu.memory_space<vmem>>) offsets(%dma_start3A_59 : memref<128xi32, #tpu.memory_space<vmem>>) semaphore(%arg8 : memref<!tpu.dma_semaphore, #tpu.memory_space<semaphore_mem>>)
    %scan3A_63 = arith.constant 1 : i32
    %scan3A_64 = arith.constant 0 : i32
    %scan3A_65 = arith.constant 0 : i32
    %scan3A_66 = arith.constant 20 : i32
    %scan3A_67 = arith.addi %scan3A_65, %scan3A_66 : i32
    %scan3A_68 = arith.constant 1 : i32
    scf.for %scan3A_75 = %scan3A_65 to %scan3A_67 step %scan3A_68  : i32 {
      %mul3A_76 = arith.constant 2 : i32
      %mul3A_77 = arith.muli %mul3A_76, %scan3A_75 : i32
      %add3A_78 = arith.constant 1 : i32
      %add3A_79 = arith.addi %mul3A_77, %add3A_78 : i32
      %dma_start3A_80 = arith.constant 0 : i32
      %dma_start3A_81 = arith.constant 0 : i32
      %dma_start3A_82 = tpu.memref_slice %arg7[%scan3A_63, %dma_start3A_80, %dma_start3A_81] : memref<2x128x128xf32, #tpu.memory_space<vmem>> -> memref<1x128x128xf32, #tpu.memory_space<vmem>>
      %dma_start3A_83 = tpu.memref_squeeze %dma_start3A_82 : memref<1x128x128xf32, #tpu.memory_space<vmem>> -> memref<128x128xf32, #tpu.memory_space<vmem>>
      %dma_start3A_84 = arith.constant 0 : i32
      %dma_start3A_85 = tpu.memref_slice %arg5[%add3A_79, %dma_start3A_84] : memref<40x128xi32, #tpu.memory_space<vmem>> -> memref<1x128xi32, #tpu.memory_space<vmem>>
      %dma_start3A_86 = tpu.memref_squeeze %dma_start3A_85 : memref<1x128xi32, #tpu.memory_space<vmem>> -> memref<128xi32, #tpu.memory_space<vmem>>
      %dma_start3A_87 = arith.constant 0 : i32
      %dma_start3A_88 = arith.constant 0 : i32
      %dma_start3A_89 = tpu.memref_slice %arg2[%dma_start3A_87, %dma_start3A_88] : memref<10240x128xf32, #tpu.memory_space<hbm>> -> memref<10240x128xf32, #tpu.memory_space<hbm>>
      tpu.enqueue_indirect_dma source(%dma_start3A_89 : memref<10240x128xf32, #tpu.memory_space<hbm>>) target(%dma_start3A_83 : memref<128x128xf32, #tpu.memory_space<vmem>>) offsets(%dma_start3A_86 : memref<128xi32, #tpu.memory_space<vmem>>) semaphore(%arg9 : memref<!tpu.dma_semaphore, #tpu.memory_space<semaphore_mem>>)
      %dma_wait3A = arith.constant 0 : i32
      %dma_wait3A_90 = arith.constant 0 : i32
      %dma_wait3A_91 = tpu.memref_slice %arg7[%scan3A_64, %dma_wait3A, %dma_wait3A_90] : memref<2x128x128xf32, #tpu.memory_space<vmem>> -> memref<1x128x128xf32, #tpu.memory_space<vmem>>
      %dma_wait3A_92 = tpu.memref_squeeze %dma_wait3A_91 : memref<1x128x128xf32, #tpu.memory_space<vmem>> -> memref<128x128xf32, #tpu.memory_space<vmem>>
      %dma_wait3A_93 = arith.constant 0 : i32
      %dma_wait3A_94 = tpu.memref_slice %arg5[%mul3A_77, %dma_wait3A_93] : memref<40x128xi32, #tpu.memory_space<vmem>> -> memref<1x128xi32, #tpu.memory_space<vmem>>
      %dma_wait3A_95 = tpu.memref_squeeze %dma_wait3A_94 : memref<1x128xi32, #tpu.memory_space<vmem>> -> memref<128xi32, #tpu.memory_space<vmem>>
      %dma_wait3A_96 = arith.constant 0 : i32
      %dma_wait3A_97 = arith.constant 0 : i32
      %dma_wait3A_98 = tpu.memref_slice %arg2[%dma_wait3A_96, %dma_wait3A_97] : memref<10240x128xf32, #tpu.memory_space<hbm>> -> memref<10240x128xf32, #tpu.memory_space<hbm>>
      tpu.wait_indirect_dma semaphore(%arg8 : memref<!tpu.dma_semaphore, #tpu.memory_space<semaphore_mem>>) src(%dma_wait3A_98 : memref<10240x128xf32, #tpu.memory_space<hbm>>) dst(%dma_wait3A_92 : memref<128x128xf32, #tpu.memory_space<vmem>>)
      "tpu.region"() ({
        %run_scoped3A_115 = tpu.sem_alloc : memref<!tpu.dma_semaphore, #tpu.memory_space<semaphore_mem>>
        %dma_start3A_116 = arith.constant 0 : i32
        %dma_start3A_117 = arith.constant 0 : i32
        %dma_start3A_118 = tpu.memref_slice %arg7[%scan3A_64, %dma_start3A_116, %dma_start3A_117] : memref<2x128x128xf32, #tpu.memory_space<vmem>> -> memref<1x128x128xf32, #tpu.memory_space<vmem>>
        %dma_start3A_119 = tpu.memref_squeeze %dma_start3A_118 : memref<1x128x128xf32, #tpu.memory_space<vmem>> -> memref<128x128xf32, #tpu.memory_space<vmem>>
        %dma_start3A_120 = arith.constant 0 : i32
        %dma_start3A_121 = tpu.memref_slice %arg6[%mul3A_77, %dma_start3A_120] : memref<40x128xi32, #tpu.memory_space<vmem>> -> memref<1x128xi32, #tpu.memory_space<vmem>>
        %dma_start3A_122 = tpu.memref_squeeze %dma_start3A_121 : memref<1x128xi32, #tpu.memory_space<vmem>> -> memref<128xi32, #tpu.memory_space<vmem>>
        %dma_start3A_123 = arith.constant 0 : i32
        %dma_start3A_124 = arith.constant 0 : i32
        %dma_start3A_125 = tpu.memref_slice %arg10[%dma_start3A_123, %dma_start3A_124] : memref<10240x128xf32, #tpu.memory_space<vmem_shared>> -> memref<10240x128xf32, #tpu.memory_space<vmem_shared>>
        tpu.enqueue_indirect_dma source(%dma_start3A_119 : memref<128x128xf32, #tpu.memory_space<vmem>>) target(%dma_start3A_125 : memref<10240x128xf32, #tpu.memory_space<vmem_shared>>) offsets(%dma_start3A_122 : memref<128xi32, #tpu.memory_space<vmem>>) semaphore(%run_scoped3A_115 : memref<!tpu.dma_semaphore, #tpu.memory_space<semaphore_mem>>) {add = true}
        %dma_wait3A_126 = arith.constant 0 : i32
        %dma_wait3A_127 = arith.constant 0 : i32
        %dma_wait3A_128 = tpu.memref_slice %arg7[%scan3A_64, %dma_wait3A_126, %dma_wait3A_127] : memref<2x128x128xf32, #tpu.memory_space<vmem>> -> memref<1x128x128xf32, #tpu.memory_space<vmem>>
        %dma_wait3A_129 = tpu.memref_squeeze %dma_wait3A_128 : memref<1x128x128xf32, #tpu.memory_space<vmem>> -> memref<128x128xf32, #tpu.memory_space<vmem>>
        %dma_wait3A_130 = arith.constant 0 : i32
        %dma_wait3A_131 = tpu.memref_slice %arg6[%mul3A_77, %dma_wait3A_130] : memref<40x128xi32, #tpu.memory_space<vmem>> -> memref<1x128xi32, #tpu.memory_space<vmem>>
        %dma_wait3A_132 = tpu.memref_squeeze %dma_wait3A_131 : memref<1x128xi32, #tpu.memory_space<vmem>> -> memref<128xi32, #tpu.memory_space<vmem>>
        %dma_wait3A_133 = arith.constant 0 : i32
        %dma_wait3A_134 = arith.constant 0 : i32
        %dma_wait3A_135 = tpu.memref_slice %arg10[%dma_wait3A_133, %dma_wait3A_134] : memref<10240x128xf32, #tpu.memory_space<vmem_shared>> -> memref<10240x128xf32, #tpu.memory_space<vmem_shared>>
        tpu.wait_indirect_dma semaphore(%run_scoped3A_115 : memref<!tpu.dma_semaphore, #tpu.memory_space<semaphore_mem>>) src(%dma_wait3A_129 : memref<128x128xf32, #tpu.memory_space<vmem>>) dst(%dma_wait3A_135 : memref<10240x128xf32, #tpu.memory_space<vmem_shared>>)
        tpu.yield
      }) : () -> ()
      %lt3A = arith.constant 19 : i32
      %lt3A_99 = arith.cmpi slt, %scan3A_75, %lt3A : i32
      %convert_element_type3A = arith.extui %lt3A_99 : i1 to i32
      %cond3A = arith.constant 0 : i32
      %cond3A_100 = arith.cmpi ne, %convert_element_type3A, %cond3A : i32
      scf.if %cond3A_100 {
        %add3A_115 = arith.constant 2 : i32
        %add3A_116 = arith.addi %mul3A_77, %add3A_115 : i32
        %dma_start3A_117 = arith.constant 0 : i32
        %dma_start3A_118 = arith.constant 0 : i32
        %dma_start3A_119 = tpu.memref_slice %arg7[%scan3A_64, %dma_start3A_117, %dma_start3A_118] : memref<2x128x128xf32, #tpu.memory_space<vmem>> -> memref<1x128x128xf32, #tpu.memory_space<vmem>>
        %dma_start3A_120 = tpu.memref_squeeze %dma_start3A_119 : memref<1x128x128xf32, #tpu.memory_space<vmem>> -> memref<128x128xf32, #tpu.memory_space<vmem>>
        %dma_start3A_121 = arith.constant 0 : i32
        %dma_start3A_122 = tpu.memref_slice %arg5[%add3A_116, %dma_start3A_121] : memref<40x128xi32, #tpu.memory_space<vmem>> -> memref<1x128xi32, #tpu.memory_space<vmem>>
        %dma_start3A_123 = tpu.memref_squeeze %dma_start3A_122 : memref<1x128xi32, #tpu.memory_space<vmem>> -> memref<128xi32, #tpu.memory_space<vmem>>
        %dma_start3A_124 = arith.constant 0 : i32
        %dma_start3A_125 = arith.constant 0 : i32
        %dma_start3A_126 = tpu.memref_slice %arg2[%dma_start3A_124, %dma_start3A_125] : memref<10240x128xf32, #tpu.memory_space<hbm>> -> memref<10240x128xf32, #tpu.memory_space<hbm>>
        tpu.enqueue_indirect_dma source(%dma_start3A_126 : memref<10240x128xf32, #tpu.memory_space<hbm>>) target(%dma_start3A_120 : memref<128x128xf32, #tpu.memory_space<vmem>>) offsets(%dma_start3A_123 : memref<128xi32, #tpu.memory_space<vmem>>) semaphore(%arg8 : memref<!tpu.dma_semaphore, #tpu.memory_space<semaphore_mem>>)
      } else {
      }
      %add3A_101 = arith.constant 1 : i32
      %add3A_102 = arith.addi %mul3A_77, %add3A_101 : i32
      %dma_wait3A_103 = arith.constant 0 : i32
      %dma_wait3A_104 = arith.constant 0 : i32
      %dma_wait3A_105 = tpu.memref_slice %arg7[%scan3A_63, %dma_wait3A_103, %dma_wait3A_104] : memref<2x128x128xf32, #tpu.memory_space<vmem>> -> memref<1x128x128xf32, #tpu.memory_space<vmem>>
      %dma_wait3A_106 = tpu.memref_squeeze %dma_wait3A_105 : memref<1x128x128xf32, #tpu.memory_space<vmem>> -> memref<128x128xf32, #tpu.memory_space<vmem>>
      %dma_wait3A_107 = arith.constant 0 : i32
      %dma_wait3A_108 = tpu.memref_slice %arg5[%add3A_102, %dma_wait3A_107] : memref<40x128xi32, #tpu.memory_space<vmem>> -> memref<1x128xi32, #tpu.memory_space<vmem>>
      %dma_wait3A_109 = tpu.memref_squeeze %dma_wait3A_108 : memref<1x128xi32, #tpu.memory_space<vmem>> -> memref<128xi32, #tpu.memory_space<vmem>>
      %dma_wait3A_110 = arith.constant 0 : i32
      %dma_wait3A_111 = arith.constant 0 : i32
      %dma_wait3A_112 = tpu.memref_slice %arg2[%dma_wait3A_110, %dma_wait3A_111] : memref<10240x128xf32, #tpu.memory_space<hbm>> -> memref<10240x128xf32, #tpu.memory_space<hbm>>
      tpu.wait_indirect_dma semaphore(%arg9 : memref<!tpu.dma_semaphore, #tpu.memory_space<semaphore_mem>>) src(%dma_wait3A_112 : memref<10240x128xf32, #tpu.memory_space<hbm>>) dst(%dma_wait3A_106 : memref<128x128xf32, #tpu.memory_space<vmem>>)
      %add3A_113 = arith.constant 1 : i32
      %add3A_114 = arith.addi %mul3A_77, %add3A_113 : i32
      "tpu.region"() ({
        %run_scoped3A_115 = tpu.sem_alloc : memref<!tpu.dma_semaphore, #tpu.memory_space<semaphore_mem>>
        %dma_start3A_116 = arith.constant 0 : i32
        %dma_start3A_117 = arith.constant 0 : i32
        %dma_start3A_118 = tpu.memref_slice %arg7[%scan3A_63, %dma_start3A_116, %dma_start3A_117] : memref<2x128x128xf32, #tpu.memory_space<vmem>> -> memref<1x128x128xf32, #tpu.memory_space<vmem>>
        %dma_start3A_119 = tpu.memref_squeeze %dma_start3A_118 : memref<1x128x128xf32, #tpu.memory_space<vmem>> -> memref<128x128xf32, #tpu.memory_space<vmem>>
        %dma_start3A_120 = arith.constant 0 : i32
        %dma_start3A_121 = tpu.memref_slice %arg6[%add3A_114, %dma_start3A_120] : memref<40x128xi32, #tpu.memory_space<vmem>> -> memref<1x128xi32, #tpu.memory_space<vmem>>
        %dma_start3A_122 = tpu.memref_squeeze %dma_start3A_121 : memref<1x128xi32, #tpu.memory_space<vmem>> -> memref<128xi32, #tpu.memory_space<vmem>>
        %dma_start3A_123 = arith.constant 0 : i32
        %dma_start3A_124 = arith.constant 0 : i32
        %dma_start3A_125 = tpu.memref_slice %arg10[%dma_start3A_123, %dma_start3A_124] : memref<10240x128xf32, #tpu.memory_space<vmem_shared>> -> memref<10240x128xf32, #tpu.memory_space<vmem_shared>>
        tpu.enqueue_indirect_dma source(%dma_start3A_119 : memref<128x128xf32, #tpu.memory_space<vmem>>) target(%dma_start3A_125 : memref<10240x128xf32, #tpu.memory_space<vmem_shared>>) offsets(%dma_start3A_122 : memref<128xi32, #tpu.memory_space<vmem>>) semaphore(%run_scoped3A_115 : memref<!tpu.dma_semaphore, #tpu.memory_space<semaphore_mem>>) {add = true}
        %dma_wait3A_126 = arith.constant 0 : i32
        %dma_wait3A_127 = arith.constant 0 : i32
        %dma_wait3A_128 = tpu.memref_slice %arg7[%scan3A_63, %dma_wait3A_126, %dma_wait3A_127] : memref<2x128x128xf32, #tpu.memory_space<vmem>> -> memref<1x128x128xf32, #tpu.memory_space<vmem>>
        %dma_wait3A_129 = tpu.memref_squeeze %dma_wait3A_128 : memref<1x128x128xf32, #tpu.memory_space<vmem>> -> memref<128x128xf32, #tpu.memory_space<vmem>>
        %dma_wait3A_130 = arith.constant 0 : i32
        %dma_wait3A_131 = tpu.memref_slice %arg6[%add3A_114, %dma_wait3A_130] : memref<40x128xi32, #tpu.memory_space<vmem>> -> memref<1x128xi32, #tpu.memory_space<vmem>>
        %dma_wait3A_132 = tpu.memref_squeeze %dma_wait3A_131 : memref<1x128xi32, #tpu.memory_space<vmem>> -> memref<128xi32, #tpu.memory_space<vmem>>
        %dma_wait3A_133 = arith.constant 0 : i32
        %dma_wait3A_134 = arith.constant 0 : i32
        %dma_wait3A_135 = tpu.memref_slice %arg10[%dma_wait3A_133, %dma_wait3A_134] : memref<10240x128xf32, #tpu.memory_space<vmem_shared>> -> memref<10240x128xf32, #tpu.memory_space<vmem_shared>>
        tpu.wait_indirect_dma semaphore(%run_scoped3A_115 : memref<!tpu.dma_semaphore, #tpu.memory_space<semaphore_mem>>) src(%dma_wait3A_129 : memref<128x128xf32, #tpu.memory_space<vmem>>) dst(%dma_wait3A_135 : memref<10240x128xf32, #tpu.memory_space<vmem_shared>>)
        tpu.yield
      }) : () -> ()
    }
    %scan3A_69 = arith.constant 20 : i32
    %barrier3A_70 = arith.constant 0 : index
    tpu.barrier barrier_id(%barrier3A_70)
    %mul3A_71 = arith.constant 640 : i32
    %mul3A_72 = arith.muli %arg1, %mul3A_71 : i32
    %mul3A_73 = arith.constant 640 : i32
    %mul3A_74 = arith.muli %arg1, %mul3A_73 : i32
    "tpu.region"() ({
      %run_scoped3A_75 = tpu.sem_alloc : memref<!tpu.dma_semaphore, #tpu.memory_space<semaphore_mem>>
      %dma_start3A_76 = arith.constant 0 : i32
      %dma_start3A_77 = tpu.memref_slice %arg4[%arg0, %mul3A_74, %dma_start3A_76] : memref<2x10240x128xf32, #tpu.memory_space<hbm>> -> memref<1x640x128xf32, #tpu.memory_space<hbm>>
      %dma_start3A_78 = tpu.memref_squeeze %dma_start3A_77 : memref<1x640x128xf32, #tpu.memory_space<hbm>> -> memref<640x128xf32, #tpu.memory_space<hbm>>
      %dma_start3A_79 = arith.constant 0 : i32
      %dma_start3A_80 = tpu.memref_slice %arg10[%mul3A_72, %dma_start3A_79] : memref<10240x128xf32, #tpu.memory_space<vmem_shared>> -> memref<640x128xf32, #tpu.memory_space<vmem_shared>>
      tpu.enqueue_dma source(%dma_start3A_80 : memref<640x128xf32, #tpu.memory_space<vmem_shared>>) target(%dma_start3A_78 : memref<640x128xf32, #tpu.memory_space<hbm>>) target_semaphore(%run_scoped3A_75 : memref<!tpu.dma_semaphore, #tpu.memory_space<semaphore_mem>>)
      %dma_wait3A = arith.constant 0 : i32
      %dma_wait3A_81 = tpu.memref_slice %arg4[%arg0, %mul3A_74, %dma_wait3A] : memref<2x10240x128xf32, #tpu.memory_space<hbm>> -> memref<1x640x128xf32, #tpu.memory_space<hbm>>
      %dma_wait3A_82 = tpu.memref_squeeze %dma_wait3A_81 : memref<1x640x128xf32, #tpu.memory_space<hbm>> -> memref<640x128xf32, #tpu.memory_space<hbm>>
      %dma_wait3A_83 = arith.constant 0 : i32
      %dma_wait3A_84 = tpu.memref_slice %arg10[%mul3A_72, %dma_wait3A_83] : memref<10240x128xf32, #tpu.memory_space<vmem_shared>> -> memref<640x128xf32, #tpu.memory_space<vmem_shared>>
      tpu.wait_dma2 semaphore(%run_scoped3A_75 : memref<!tpu.dma_semaphore, #tpu.memory_space<semaphore_mem>>) src(%dma_wait3A_84 : memref<640x128xf32, #tpu.memory_space<vmem_shared>>) dst(%dma_wait3A_82 : memref<640x128xf32, #tpu.memory_space<hbm>>)
      tpu.yield
    }) : () -> ()
    return
  }
}

module attributes {stable_mosaic.version = 14 : i64} {
  func.func @_mm1_body(%arg0: i32, %arg1: memref<2048x128xf32, #tpu.memory_space<vmem>>, %arg2: memref<2048x1xf32, #tpu.memory_space<vmem>>, %arg3: memref<128x128xf32, #tpu.memory_space<vmem>>, %arg4: memref<2048x128xf32, #tpu.memory_space<vmem>>) attributes {dimension_semantics = [#tpu.dimension_semantics<arbitrary>], iteration_bounds = array<i64: 5>, scalar_prefetch = 0 : i64, scratch_operands = 0 : i64, tpu.core_type = #tpu.core_type<tc>, window_params = [{transform_indices = @transform_0, window_bounds = array<i64: 2048, 128>}, {transform_indices = @transform_1, window_bounds = array<i64: 2048, 1>}, {pipeline_mode = #tpu.pipeline_mode<synchronous>, transform_indices = @transform_2, window_bounds = array<i64: 128, 128>}, {transform_indices = @transform_3, window_bounds = array<i64: 2048, 128>}]} {
    %get3A = arith.constant 0 : index
    %get3A_0 = arith.constant 0 : index
    %get3A_1 = vector.load %arg1[%get3A, %get3A_0] : memref<2048x128xf32, #tpu.memory_space<vmem>>, vector<2048x128xf32>
    %get3A_2 = arith.constant 0 : index
    %get3A_3 = arith.constant 0 : index
    %get3A_4 = vector.load %arg2[%get3A_2, %get3A_3] : memref<2048x1xf32, #tpu.memory_space<vmem>>, vector<2048x1xf32>
    %mul3A = vector.broadcast %get3A_4 : vector<2048x1xf32> to vector<2048x128xf32>
    %mul3A_5 = arith.mulf %get3A_1, %mul3A : vector<2048x128xf32>
    %get3A_6 = arith.constant 0 : index
    %get3A_7 = arith.constant 0 : index
    %get3A_8 = vector.load %arg3[%get3A_6, %get3A_7] : memref<128x128xf32, #tpu.memory_space<vmem>>, vector<128x128xf32>
    %dot_general3A = arith.constant dense<0.000000e+00> : vector<2048x128xf32>
    %dot_general3A_9 = tpu.matmul %mul3A_5, %get3A_8, %dot_general3A {dimension_numbers = #tpu.dot_dimension_numbers<[1], [0], [0], [1], [0, 0, 1, 1], [], []>, transpose_lhs_hint = false} : vector<2048x128xf32>, vector<128x128xf32>, vector<2048x128xf32> -> vector<2048x128xf32>
    %swap3A = arith.constant 0 : index
    %swap3A_10 = arith.constant 0 : index
    %swap3A_11 = vector.load %arg4[%swap3A, %swap3A_10] : memref<2048x128xf32, #tpu.memory_space<vmem>>, vector<2048x128xf32>
    tpu.vector_store %arg4[%swap3A, %swap3A_10], %dot_general3A_9 {strides = array<i32>} : memref<2048x128xf32, #tpu.memory_space<vmem>>, vector<2048x128xf32>,
    return
  }
  func.func @transform_0(%arg0: i32) -> (i32, i32) {
    %c0_i32 = arith.constant 0 : i32
    %c0_i32_0 = arith.constant 0 : i32
    return %arg0, %c0_i32 : i32, i32
  }
  func.func @transform_1(%arg0: i32) -> (i32, i32) {
    %c0_i32 = arith.constant 0 : i32
    %c0_i32_0 = arith.constant 0 : i32
    return %arg0, %c0_i32 : i32, i32
  }
  func.func @transform_2(%arg0: i32) -> (i32, i32) {
    %c0_i32 = arith.constant 0 : i32
    %c0_i32_0 = arith.constant 0 : i32
    %c0_i32_1 = arith.constant 0 : i32
    return %c0_i32, %c0_i32_0 : i32, i32
  }
  func.func @transform_3(%arg0: i32) -> (i32, i32) {
    %c0_i32 = arith.constant 0 : i32
    %c0_i32_0 = arith.constant 0 : i32
    return %arg0, %c0_i32 : i32, i32
  }
}

module attributes {stable_mosaic.version = 14 : i64} {
  func.func @_combine_body(%arg0: i32, %arg1: memref<2x2048x128xf32, #tpu.memory_space<vmem>>, %arg2: memref<2048x128xf32, #tpu.memory_space<vmem>>, %arg3: memref<2048x1xf32, #tpu.memory_space<vmem>>, %arg4: memref<2048x1xf32, #tpu.memory_space<vmem>>, %arg5: memref<1x128xf32, #tpu.memory_space<vmem>>, %arg6: memref<128x128xf32, #tpu.memory_space<vmem>>, %arg7: memref<2048x128xf32, #tpu.memory_space<vmem>>) attributes {dimension_semantics = [#tpu.dimension_semantics<arbitrary>], iteration_bounds = array<i64: 5>, scalar_prefetch = 0 : i64, scratch_operands = 0 : i64, tpu.core_type = #tpu.core_type<tc>, window_params = [{transform_indices = @transform_0, window_bounds = array<i64: 2, 2048, 128>}, {transform_indices = @transform_1, window_bounds = array<i64: 2048, 128>}, {transform_indices = @transform_2, window_bounds = array<i64: 2048, 1>}, {transform_indices = @transform_3, window_bounds = array<i64: 2048, 1>}, {pipeline_mode = #tpu.pipeline_mode<synchronous>, transform_indices = @transform_4, window_bounds = array<i64: 1, 128>}, {pipeline_mode = #tpu.pipeline_mode<synchronous>, transform_indices = @transform_5, window_bounds = array<i64: 128, 128>}, {transform_indices = @transform_6, window_bounds = array<i64: 2048, 128>}]} {
    %get3A = arith.constant 0 : index
    %get3A_0 = arith.constant 0 : index
    %get3A_1 = arith.constant 0 : index
    %get3A_2 = vector.load %arg1[%get3A, %get3A_0, %get3A_1] : memref<2x2048x128xf32, #tpu.memory_space<vmem>>, vector<1x2048x128xf32>
    %get3A_3 = vector.shape_cast %get3A_2 : vector<1x2048x128xf32> to vector<2048x128xf32>
    %get3A_4 = arith.constant 1 : index
    %get3A_5 = arith.constant 0 : index
    %get3A_6 = arith.constant 0 : index
    %get3A_7 = vector.load %arg1[%get3A_4, %get3A_5, %get3A_6] : memref<2x2048x128xf32, #tpu.memory_space<vmem>>, vector<1x2048x128xf32>
    %get3A_8 = vector.shape_cast %get3A_7 : vector<1x2048x128xf32> to vector<2048x128xf32>
    %add3A = arith.addf %get3A_3, %get3A_8 : vector<2048x128xf32>
    %get3A_9 = arith.constant 0 : index
    %get3A_10 = arith.constant 0 : index
    %get3A_11 = vector.load %arg2[%get3A_9, %get3A_10] : memref<2048x128xf32, #tpu.memory_space<vmem>>, vector<2048x128xf32>
    %add3A_12 = arith.addf %add3A, %get3A_11 : vector<2048x128xf32>
    %get3A_13 = arith.constant 0 : index
    %get3A_14 = arith.constant 0 : index
    %get3A_15 = vector.load %arg4[%get3A_13, %get3A_14] : memref<2048x1xf32, #tpu.memory_space<vmem>>, vector<2048x1xf32>
    %mul3A = vector.broadcast %get3A_15 : vector<2048x1xf32> to vector<2048x128xf32>
    %mul3A_16 = arith.mulf %add3A_12, %mul3A : vector<2048x128xf32>
    %get3A_17 = arith.constant 0 : index
    %get3A_18 = arith.constant 0 : index
    %get3A_19 = vector.load %arg5[%get3A_17, %get3A_18] : memref<1x128xf32, #tpu.memory_space<vmem>>, vector<1x128xf32>
    %add3A_20 = vector.broadcast %get3A_19 : vector<1x128xf32> to vector<2048x128xf32>
    %add3A_21 = arith.addf %mul3A_16, %add3A_20 : vector<2048x128xf32>
    %max3A = arith.constant 0.000000e+00 : f32
    %max3A_22 = vector.broadcast %max3A : f32 to vector<2048x128xf32>
    %max3A_23 = arith.maximumf %add3A_21, %max3A_22 : vector<2048x128xf32>
    %get3A_24 = arith.constant 0 : index
    %get3A_25 = arith.constant 0 : index
    %get3A_26 = vector.load %arg3[%get3A_24, %get3A_25] : memref<2048x1xf32, #tpu.memory_space<vmem>>, vector<2048x1xf32>
    %mul3A_27 = vector.broadcast %get3A_26 : vector<2048x1xf32> to vector<2048x128xf32>
    %mul3A_28 = arith.mulf %max3A_23, %mul3A_27 : vector<2048x128xf32>
    %get3A_29 = arith.constant 0 : index
    %get3A_30 = arith.constant 0 : index
    %get3A_31 = vector.load %arg6[%get3A_29, %get3A_30] : memref<128x128xf32, #tpu.memory_space<vmem>>, vector<128x128xf32>
    %dot_general3A = arith.constant dense<0.000000e+00> : vector<2048x128xf32>
    %dot_general3A_32 = tpu.matmul %mul3A_28, %get3A_31, %dot_general3A {dimension_numbers = #tpu.dot_dimension_numbers<[1], [0], [0], [1], [0, 0, 1, 1], [], []>, transpose_lhs_hint = false} : vector<2048x128xf32>, vector<128x128xf32>, vector<2048x128xf32> -> vector<2048x128xf32>
    %swap3A = arith.constant 0 : index
    %swap3A_33 = arith.constant 0 : index
    %swap3A_34 = vector.load %arg7[%swap3A, %swap3A_33] : memref<2048x128xf32, #tpu.memory_space<vmem>>, vector<2048x128xf32>
    tpu.vector_store %arg7[%swap3A, %swap3A_33], %dot_general3A_32 {strides = array<i32>} : memref<2048x128xf32, #tpu.memory_space<vmem>>, vector<2048x128xf32>,
    return
  }
  func.func @transform_0(%arg0: i32) -> (i32, i32, i32) {
    %c0_i32 = arith.constant 0 : i32
    %c0_i32_0 = arith.constant 0 : i32
    %c0_i32_1 = arith.constant 0 : i32
    return %c0_i32, %arg0, %c0_i32_0 : i32, i32, i32
  }
  func.func @transform_1(%arg0: i32) -> (i32, i32) {
    %c0_i32 = arith.constant 0 : i32
    %c0_i32_0 = arith.constant 0 : i32
    return %arg0, %c0_i32 : i32, i32
  }
  func.func @transform_2(%arg0: i32) -> (i32, i32) {
    %c0_i32 = arith.constant 0 : i32
    %c0_i32_0 = arith.constant 0 : i32
    return %arg0, %c0_i32 : i32, i32
  }
  func.func @transform_3(%arg0: i32) -> (i32, i32) {
    %c0_i32 = arith.constant 0 : i32
    %c0_i32_0 = arith.constant 0 : i32
    return %arg0, %c0_i32 : i32, i32
  }
  func.func @transform_4(%arg0: i32) -> (i32, i32) {
    %c0_i32 = arith.constant 0 : i32
    %c0_i32_0 = arith.constant 0 : i32
    %c0_i32_1 = arith.constant 0 : i32
    return %c0_i32, %c0_i32_0 : i32, i32
  }
  func.func @transform_5(%arg0: i32) -> (i32, i32) {
    %c0_i32 = arith.constant 0 : i32
    %c0_i32_0 = arith.constant 0 : i32
    %c0_i32_1 = arith.constant 0 : i32
    return %c0_i32, %c0_i32_0 : i32, i32
  }
  func.func @transform_6(%arg0: i32) -> (i32, i32) {
    %c0_i32 = arith.constant 0 : i32
    %c0_i32_0 = arith.constant 0 : i32
    return %arg0, %c0_i32 : i32, i32
  }
}

module attributes {stable_mosaic.version = 14 : i64} {
  func.func @_final_body(%arg0: i32, %arg1: memref<2x2048x128xf32, #tpu.memory_space<vmem>>, %arg2: memref<2048x128xf32, #tpu.memory_space<vmem>>, %arg3: memref<2048x1xf32, #tpu.memory_space<vmem>>, %arg4: memref<1x128xf32, #tpu.memory_space<vmem>>, %arg5: memref<128x256xf32, #tpu.memory_space<vmem>>, %arg6: memref<1x256xf32, #tpu.memory_space<vmem>>, %arg7: memref<256x128xf32, #tpu.memory_space<vmem>>, %arg8: memref<1x128xf32, #tpu.memory_space<vmem>>, %arg9: memref<128x128xf32, #tpu.memory_space<vmem>>, %arg10: memref<1x128xf32, #tpu.memory_space<vmem>>, %arg11: memref<1x128xf32, #tpu.memory_space<vmem>>, %arg12: memref<1x128xf32, #tpu.memory_space<vmem>>) attributes {dimension_semantics = [#tpu.dimension_semantics<arbitrary>], iteration_bounds = array<i64: 5>, scalar_prefetch = 0 : i64, scratch_operands = 1 : i64, tpu.core_type = #tpu.core_type<tc>, window_params = [{transform_indices = @transform_0, window_bounds = array<i64: 2, 2048, 128>}, {transform_indices = @transform_1, window_bounds = array<i64: 2048, 128>}, {transform_indices = @transform_2, window_bounds = array<i64: 2048, 1>}, {pipeline_mode = #tpu.pipeline_mode<synchronous>, transform_indices = @transform_3, window_bounds = array<i64: 1, 128>}, {pipeline_mode = #tpu.pipeline_mode<synchronous>, transform_indices = @transform_4, window_bounds = array<i64: 128, 256>}, {pipeline_mode = #tpu.pipeline_mode<synchronous>, transform_indices = @transform_5, window_bounds = array<i64: 1, 256>}, {pipeline_mode = #tpu.pipeline_mode<synchronous>, transform_indices = @transform_6, window_bounds = array<i64: 256, 128>}, {pipeline_mode = #tpu.pipeline_mode<synchronous>, transform_indices = @transform_7, window_bounds = array<i64: 1, 128>}, {pipeline_mode = #tpu.pipeline_mode<synchronous>, transform_indices = @transform_8, window_bounds = array<i64: 128, 128>}, {pipeline_mode = #tpu.pipeline_mode<synchronous>, transform_indices = @transform_9, window_bounds = array<i64: 1, 128>}, {pipeline_mode = #tpu.pipeline_mode<synchronous>, transform_indices = @transform_10, window_bounds = array<i64: 1, 128>}]} {
    %eq3A = arith.constant 0 : i32
    %eq3A_0 = arith.cmpi eq, %arg0, %eq3A : i32
    %convert_element_type3A = arith.extui %eq3A_0 : i1 to i32
    %cond3A = arith.constant 0 : i32
    %cond3A_1 = arith.cmpi ne, %convert_element_type3A, %cond3A : i32
    scf.if %cond3A_1 {
      %broadcast_in_dim3A_45 = arith.constant 0.000000e+00 : f32
      %broadcast_in_dim3A_46 = vector.broadcast %broadcast_in_dim3A_45 : f32 to vector<1x128xf32>
      %swap3A_47 = arith.constant 0 : index
      %swap3A_48 = arith.constant 0 : index
      %swap3A_49 = vector.load %arg12[%swap3A_47, %swap3A_48] : memref<1x128xf32, #tpu.memory_space<vmem>>, vector<1x128xf32>
      tpu.vector_store %arg12[%swap3A_47, %swap3A_48], %broadcast_in_dim3A_46 {strides = array<i32>} : memref<1x128xf32, #tpu.memory_space<vmem>>, vector<1x128xf32>,
    } else {
    }
    %get3A = arith.constant 0 : index
    %get3A_2 = arith.constant 0 : index
    %get3A_3 = arith.constant 0 : index
    %get3A_4 = vector.load %arg1[%get3A, %get3A_2, %get3A_3] : memref<2x2048x128xf32, #tpu.memory_space<vmem>>, vector<1x2048x128xf32>
    %get3A_5 = vector.shape_cast %get3A_4 : vector<1x2048x128xf32> to vector<2048x128xf32>
    %get3A_6 = arith.constant 1 : index
    %get3A_7 = arith.constant 0 : index
    %get3A_8 = arith.constant 0 : index
    %get3A_9 = vector.load %arg1[%get3A_6, %get3A_7, %get3A_8] : memref<2x2048x128xf32, #tpu.memory_space<vmem>>, vector<1x2048x128xf32>
    %get3A_10 = vector.shape_cast %get3A_9 : vector<1x2048x128xf32> to vector<2048x128xf32>
    %add3A = arith.addf %get3A_5, %get3A_10 : vector<2048x128xf32>
    %get3A_11 = arith.constant 0 : index
    %get3A_12 = arith.constant 0 : index
    %get3A_13 = vector.load %arg2[%get3A_11, %get3A_12] : memref<2048x128xf32, #tpu.memory_space<vmem>>, vector<2048x128xf32>
    %add3A_14 = arith.addf %add3A, %get3A_13 : vector<2048x128xf32>
    %get3A_15 = arith.constant 0 : index
    %get3A_16 = arith.constant 0 : index
    %get3A_17 = vector.load %arg3[%get3A_15, %get3A_16] : memref<2048x1xf32, #tpu.memory_space<vmem>>, vector<2048x1xf32>
    %mul3A = vector.broadcast %get3A_17 : vector<2048x1xf32> to vector<2048x128xf32>
    %mul3A_18 = arith.mulf %add3A_14, %mul3A : vector<2048x128xf32>
    %get3A_19 = arith.constant 0 : index
    %get3A_20 = arith.constant 0 : index
    %get3A_21 = vector.load %arg4[%get3A_19, %get3A_20] : memref<1x128xf32, #tpu.memory_space<vmem>>, vector<1x128xf32>
    %add3A_22 = vector.broadcast %get3A_21 : vector<1x128xf32> to vector<2048x128xf32>
    %add3A_23 = arith.addf %mul3A_18, %add3A_22 : vector<2048x128xf32>
    %max3A = arith.constant 0.000000e+00 : f32
    %max3A_24 = vector.broadcast %max3A : f32 to vector<2048x128xf32>
    %max3A_25 = arith.maximumf %add3A_23, %max3A_24 : vector<2048x128xf32>
    %iota3A = tpu.iota {dimensions = array<i32: 0>} : vector<2048x128xi32>
    %mul3A_26 = arith.constant 2048 : i32
    %mul3A_27 = arith.muli %arg0, %mul3A_26 : i32
    %add3A_28 = vector.broadcast %mul3A_27 : i32 to vector<2048x128xi32>
    %add3A_29 = arith.addi %iota3A, %add3A_28 : vector<2048x128xi32>
    %lt3A = arith.constant 10000 : i32
    %lt3A_30 = vector.broadcast %lt3A : i32 to vector<2048x128xi32>
    %lt3A_31 = arith.cmpi slt, %add3A_29, %lt3A_30 : vector<2048x128xi32>
    %jit3A = arith.constant 0.000000e+00 : f32
    %broadcast_in_dim3A = vector.broadcast %jit3A : f32 to vector<2048x128xf32>
    %select_n3A = arith.select %lt3A_31, %max3A_25, %broadcast_in_dim3A : vector<2048x128xi1>, vector<2048x128xf32>
    %get3A_32 = arith.constant 0 : index
    %get3A_33 = arith.constant 0 : index
    %get3A_34 = vector.load %arg12[%get3A_32, %get3A_33] : memref<1x128xf32, #tpu.memory_space<vmem>>, vector<1x128xf32>
    %reduce_sum3A = arith.constant dense<0.000000e+00> : vector<128xf32>
    %reduce_sum3A_35 = vector.multi_reduction <add>, %select_n3A, %reduce_sum3A [0] : vector<2048x128xf32> to vector<128xf32>
    %broadcast_in_dim3A_36 = vector.shape_cast %reduce_sum3A_35 : vector<128xf32> to vector<1x128xf32>
    %add3A_37 = arith.addf %get3A_34, %broadcast_in_dim3A_36 : vector<1x128xf32>
    %swap3A = arith.constant 0 : index
    %swap3A_38 = arith.constant 0 : index
    %swap3A_39 = vector.load %arg12[%swap3A, %swap3A_38] : memref<1x128xf32, #tpu.memory_space<vmem>>, vector<1x128xf32>
    tpu.vector_store %arg12[%swap3A, %swap3A_38], %add3A_37 {strides = array<i32>} : memref<1x128xf32, #tpu.memory_space<vmem>>, vector<1x128xf32>,
    %eq3A_40 = arith.constant 4 : i32
    %eq3A_41 = arith.cmpi eq, %arg0, %eq3A_40 : i32
    %convert_element_type3A_42 = arith.extui %eq3A_41 : i1 to i32
    %cond3A_43 = arith.constant 0 : i32
    %cond3A_44 = arith.cmpi ne, %convert_element_type3A_42, %cond3A_43 : i32
    scf.if %cond3A_44 {
      %get3A_45 = arith.constant 0 : index
      %get3A_46 = arith.constant 0 : index
      %get3A_47 = vector.load %arg12[%get3A_45, %get3A_46] : memref<1x128xf32, #tpu.memory_space<vmem>>, vector<1x128xf32>
      %get3A_48 = arith.constant 0 : index
      %get3A_49 = arith.constant 0 : index
      %get3A_50 = vector.load %arg5[%get3A_48, %get3A_49] : memref<128x256xf32, #tpu.memory_space<vmem>>, vector<128x256xf32>
      %dot_general3A = arith.constant dense<0.000000e+00> : vector<1x256xf32>
      %dot_general3A_51 = tpu.matmul %get3A_47, %get3A_50, %dot_general3A {dimension_numbers = #tpu.dot_dimension_numbers<[1], [0], [0], [1], [0, 0, 1, 1], [], []>, transpose_lhs_hint = false} : vector<1x128xf32>, vector<128x256xf32>, vector<1x256xf32> -> vector<1x256xf32>
      %get3A_52 = arith.constant 0 : index
      %get3A_53 = arith.constant 0 : index
      %get3A_54 = vector.load %arg6[%get3A_52, %get3A_53] : memref<1x256xf32, #tpu.memory_space<vmem>>, vector<1x256xf32>
      %add3A_55 = arith.addf %dot_general3A_51, %get3A_54 : vector<1x256xf32>
      %max3A_56 = arith.constant 0.000000e+00 : f32
      %max3A_57 = vector.broadcast %max3A_56 : f32 to vector<1x256xf32>
      %max3A_58 = arith.maximumf %add3A_55, %max3A_57 : vector<1x256xf32>
      %get3A_59 = arith.constant 0 : index
      %get3A_60 = arith.constant 0 : index
      %get3A_61 = vector.load %arg7[%get3A_59, %get3A_60] : memref<256x128xf32, #tpu.memory_space<vmem>>, vector<256x128xf32>
      %dot_general3A_62 = arith.constant dense<0.000000e+00> : vector<1x128xf32>
      %dot_general3A_63 = tpu.matmul %max3A_58, %get3A_61, %dot_general3A_62 {dimension_numbers = #tpu.dot_dimension_numbers<[1], [0], [0], [1], [0, 0, 1, 1], [], []>, transpose_lhs_hint = false} : vector<1x256xf32>, vector<256x128xf32>, vector<1x128xf32> -> vector<1x128xf32>
      %get3A_64 = arith.constant 0 : index
      %get3A_65 = arith.constant 0 : index
      %get3A_66 = vector.load %arg8[%get3A_64, %get3A_65] : memref<1x128xf32, #tpu.memory_space<vmem>>, vector<1x128xf32>
      %add3A_67 = arith.addf %dot_general3A_63, %get3A_66 : vector<1x128xf32>
      %max3A_68 = arith.constant 0.000000e+00 : f32
      %max3A_69 = vector.broadcast %max3A_68 : f32 to vector<1x128xf32>
      %max3A_70 = arith.maximumf %add3A_67, %max3A_69 : vector<1x128xf32>
      %get3A_71 = arith.constant 0 : index
      %get3A_72 = arith.constant 0 : index
      %get3A_73 = vector.load %arg9[%get3A_71, %get3A_72] : memref<128x128xf32, #tpu.memory_space<vmem>>, vector<128x128xf32>
      %dot_general3A_74 = arith.constant dense<0.000000e+00> : vector<1x128xf32>
      %dot_general3A_75 = tpu.matmul %max3A_70, %get3A_73, %dot_general3A_74 {dimension_numbers = #tpu.dot_dimension_numbers<[1], [0], [0], [1], [0, 0, 1, 1], [], []>, transpose_lhs_hint = false} : vector<1x128xf32>, vector<128x128xf32>, vector<1x128xf32> -> vector<1x128xf32>
      %get3A_76 = arith.constant 0 : index
      %get3A_77 = arith.constant 0 : index
      %get3A_78 = vector.load %arg10[%get3A_76, %get3A_77] : memref<1x128xf32, #tpu.memory_space<vmem>>, vector<1x128xf32>
      %add3A_79 = arith.addf %dot_general3A_75, %get3A_78 : vector<1x128xf32>
      %swap3A_80 = arith.constant 0 : index
      %swap3A_81 = arith.constant 0 : index
      %swap3A_82 = vector.load %arg11[%swap3A_80, %swap3A_81] : memref<1x128xf32, #tpu.memory_space<vmem>>, vector<1x128xf32>
      tpu.vector_store %arg11[%swap3A_80, %swap3A_81], %add3A_79 {strides = array<i32>} : memref<1x128xf32, #tpu.memory_space<vmem>>, vector<1x128xf32>,
    } else {
    }
    return
  }
  func.func @transform_0(%arg0: i32) -> (i32, i32, i32) {
    %c0_i32 = arith.constant 0 : i32
    %c0_i32_0 = arith.constant 0 : i32
    %c0_i32_1 = arith.constant 0 : i32
    return %c0_i32, %arg0, %c0_i32_0 : i32, i32, i32
  }
  func.func @transform_1(%arg0: i32) -> (i32, i32) {
    %c0_i32 = arith.constant 0 : i32
    %c0_i32_0 = arith.constant 0 : i32
    return %arg0, %c0_i32 : i32, i32
  }
  func.func @transform_2(%arg0: i32) -> (i32, i32) {
    %c0_i32 = arith.constant 0 : i32
    %c0_i32_0 = arith.constant 0 : i32
    return %arg0, %c0_i32 : i32, i32
  }
  func.func @transform_3(%arg0: i32) -> (i32, i32) {
    %c0_i32 = arith.constant 0 : i32
    %c0_i32_0 = arith.constant 0 : i32
    %c0_i32_1 = arith.constant 0 : i32
    return %c0_i32, %c0_i32_0 : i32, i32
  }
  func.func @transform_4(%arg0: i32) -> (i32, i32) {
    %c0_i32 = arith.constant 0 : i32
    %c0_i32_0 = arith.constant 0 : i32
    %c0_i32_1 = arith.constant 0 : i32
    return %c0_i32, %c0_i32_0 : i32, i32
  }
  func.func @transform_5(%arg0: i32) -> (i32, i32) {
    %c0_i32 = arith.constant 0 : i32
    %c0_i32_0 = arith.constant 0 : i32
    %c0_i32_1 = arith.constant 0 : i32
    return %c0_i32, %c0_i32_0 : i32, i32
  }
  func.func @transform_6(%arg0: i32) -> (i32, i32) {
    %c0_i32 = arith.constant 0 : i32
    %c0_i32_0 = arith.constant 0 : i32
    %c0_i32_1 = arith.constant 0 : i32
    return %c0_i32, %c0_i32_0 : i32, i32
  }
  func.func @transform_7(%arg0: i32) -> (i32, i32) {
    %c0_i32 = arith.constant 0 : i32
    %c0_i32_0 = arith.constant 0 : i32
    %c0_i32_1 = arith.constant 0 : i32
    return %c0_i32, %c0_i32_0 : i32, i32
  }
  func.func @transform_8(%arg0: i32) -> (i32, i32) {
    %c0_i32 = arith.constant 0 : i32
    %c0_i32_0 = arith.constant 0 : i32
    %c0_i32_1 = arith.constant 0 : i32
    return %c0_i32, %c0_i32_0 : i32, i32
  }
  func.func @transform_9(%arg0: i32) -> (i32, i32) {
    %c0_i32 = arith.constant 0 : i32
    %c0_i32_0 = arith.constant 0 : i32
    %c0_i32_1 = arith.constant 0 : i32
    return %c0_i32, %c0_i32_0 : i32, i32
  }
  func.func @transform_10(%arg0: i32) -> (i32, i32) {
    %c0_i32 = arith.constant 0 : i32
    %c0_i32_0 = arith.constant 0 : i32
    %c0_i32_1 = arith.constant 0 : i32
    return %c0_i32, %c0_i32_0 : i32, i32
  }
}

</mosaic_0001>

<sc_bundles>
// kernel: kernel.11.cloned.1.call-start
scs
__scs_entry_jumppad:
0x0: {  	(pc) =	sbr.rel $0x88, $3  }
0x1: {  	(tag) =	ssettag $0x0;
	lr =	simm.s32 $0x1  }
0x2: {  	[smem:$0x3F95] =	sst lr;
	_ =	strace $0xD0000000  }
0x3: {  	_ = 	snop  }
0x4: {  	_ = 	snop  }
0x5: {  	_ = 	snop  }
0x6: {  	_ = 	snop  }
0x7: {  	_ = 	snop  }
__scs_overlays_trampoline_lowered:
0x8: {  	[smem:$0x3FA4] =	sst s0  }
0x9: {  	[smem:$0x3FA5] =	sst s1  }
0xa: {  	[smem:$0x3FA6] =	sst s2  }
0xb: {  	[smem:$0x3FA7] =	sst s3  }
0xc: {  	[smem:$0x3FA8] =	sst s4  }
0xd: {  	[smem:$0x3FA9] =	sst s5  }
0xe: {  	[smem:$0x3FAA] =	sst s6  }
0xf: {  	[smem:$0x3FAB] =	sst s7  }
0x10: {  	[smem:$0x3FAC] =	sst s8  }
0x11: {  	[smem:$0x3FAD] =	sst s9;
	s0 =	simm.s32 @!p0 $0x0  }
0x12: {  	s1 =	sld [smem:$0x3F93];
	s0 =	simm.s32 @p0 $0x1  }
0x13: {  	[smem:$0x3FAE] =	sst s0;
	s0 =	simm.s32 @!p1 $0x0  }
0x14: {  	s2 =	sld [smem:$0x3F92];
	s0 =	simm.s32 @p1 $0x1  }
0x15: {  	[smem:$0x3FAF] =	sst s0;
	s0 =	simm.s32 @!p2 $0x0  }
0x16: {  	s3 =	sld [smem:$0x3FDB];
	s0 =	simm.s32 @p2 $0x1  }
0x17: {  	s4 =	simm.s32 $0x1BF5;
	[smem:$0x3FB1] =	sst s0  }
0x18: {  	s0 =	sld [smem:$0x3F94];
	_ =	swait.ge [sflag:s4], $0x0  }
0x19: {  	s7 =	sld [smem:$0x3F95]  }
0x1a: {  	s8 =	sadd.s32 $0xFFFFE003, lr  }
0x1b: {  	s9 =	sadd.s32 $0xFFFFFEF7, lr;
	s5 =	simm.s32 $0xFFFFFFFF;
	p2 =	slt.u32 s8, $0xFFFFF086  }
0x1c: {  	p1 =	slt.u32 s9, $0xF7A;
	s5 =	simm.s32 @!p2 $0x0  }
0x1d: {  	s5 =	simm.s32 @p1 $0x1;
	p0 =	seq.s32 s7, s2  }
0x1e: {  	s7 =	smul.u32 @!p0 $0xF7A, s2;
	p2 =	seq.s32 @!p0 s5, $0x0  }
0x1f: {  	s9 =	smul.u32 $0xF7A, s1;
	s8 =	simm.s32 @!p0 $0x1BF5;
	p2 =	por !p2, p0  }
0x20: {  	[sflag:s8] =	ssyncset.s32 @!p0 $0xFFFFF086;
	s6 =	sadd.s32 @!p0 s3, s7;
	s7 =	simm.s32 @!p0 $0x108  }
0x21: {  	s3 =	sadd.s32 s3, s9;
	s6 =	sadd.s32 @!p0 $0x88, s6;
	s7 =	simm.s32 @p2 $0x1082  }
0x22: {  	[simem:s7], [sflag:s8] =	dma.local @!p0 [hbm:s6], $0xF7A  }
0x23: {  	s9 =	sor.u32 $0xD0000000, s2;
	s6 =	simm.s32 $0x108;
	_ =	swait.ge @!p0 [sflag:s8], $0x0  }
0x24: {  	s3 =	sadd.s32 $0x88, s3;
	s6 =	simm.s32 @!p1 $0x1082;
	[sflag:s4] =	ssyncset.s32 $0xFFFFF086  }
0x25: {  	[simem:s6], [sflag:s4] =	dma.local [hbm:s3], $0xF7A  }
0x26: {  	[smem:$0x3F95] =	sst s1;
	(tag) =	ssettag s2;
	_ =	strace s9  }
0x27: {  	s1 =	sld [smem:$0x3FA5]  }
0x28: {  	s2 =	sld [smem:$0x3FA6]  }
0x29: {  	s4 =	sld [smem:$0x3FA8]  }
0x2a: {  	p0 =	seq.s32 s5, $0x0;
	s5 =	sld [smem:$0x3FA9]  }
0x2b: {  	s6 =	sld [smem:$0x3FAA]  }
0x2c: {  	s7 =	sld [smem:$0x3FAB]  }
0x2d: {  	s3 =	simm.s32 $0x108;
	s8 =	sld [smem:$0x3FAC]  }
0x2e: {  	s3 =	simm.s32 @!p0 $0x1082;
	s9 =	sld [smem:$0x3FAD]  }
0x2f: {  	lr =	sadd.s32 s0, s3;
	s0 =	sld [smem:$0x3FA4]  }
0x30: {  	s3 =	sld [smem:$0x3FA7]  }
0x31: {  	[smem:$0x3FB0] =	sst s10  }
0x32: {  	s10 =	sld [smem:$0x3FAE];
	_ =	sdelay $0x3  }
0x33: {  	p0 =	seq.s32 s10, $0x1;
	s10 =	sld [smem:$0x3FB0];
	_ =	sdelay $0x3  }
0x34: {  	[smem:$0x3FB0] =	sst s10  }
0x35: {  	s10 =	sld [smem:$0x3FAF];
	_ =	sdelay $0x3  }
0x36: {  	p1 =	seq.s32 s10, $0x1;
	s10 =	sld [smem:$0x3FB0];
	_ =	sdelay $0x3  }
0x37: {  	[smem:$0x3FB0] =	sst s10  }
0x38: {  	s10 =	sld [smem:$0x3FB1]  }
0x39: {  	_ = 	snop;
	(pc) =	sbr.ind lr, $3  }
0x3a: {  	_ = 	snop  }
0x3b: {  	_ = 	snop  }
0x3c: {  	p2 =	seq.s32 s10, $0x1;
	s10 =	sld [smem:$0x3FB0]  }
0x3d: {  	_ =	shalt  }
0x3e: {  	_ =	shalt  }
0x3f: {  	_ =	shalt  }
0x40: {  	_ =	shalt  }
0x41: {  	_ =	shalt  }
0x42: {  	_ =	shalt  }
0x43: {  	_ =	shalt  }
0x44: {  	_ =	shalt  }
0x45: {  	_ =	shalt  }
0x46: {  	_ =	shalt  }
0x47: {  	_ =	shalt  }
0x48: {  	_ =	shalt  }
0x49: {  	_ =	shalt  }
0x4a: {  	_ =	shalt  }
0x4b: {  	_ =	shalt  }
0x4c: {  	_ =	shalt  }
0x4d: {  	_ =	shalt  }
0x4e: {  	_ =	shalt  }
0x4f: {  	_ =	shalt  }
0x50: {  	_ =	shalt  }
0x51: {  	_ =	shalt  }
0x52: {  	_ =	shalt  }
0x53: {  	_ =	shalt  }
0x54: {  	_ =	shalt  }
0x55: {  	_ =	shalt  }
0x56: {  	_ =	shalt  }
0x57: {  	_ =	shalt  }
0x58: {  	_ =	shalt  }
0x59: {  	_ =	shalt  }
0x5a: {  	_ =	shalt  }
0x5b: {  	_ =	shalt  }
0x5c: {  	_ =	shalt  }
0x5d: {  	_ =	shalt  }
0x5e: {  	_ =	shalt  }
0x5f: {  	_ =	shalt  }
0x60: {  	_ =	shalt  }
0x61: {  	_ =	shalt  }
0x62: {  	_ =	shalt  }
0x63: {  	_ =	shalt  }
0x64: {  	_ =	shalt  }
0x65: {  	_ =	shalt  }
0x66: {  	_ =	shalt  }
0x67: {  	_ =	shalt  }
0x68: {  	_ =	shalt  }
0x69: {  	_ =	shalt  }
0x6a: {  	_ =	shalt  }
0x6b: {  	_ =	shalt  }
0x6c: {  	_ =	shalt  }
0x6d: {  	_ =	shalt  }
0x6e: {  	_ =	shalt  }
0x6f: {  	_ =	shalt  }
0x70: {  	_ =	shalt  }
0x71: {  	_ =	shalt  }
0x72: {  	_ =	shalt  }
0x73: {  	_ =	shalt  }
0x74: {  	_ =	shalt  }
0x75: {  	_ =	shalt  }
0x76: {  	_ =	shalt  }
0x77: {  	_ =	shalt  }
0x78: {  	_ =	shalt  }
0x79: {  	_ =	shalt  }
0x7a: {  	_ =	shalt  }
0x7b: {  	_ =	shalt  }
0x7c: {  	_ =	shalt  }
0x7d: {  	_ =	shalt  }
0x7e: {  	_ =	shalt  }
0x7f: {  	_ =	shalt  }
0x80: {  	_ =	shalt  }
0x81: {  	_ =	shalt  }
0x82: {  	_ =	shalt  }
0x83: {  	_ =	shalt  }
0x84: {  	_ =	shalt  }
0x85: {  	_ =	shalt  }
0x86: {  	_ =	shalt  }
0x87: {  	_ =	shalt  }
.Lfunc_end0:
.L_simem_size_0:
called_computation.1_lowered:
.L_overlay_start_0:
0x88: {  	s2 =	sld [smem:$0x3FD9]  }
0x89: {  	s3 =	sld [smem:$0x3FFE];
	_ =	sdelay $0x1  }
0x8a: {  	s1 =	srdreg.scid  }
0x8b: {  	s0 =	sand.u32 $0x1, s1  }
0x8c: {  	s16 =	sshll.u32 s0, $0xA;
	s2 =	sadd.s32 s3, s2  }
0x8d: {  	s2 =	sadd.s32 s2, s16  }
0x8e: {  	[smem:$0x3FBC] =	sst s2  }
0x8f: {  	_ = 	snop  }
0x90: {  	(tm) =	ssettm $0x1  }
0x91: {  	s17 =	sld [smem:$0x3FFB];
	_ =	sdelay $0x3  }
0x92: {  	_ =	strace s17  }
0x93: {  	s2 =	sld [smem:$0x3FFC];
	_ =	sdelay $0x3  }
0x94: {  	_ =	strace s2  }
0x95: {  	s2 =	sld [smem:$0x3FFD];
	_ =	sdelay $0x3  }
0x96: {  	_ =	strace s2  }
0x97: {  	_ =	strace $0x8FFFFFFF  }
0x98: {  	s18 =	sld [smem:$0x3FDB];
	_ =	sdelay $0x1  }
0x99: {  	s19 =	simm.s32 $_scs_section_size  }
0x9a: {  	s4 =	simm.s32 $_size__tile_overlayer_lowered;
	s5 =	simm.s32 $_tile_overlayer_lowered  }
0x9b: {  	s22 =	simm.s32 $0x1BFF;
	s21 =	sshll.u32 s5, $0x1;
	s2 =	sadd.s32 s19, s18  }
0x9c: {  	s6 =	simm.s32 $0x0;
	s20 =	sshll.u32 s4, $0x1;
	s4 =	sadd.s32 s21, s2  }
0x9d: {  	[timem:s6], [sflag:s22] =	dma.local [hbm:s4], s20  }
0x9e: {  	_ =	swait.ge [sflag:s22], s20  }
0x9f: {  	s3 =	ssub.s32 $0x0, s20;
	[sflag:s22] =	ssyncset.done $0x0  }
0xa0: {  	[sflag:s22] =	ssyncadd.s32 s3;
	_ =	sdelay $0x1  }
0xa1: {  	s23 =	simm.s32 $0x1B8B  }
0xa2: {  	_ =	swait.ge [sflag:s23], $0x1  }
0xa3: {  	[sflag:s23] =	ssyncset.done $0x0  }
0xa4: {  	s25 =	simm.s32 $0x1B8E;
	s24 =	sld [smem:$0x3FFE];
	[sflag:s23] =	ssyncadd.s32 $0xFFFFFFFF  }
0xa5: {  	s26 =	simm.s32 $execute0_lowered;
	[smem:$0x3FD2] =	sst s25  }
0xa6: {  	s4 =	sshll.u32 s26, $0x1;
	_ =	strace $0x80000049;
	[dreg:$0x1] =	wrdreg $0xFFFFFFFF  }
0xa7: {  	s28 =	simm.s32 $_size_execute0_lowered;
	s2 =	sadd.s32 s2, s4;
	[dreg:$0x0] =	wrdreg $0x0  }
0xa8: {  	s4 =	sshll.u32 s28, $0x1;
	[dreg:$0x2] =	wrdreg s2  }
0xa9: {  	[dreg:$0x3] =	wrdreg s4  }
0xaa: {  	[dreg:$0x4] =	wrdreg $0xC0  }
0xab: {  	_ =	task [dreg:s6], $0x5FFFF  }
0xac: {  	[dreg:$0x1] =	wrdreg $0xFFFFFFFF  }
0xad: {  	[dreg:$0x0] =	wrdreg $0x60  }
0xae: {  	[dreg:$0x2] =	wrdreg s24  }
0xaf: {  	[dreg:$0x3] =	wrdreg $0xA8000  }
0xb0: {  	[dreg:$0x4] =	wrdreg $0x9  }
0xb1: {  	_ =	task.clear_ibuf [dreg:s6], $0x5FFFF;
	_ =	strace $0x90000049  }
0xb2: {  	s29 =	simm.s32 $0x9;
	_ =	strace $0x8000004B  }
0xb3: {  	_ =	swait.ge [sflag:s29], $0x1  }
0xb4: {  	[sflag:s29] =	ssyncadd.s32 $0xFFFFFFFF  }
0xb5: {  	_ =	strace $0x9000004B  }
0xb6: {  	_ =	sfence  }
0xb7: {  	s30 =	sld [smem:$0x0];
	_ =	sdelay $0x2  }
0xb8: {  	s31 =	sshll.u32 s1, $0xD;
	s1 =	sshrl.u32 s1, $0x2  }
0xb9: {  	s3 =	sand.u32 $0x4000, s31;
	s1 =	sadd.s32 s1, s30  }
0xba: {  	s0 =	sor.u32 s3, s0;
	s1 =	sshll.u32 s1, $0x11  }
0xbb: {  	s0 =	sor.u32 s1, s0  }
0xbc: {  	s0 =	sadd.s32 $0x8F2B, s0  }
0xbd: {  	[sflag:s0] =	ssyncadd.remote.s32 $0x1  }
0xbe: {  	_ =	sfence.sel $0xFFFF  }
0xbf: {  	[dreg:$0x0] =	wrdreg $0xFFFFFFFF;
	(pc) =	sbr.abs _section_cstart, $3  }
0xc0: {  	[dreg:$0x1] =	wrdreg $0xFFFFFFFF  }
0xc1: {  	_ =	task.clear_ibuf [dreg:s6], $0x2FFFF;
	_ =	strace $0x9FFFFFFF  }
0xc2: {  	(tm) =	ssettm $0x7FFFFFFF  }
0xc3: {  	_ =	shalt  }
tec
execute0_lowered:
.L_overlay_start_1:
0x0: {  	(tag) =	ssettag $0x1  }
0x1: {  	s6 =	rddreg [dreg:$0x0]  }
0x2: {  	s0 =	srdreg.scid;
	s2 =	rddreg [dreg:$0x1];
	s3 =	simm.s32 $0x0  }
0x3: {  	s16 =	simm.s32 $0x2800;
	s17 =	simm.s32 $0x3;
	s18 =	simm.s32 $0x1400  }
0x4: {  	s19 =	simm.s32 $0x80;
	s20 =	simm.s32 $0x6800;
	s21 =	simm.s32 $0x1  }
0x5: {  	s22 =	simm.s32 $0x2;
	s23 =	simm.s32 $0x1380;
	s5 =	sand.u32 $0x1, s0  }
0x6: {  	s24 =	simm.s32 $0x2700;
	s0 =	stileid.u32;
	s7 =	smul.u32 $0x140000, s5  }
0x7: {  	s25 =	simm.s32 $0x2780;
	s1 =	sshll.u32 s5, $0x4;
	s8 =	smul.u32 $0x14000, s0  }
0x8: {  	s10 =	smul.u32 $0x50000, s0;
	s29 =	ssub.s32 $0x2, s5;
	s1 =	sor.u32 s0, s1  }
0x9: {  	[smem:$0x7FF] =	sst s3;
	s31 =	sshrl.u32 s29, $0x1;
	s4 =	smul.u32 $0x2800, s1  }
0xa: {  	s1 =	rddreg [dreg:$0x2];
	_ =	strace $0x8000004A;
	s7 =	sadd.s32 s8, s7  }
0xb: {  	s30 =	sshrl.u32 s10, $0x2;
	s15 =	ssub.s32 s29, s31;
	s7 =	sshrl.u32 s7, $0x3  }
0xc: {  	s5 =	sadd.s32 s30, s2;
	s15 =	smax.u32 s15, $0x1;
	s9 =	sshrl.u32 s4, $0x3  }
0xd: {  	s4 =	sadd.s32 $0x17A00, s6;
	s14 =	sadd.s32 s7, s6;
	s7 =	sadd.s32 $0x8000, s5  }
0xe: {  	s8 =	sadd.s32 $0xC000, s5;
	s13 =	sadd.s32 s9, s6;
	s6 =	sadd.s32 $0x4000, s5  }
0xf: {  	s9 =	sadd.s32 $0x10000, s5;
	s14 =	sadd.s32 $0x3FA00, s14;
	s10 =	sadd.s32 $0x3A00, s13  }
0x10: {  	v0 =	vimm.f32 $0.0e+00;
	s11 =	sadd.s32 $0xDA00, s13;
	s12 =	sadd.s32 $0x3C80, s13;
	s13 =	sadd.s32 $0xDC80, s13  }
.LBB2_1:
0x11: {  	s26 =	simm.s32 $0x0;
	s28 =	simm.s32 $0x200  }
.LBB2_2:
0x12: {  	p0 =	sne.s32 s28, $0xFE00;
	[tilespmem:s26+$0x2870] =	vst v0  }
0x13: {  	[tilespmem:s26+$0x2800] =	vst v0  }
0x14: {  	[tilespmem:s26+$0x2810] =	vst v0  }
.Ltmp0:
0x15: {  	[tilespmem:s26+$0x2820] =	vst v0;
	(pc) =	sbr.rel @p0 .LBB2_2-.Ltmp0, $4  }
0x16: {  	[tilespmem:s26+$0x2830] =	vst v0  }
0x17: {  	[tilespmem:s26+$0x2840] =	vst v0  }
0x18: {  	[tilespmem:s26+$0x2850] =	vst v0  }
0x19: {  	[tilespmem:s26+$0x2860] =	vst v0;
	s26 =	sshra.s32 s28, $0x2;
	s28 =	sadd.s32 $0x200, s28  }
0x1a: {  	[tilespmem:s26+$0x2870] =	vst v0  }
0x1b: {  	[tilespmem:s26+$0x2800] =	vst v0  }
0x1c: {  	[tilespmem:s26+$0x2810] =	vst v0  }
0x1d: {  	[tilespmem:s26+$0x2820] =	vst v0  }
0x1e: {  	[tilespmem:s26+$0x2830] =	vst v0  }
0x1f: {  	[tilespmem:s26+$0x2840] =	vst v0  }
0x20: {  	[tilespmem:s26+$0x2850] =	vst v0  }
0x21: {  	[tilespmem:s26+$0x2860] =	vst v0  }
0x22: {  	[spmem:s5] =	stream.linear.scatter [tilespmem:s16], [sflag:$0x3], $0x4000, $0x38;
	[tilespmem:$0x1E800] =	vst v63  }
0x23: {  	_ =	swait.ge [sflag:s17], $0x4000  }
0x24: {  	[sflag:s17] =	ssyncset.done $0x0  }
0x25: {  	[sflag:s17] =	ssyncadd.s32 $0xFFFFC000  }
0x26: {  	[spmem:s6] =	stream.linear.scatter [tilespmem:s16], [sflag:$0x3], $0x4000, $0x38;
	[tilespmem:$0x1E800] =	vst v63  }
0x27: {  	_ =	swait.ge [sflag:s17], $0x4000  }
0x28: {  	[sflag:s17] =	ssyncset.done $0x0  }
0x29: {  	[sflag:s17] =	ssyncadd.s32 $0xFFFFC000  }
0x2a: {  	[spmem:s7] =	stream.linear.scatter [tilespmem:s16], [sflag:$0x3], $0x4000, $0x38;
	[tilespmem:$0x1E800] =	vst v63  }
0x2b: {  	_ =	swait.ge [sflag:s17], $0x4000  }
0x2c: {  	[sflag:s17] =	ssyncset.done $0x0  }
0x2d: {  	[sflag:s17] =	ssyncadd.s32 $0xFFFFC000  }
0x2e: {  	[spmem:s8] =	stream.linear.scatter [tilespmem:s16], [sflag:$0x3], $0x4000, $0x38;
	[tilespmem:$0x1E800] =	vst v63  }
0x2f: {  	_ =	swait.ge [sflag:s17], $0x4000  }
0x30: {  	[sflag:s17] =	ssyncset.done $0x0  }
0x31: {  	[sflag:s17] =	ssyncadd.s32 $0xFFFFC000  }
0x32: {  	[spmem:s9] =	stream.linear.scatter [tilespmem:s16], [sflag:$0x3], $0x4000, $0x38;
	[tilespmem:$0x1E800] =	vst v63  }
0x33: {  	_ =	swait.ge [sflag:s17], $0x4000  }
0x34: {  	[sflag:s17] =	ssyncset.done $0x0  }
0x35: {  	[sflag:s17] =	ssyncadd.s32 $0xFFFFC000  }
0x36: {  	s30 =	simm.s32 $0x0;
	[bflag:$0x0] =	sbarrier.arrive $0xFFFF  }
0x37: {  	[tilespmem:s30], [sflag:$0x3] =	stream.linear.gather [hbm4b:s10+s30], $0x1400, $0x38;
	[tilespmem:$0x1E800] =	vst v63  }
0x38: {  	_ =	swait.ge [sflag:s17], $0x1400  }
0x39: {  	[sflag:s17] =	ssyncset.done $0x0  }
0x3a: {  	[sflag:s17] =	ssyncadd.s32 $0xFFFFEC00  }
0x3b: {  	[tilespmem:s18], [sflag:$0x3] =	stream.linear.gather [hbm4b:s11+s30], $0x1400, $0x38;
	[tilespmem:$0x1E800] =	vst v63  }
0x3c: {  	_ =	swait.ge [sflag:s17], $0x1400  }
0x3d: {  	[sflag:s17] =	ssyncset.done $0x0  }
0x3e: {  	[sflag:s17] =	ssyncadd.s32 $0xFFFFEC00  }
0x3f: {  	[tilespmem:s16], [sflag:$0x1] =	stream.indirect.gather [hbm4b:s4+s19], $0x80, s30, s19, $0xb8;
	[tilespmem:$0x1E800] =	vst v63  }
0x40: {  	s31 =	simm.s32 $0x80  }
0x41: {  	[tilespmem:s20], [sflag:$0x2] =	stream.indirect.gather [hbm4b:s4+s19], $0x80, s31, s19, $0xb8;
	[tilespmem:$0x1E800] =	vst v63  }
0x42: {  	_ =	swait.ge [sflag:s21], $0x4000  }
0x43: {  	[sflag:s21] =	ssyncset.done $0x0  }
0x44: {  	s29 =	simm.s32 $0x1400;
	[sflag:s21] =	ssyncadd.s32 $0xFFFFC000  }
0x45: {  	[spmem:s2] =	stream.indirect.scatter.add.f32 [tilespmem:s16], [sflag:$0x3], $0x80, s29, s19, $0xb8;
	[tilespmem:$0x1E800] =	vst v63  }
0x46: {  	_ =	swait.ge [sflag:s17], $0x4000  }
0x47: {  	[sflag:s17] =	ssyncset.done $0x0  }
0x48: {  	s30 =	simm.s32 $0x100;
	[sflag:s17] =	ssyncadd.s32 $0xFFFFC000  }
0x49: {  	[tilespmem:s16], [sflag:$0x1] =	stream.indirect.gather [hbm4b:s4+s19], $0x80, s30, s19, $0xb8;
	[tilespmem:$0x1E800] =	vst v63  }
0x4a: {  	_ =	swait.ge [sflag:s22], $0x4000  }
0x4b: {  	[sflag:s22] =	ssyncset.done $0x0  }
0x4c: {  	s31 =	simm.s32 $0x1480;
	[sflag:s22] =	ssyncadd.s32 $0xFFFFC000  }
0x4d: {  	[spmem:s2] =	stream.indirect.scatter.add.f32 [tilespmem:s20], [sflag:$0x3], $0x80, s31, s19, $0xb8;
	[tilespmem:$0x1E800] =	vst v63  }
0x4e: {  	_ =	swait.ge [sflag:s17], $0x4000  }
0x4f: {  	s28 =	simm.s32 $0x800;
	s26 =	simm.s32 $0x100;
	[sflag:s17] =	ssyncset.done $0x0  }
.LBB2_4:
0x50: {  	s29 =	sadd.s32 $0x80, s26  }
0x51: {  	[sflag:s17] =	ssyncadd.s32 $0xFFFFC000;
	s30 =	smov.u32 s28;
	s31 =	sadd.s32 $0x400, s28  }
0x52: {  	[tilespmem:s20], [sflag:$0x2] =	stream.indirect.gather [hbm4b:s4+s19], $0x80, s29, s19, $0xb8;
	[tilespmem:$0x1E800] =	vst v63  }
0x53: {  	p0 =	sne.s32 s28, $0x4800;
	_ =	swait.ge [sflag:s21], $0x4000  }
0x54: {  	[sflag:s21] =	ssyncset.done $0x0  }
0x55: {  	s28 =	sadd.s32 $0x1400, s26;
	[sflag:s21] =	ssyncadd.s32 $0xFFFFC000  }
0x56: {  	[spmem:s2] =	stream.indirect.scatter.add.f32 [tilespmem:s16], [sflag:$0x3], $0x80, s28, s19, $0xb8;
	[tilespmem:$0x1E800] =	vst v63  }
0x57: {  	_ =	swait.ge [sflag:s17], $0x4000  }
0x58: {  	[sflag:s17] =	ssyncset.done $0x0  }
0x59: {  	s28 =	sadd.s32 $0x100, s26;
	[sflag:s17] =	ssyncadd.s32 $0xFFFFC000  }
0x5a: {  	[tilespmem:s16], [sflag:$0x1] =	stream.indirect.gather [hbm4b:s4+s19], $0x80, s28, s19, $0xb8;
	[tilespmem:$0x1E800] =	vst v63  }
0x5b: {  	_ =	swait.ge [sflag:s22], $0x4000  }
.Ltmp1:
0x5c: {  	[sflag:s22] =	ssyncset.done $0x0;
	(pc) =	sbr.rel @p0 .LBB2_4-.Ltmp1, $4  }
0x5d: {  	s26 =	sadd.s32 $0x1480, s26;
	[sflag:s22] =	ssyncadd.s32 $0xFFFFC000  }
0x5e: {  	[spmem:s2] =	stream.indirect.scatter.add.f32 [tilespmem:s20], [sflag:$0x3], $0x80, s26, s19, $0xb8;
	[tilespmem:$0x1E800] =	vst v63  }
0x5f: {  	_ =	swait.ge [sflag:s17], $0x4000  }
0x60: {  	s28 =	smov.u32 s31;
	s26 =	sshra.s32 s30, $0x2;
	[sflag:s17] =	ssyncset.done $0x0  }
0x61: {  	s28 =	sadd.s32 $0x80, s26;
	[sflag:s17] =	ssyncadd.s32 $0xFFFFC000  }
0x62: {  	[tilespmem:s20], [sflag:$0x2] =	stream.indirect.gather [hbm4b:s4+s19], $0x80, s28, s19, $0xb8;
	[tilespmem:$0x1E800] =	vst v63  }
0x63: {  	_ =	swait.ge [sflag:s21], $0x4000  }
0x64: {  	[sflag:s21] =	ssyncset.done $0x0  }
0x65: {  	s28 =	sadd.s32 $0x1400, s26;
	[sflag:s21] =	ssyncadd.s32 $0xFFFFC000  }
0x66: {  	[spmem:s2] =	stream.indirect.scatter.add.f32 [tilespmem:s16], [sflag:$0x3], $0x80, s28, s19, $0xb8;
	[tilespmem:$0x1E800] =	vst v63  }
0x67: {  	_ =	swait.ge [sflag:s17], $0x4000  }
0x68: {  	[sflag:s17] =	ssyncset.done $0x0  }
0x69: {  	s28 =	sadd.s32 $0x100, s26;
	[sflag:s17] =	ssyncadd.s32 $0xFFFFC000  }
0x6a: {  	[tilespmem:s16], [sflag:$0x1] =	stream.indirect.gather [hbm4b:s4+s19], $0x80, s28, s19, $0xb8;
	[tilespmem:$0x1E800] =	vst v63  }
0x6b: {  	_ =	swait.ge [sflag:s22], $0x4000  }
0x6c: {  	[sflag:s22] =	ssyncset.done $0x0  }
0x6d: {  	s29 =	sadd.s32 $0x1480, s26;
	[sflag:s22] =	ssyncadd.s32 $0xFFFFC000  }
0x6e: {  	[spmem:s2] =	stream.indirect.scatter.add.f32 [tilespmem:s20], [sflag:$0x3], $0x80, s29, s19, $0xb8;
	[tilespmem:$0x1E800] =	vst v63  }
0x6f: {  	_ =	swait.ge [sflag:s17], $0x4000  }
0x70: {  	[sflag:s17] =	ssyncset.done $0x0  }
0x71: {  	[sflag:s17] =	ssyncadd.s32 $0xFFFFC000  }
0x72: {  	[tilespmem:s20], [sflag:$0x2] =	stream.indirect.gather [hbm4b:s4+s19], $0x80, s23, s19, $0xb8;
	[tilespmem:$0x1E800] =	vst v63  }
0x73: {  	_ =	swait.ge [sflag:s21], $0x4000  }
0x74: {  	[sflag:s21] =	ssyncset.done $0x0  }
0x75: {  	[sflag:s21] =	ssyncadd.s32 $0xFFFFC000  }
0x76: {  	[spmem:s2] =	stream.indirect.scatter.add.f32 [tilespmem:s16], [sflag:$0x3], $0x80, s24, s19, $0xb8;
	[tilespmem:$0x1E800] =	vst v63  }
0x77: {  	_ =	swait.ge [sflag:s17], $0x4000  }
0x78: {  	[sflag:s17] =	ssyncset.done $0x0  }
0x79: {  	[sflag:s17] =	ssyncadd.s32 $0xFFFFC000  }
0x7a: {  	_ =	swait.ge [sflag:s22], $0x4000  }
0x7b: {  	[sflag:s22] =	ssyncset.done $0x0  }
0x7c: {  	[sflag:s22] =	ssyncadd.s32 $0xFFFFC000  }
0x7d: {  	[spmem:s2] =	stream.indirect.scatter.add.f32 [tilespmem:s20], [sflag:$0x3], $0x80, s25, s19, $0xb8;
	[tilespmem:$0x1E800] =	vst v63  }
0x7e: {  	_ =	swait.ge [sflag:s17], $0x4000  }
0x7f: {  	[sflag:s17] =	ssyncset.done $0x0  }
0x80: {  	s30 =	simm.s32 $0x0;
	[sflag:s17] =	ssyncadd.s32 $0xFFFFC000  }
0x81: {  	[tilespmem:s30], [sflag:$0x3] =	stream.linear.gather [hbm4b:s12+s30], $0x1400, $0x38;
	[tilespmem:$0x1E800] =	vst v63  }
0x82: {  	_ =	swait.ge [sflag:s17], $0x1400  }
0x83: {  	[sflag:s17] =	ssyncset.done $0x0  }
0x84: {  	[sflag:s17] =	ssyncadd.s32 $0xFFFFEC00  }
0x85: {  	[tilespmem:s18], [sflag:$0x3] =	stream.linear.gather [hbm4b:s13+s30], $0x1400, $0x38;
	[tilespmem:$0x1E800] =	vst v63  }
0x86: {  	_ =	swait.ge [sflag:s17], $0x1400  }
0x87: {  	[sflag:s17] =	ssyncset.done $0x0  }
0x88: {  	[sflag:s17] =	ssyncadd.s32 $0xFFFFEC00  }
0x89: {  	[tilespmem:s16], [sflag:$0x1] =	stream.indirect.gather [hbm4b:s4+s19], $0x80, s30, s19, $0xb8;
	[tilespmem:$0x1E800] =	vst v63  }
0x8a: {  	s31 =	simm.s32 $0x80  }
0x8b: {  	[tilespmem:s20], [sflag:$0x2] =	stream.indirect.gather [hbm4b:s4+s19], $0x80, s31, s19, $0xb8;
	[tilespmem:$0x1E800] =	vst v63  }
0x8c: {  	_ =	swait.ge [sflag:s21], $0x4000  }
0x8d: {  	[sflag:s21] =	ssyncset.done $0x0  }
0x8e: {  	s29 =	simm.s32 $0x1400;
	[sflag:s21] =	ssyncadd.s32 $0xFFFFC000  }
0x8f: {  	[spmem:s2] =	stream.indirect.scatter.add.f32 [tilespmem:s16], [sflag:$0x3], $0x80, s29, s19, $0xb8;
	[tilespmem:$0x1E800] =	vst v63  }
0x90: {  	_ =	swait.ge [sflag:s17], $0x4000  }
0x91: {  	[sflag:s17] =	ssyncset.done $0x0  }
0x92: {  	s30 =	simm.s32 $0x100;
	[sflag:s17] =	ssyncadd.s32 $0xFFFFC000  }
0x93: {  	[tilespmem:s16], [sflag:$0x1] =	stream.indirect.gather [hbm4b:s4+s19], $0x80, s30, s19, $0xb8;
	[tilespmem:$0x1E800] =	vst v63  }
0x94: {  	_ =	swait.ge [sflag:s22], $0x4000  }
0x95: {  	[sflag:s22] =	ssyncset.done $0x0  }
0x96: {  	s31 =	simm.s32 $0x1480;
	[sflag:s22] =	ssyncadd.s32 $0xFFFFC000  }
0x97: {  	[spmem:s2] =	stream.indirect.scatter.add.f32 [tilespmem:s20], [sflag:$0x3], $0x80, s31, s19, $0xb8;
	[tilespmem:$0x1E800] =	vst v63  }
0x98: {  	_ =	swait.ge [sflag:s17], $0x4000  }
0x99: {  	s26 =	simm.s32 $0x100;
	s28 =	simm.s32 $0x800;
	[sflag:s17] =	ssyncset.done $0x0  }
.LBB2_6:
0x9a: {  	s29 =	sadd.s32 $0x80, s26  }
0x9b: {  	[sflag:s17] =	ssyncadd.s32 $0xFFFFC000;
	s30 =	smov.u32 s28;
	s31 =	sadd.s32 $0x400, s28  }
0x9c: {  	[tilespmem:s20], [sflag:$0x2] =	stream.indirect.gather [hbm4b:s4+s19], $0x80, s29, s19, $0xb8;
	[tilespmem:$0x1E800] =	vst v63  }
0x9d: {  	p0 =	sne.s32 s28, $0x4800;
	_ =	swait.ge [sflag:s21], $0x4000  }
0x9e: {  	[sflag:s21] =	ssyncset.done $0x0  }
0x9f: {  	s28 =	sadd.s32 $0x1400, s26;
	[sflag:s21] =	ssyncadd.s32 $0xFFFFC000  }
0xa0: {  	[spmem:s2] =	stream.indirect.scatter.add.f32 [tilespmem:s16], [sflag:$0x3], $0x80, s28, s19, $0xb8;
	[tilespmem:$0x1E800] =	vst v63  }
0xa1: {  	_ =	swait.ge [sflag:s17], $0x4000  }
0xa2: {  	[sflag:s17] =	ssyncset.done $0x0  }
0xa3: {  	s28 =	sadd.s32 $0x100, s26;
	[sflag:s17] =	ssyncadd.s32 $0xFFFFC000  }
0xa4: {  	[tilespmem:s16], [sflag:$0x1] =	stream.indirect.gather [hbm4b:s4+s19], $0x80, s28, s19, $0xb8;
	[tilespmem:$0x1E800] =	vst v63  }
0xa5: {  	_ =	swait.ge [sflag:s22], $0x4000  }
.Ltmp2:
0xa6: {  	[sflag:s22] =	ssyncset.done $0x0;
	(pc) =	sbr.rel @p0 .LBB2_6-.Ltmp2, $4  }
0xa7: {  	s26 =	sadd.s32 $0x1480, s26;
	[sflag:s22] =	ssyncadd.s32 $0xFFFFC000  }
0xa8: {  	[spmem:s2] =	stream.indirect.scatter.add.f32 [tilespmem:s20], [sflag:$0x3], $0x80, s26, s19, $0xb8;
	[tilespmem:$0x1E800] =	vst v63  }
0xa9: {  	_ =	swait.ge [sflag:s17], $0x4000  }
0xaa: {  	s28 =	smov.u32 s31;
	s26 =	sshra.s32 s30, $0x2;
	[sflag:s17] =	ssyncset.done $0x0  }
0xab: {  	s28 =	sadd.s32 $0x80, s26;
	[sflag:s17] =	ssyncadd.s32 $0xFFFFC000  }
0xac: {  	[tilespmem:s20], [sflag:$0x2] =	stream.indirect.gather [hbm4b:s4+s19], $0x80, s28, s19, $0xb8;
	[tilespmem:$0x1E800] =	vst v63  }
0xad: {  	_ =	swait.ge [sflag:s21], $0x4000  }
0xae: {  	[sflag:s21] =	ssyncset.done $0x0  }
0xaf: {  	s30 =	sadd.s32 $0x1400, s26;
	[sflag:s21] =	ssyncadd.s32 $0xFFFFC000  }
0xb0: {  	[spmem:s2] =	stream.indirect.scatter.add.f32 [tilespmem:s16], [sflag:$0x3], $0x80, s30, s19, $0xb8;
	[tilespmem:$0x1E800] =	vst v63  }
0xb1: {  	_ =	swait.ge [sflag:s17], $0x4000  }
0xb2: {  	[sflag:s17] =	ssyncset.done $0x0  }
0xb3: {  	s31 =	sadd.s32 $0x100, s26;
	[sflag:s17] =	ssyncadd.s32 $0xFFFFC000  }
0xb4: {  	[tilespmem:s16], [sflag:$0x1] =	stream.indirect.gather [hbm4b:s4+s19], $0x80, s31, s19, $0xb8;
	[tilespmem:$0x1E800] =	vst v63  }
0xb5: {  	_ =	swait.ge [sflag:s22], $0x4000  }
0xb6: {  	[sflag:s22] =	ssyncset.done $0x0  }
0xb7: {  	s29 =	sadd.s32 $0x1480, s26;
	[sflag:s22] =	ssyncadd.s32 $0xFFFFC000  }
0xb8: {  	[spmem:s2] =	stream.indirect.scatter.add.f32 [tilespmem:s20], [sflag:$0x3], $0x80, s29, s19, $0xb8;
	[tilespmem:$0x1E800] =	vst v63  }
0xb9: {  	_ =	swait.ge [sflag:s17], $0x4000  }
0xba: {  	[sflag:s17] =	ssyncset.done $0x0  }
0xbb: {  	[sflag:s17] =	ssyncadd.s32 $0xFFFFC000  }
0xbc: {  	[tilespmem:s20], [sflag:$0x2] =	stream.indirect.gather [hbm4b:s4+s19], $0x80, s23, s19, $0xb8;
	[tilespmem:$0x1E800] =	vst v63  }
0xbd: {  	_ =	swait.ge [sflag:s21], $0x4000  }
0xbe: {  	[sflag:s21] =	ssyncset.done $0x0  }
0xbf: {  	[sflag:s21] =	ssyncadd.s32 $0xFFFFC000  }
0xc0: {  	[spmem:s2] =	stream.indirect.scatter.add.f32 [tilespmem:s16], [sflag:$0x3], $0x80, s24, s19, $0xb8;
	[tilespmem:$0x1E800] =	vst v63  }
0xc1: {  	_ =	swait.ge [sflag:s17], $0x4000  }
0xc2: {  	[sflag:s17] =	ssyncset.done $0x0  }
0xc3: {  	[sflag:s17] =	ssyncadd.s32 $0xFFFFC000  }
0xc4: {  	_ =	swait.ge [sflag:s22], $0x4000  }
0xc5: {  	[sflag:s22] =	ssyncset.done $0x0  }
0xc6: {  	[sflag:s22] =	ssyncadd.s32 $0xFFFFC000  }
0xc7: {  	[spmem:s2] =	stream.indirect.scatter.add.f32 [tilespmem:s20], [sflag:$0x3], $0x80, s25, s19, $0xb8;
	[tilespmem:$0x1E800] =	vst v63  }
0xc8: {  	_ =	swait.ge [sflag:s17], $0x4000  }
0xc9: {  	s3 =	sadd.s32 $0x1, s3;
	s30 =	sshll.u32 s0, $0x6;
	[sflag:s17] =	ssyncset.done $0x0  }
0xca: {  	p0 =	sne.s32 s3, s15;
	s26 =	sor.u32 $0x1C03, s30;
	[sflag:s17] =	ssyncadd.s32 $0xFFFFC000  }
.Ltmp3:
0xcb: {  	s31 =	sshrl.u32 s5, $0x3;
	[bflag:$0x0] =	sbarrier.arrive $0xFFFF;
	(pc) =	sbr.rel @p0 .LBB2_1-.Ltmp3, $4  }
0xcc: {  	[hbm:s14], [sflag:s26] =	dma.local [spmem:s31], $0x2800  }
0xcd: {  	_ =	swait.ge [sflag:s17], $0x2800  }
0xce: {  	[sflag:s17] =	ssyncset.done $0x0  }
0xcf: {  	[sflag:s17] =	ssyncadd.s32 $0xFFFFD800  }
0xd0: {  	_ =	sfence.sel $0x180000  }
0xd1: {  	[bflag:$0x0] =	sbarrier.arrive $0xFFFF  }
0xd2: {  	p0 =	sne.s32 s0, $0x0;
	_ =	strace $0x9000004A  }
0xd3: {  	s0 =	sadd.s32 @!p0 $0x100000, s1;
	[bflag:$0x2] =	sbarrier.arrive $0xFFFF  }
0xd4: {  	[sflag:s0] =	ssyncadd.tile.s32 @!p0 $0x1;
	_ =	shalt  }
.Lfunc_end2:
_tile_overlayer_lowered:
.L_overlay_start_2:
0xd5: {  	(tag) =	ssettag $0x2  }
0xd6: {  	s0 =	rddreg [dreg:$0x0];
	s2 =	stileid.u32  }
0xd7: {  	s1 =	rddreg [dreg:$0x1];
	p0 =	sne.s32 s2, $0x0  }
0xd8: {  	s3 =	rddreg [dreg:$0x2];
	[bflag:$0x3] =	sbarrier.arrive $0xFFFF;
	s2 =	simm.s32 @!p0 $0x1C03  }
0xd9: {  	[timem:s3], [sflag:s2] =	dma.local @!p0 [hbm:s0], s1  }
0xda: {  	s0 =	simm.s32 @!p0 $0x3  }
0xdb: {  	_ =	swait.ge @!p0 [sflag:s0], s1  }
0xdc: {  	s1 =	ssub.s32 @!p0 $0x0, s1;
	[sflag:s0] =	ssyncset.done @!p0 $0x0  }
0xdd: {  	[sflag:s0] =	ssyncadd.s32 @!p0 s1  }
0xde: {  	[bflag:$0x3] =	sbarrier.arrive $0xFFFF  }
0xdf: {  	_ =	shalt  }

// kernel: kernel.14.cloned.1.call-start
scs
__scs_entry_jumppad:
0x0: {  	(pc) =	sbr.rel $0x88, $3  }
0x1: {  	(tag) =	ssettag $0x0;
	lr =	simm.s32 $0x1  }
0x2: {  	[smem:$0x3F95] =	sst lr;
	_ =	strace $0xD0000000  }
0x3: {  	_ = 	snop  }
0x4: {  	_ = 	snop  }
0x5: {  	_ = 	snop  }
0x6: {  	_ = 	snop  }
0x7: {  	_ = 	snop  }
__scs_overlays_trampoline_lowered:
0x8: {  	[smem:$0x3FA4] =	sst s0  }
0x9: {  	[smem:$0x3FA5] =	sst s1  }
0xa: {  	[smem:$0x3FA6] =	sst s2  }
0xb: {  	[smem:$0x3FA7] =	sst s3  }
0xc: {  	[smem:$0x3FA8] =	sst s4  }
0xd: {  	[smem:$0x3FA9] =	sst s5  }
0xe: {  	[smem:$0x3FAA] =	sst s6  }
0xf: {  	[smem:$0x3FAB] =	sst s7  }
0x10: {  	[smem:$0x3FAC] =	sst s8  }
0x11: {  	[smem:$0x3FAD] =	sst s9;
	s0 =	simm.s32 @!p0 $0x0  }
0x12: {  	s1 =	sld [smem:$0x3F93];
	s0 =	simm.s32 @p0 $0x1  }
0x13: {  	[smem:$0x3FAE] =	sst s0;
	s0 =	simm.s32 @!p1 $0x0  }
0x14: {  	s2 =	sld [smem:$0x3F92];
	s0 =	simm.s32 @p1 $0x1  }
0x15: {  	[smem:$0x3FAF] =	sst s0;
	s0 =	simm.s32 @!p2 $0x0  }
0x16: {  	s3 =	sld [smem:$0x3FDB];
	s0 =	simm.s32 @p2 $0x1  }
0x17: {  	s4 =	simm.s32 $0x1BF5;
	[smem:$0x3FB1] =	sst s0  }
0x18: {  	s0 =	sld [smem:$0x3F94];
	_ =	swait.ge [sflag:s4], $0x0  }
0x19: {  	s7 =	sld [smem:$0x3F95]  }
0x1a: {  	s8 =	sadd.s32 $0xFFFFE003, lr  }
0x1b: {  	s9 =	sadd.s32 $0xFFFFFEF7, lr;
	s5 =	simm.s32 $0xFFFFFFFF;
	p2 =	slt.u32 s8, $0xFFFFF086  }
0x1c: {  	p1 =	slt.u32 s9, $0xF7A;
	s5 =	simm.s32 @!p2 $0x0  }
0x1d: {  	s5 =	simm.s32 @p1 $0x1;
	p0 =	seq.s32 s7, s2  }
0x1e: {  	s7 =	smul.u32 @!p0 $0xF7A, s2;
	p2 =	seq.s32 @!p0 s5, $0x0  }
0x1f: {  	s9 =	smul.u32 $0xF7A, s1;
	s8 =	simm.s32 @!p0 $0x1BF5;
	p2 =	por !p2, p0  }
0x20: {  	[sflag:s8] =	ssyncset.s32 @!p0 $0xFFFFF086;
	s6 =	sadd.s32 @!p0 s3, s7;
	s7 =	simm.s32 @!p0 $0x108  }
0x21: {  	s3 =	sadd.s32 s3, s9;
	s6 =	sadd.s32 @!p0 $0x88, s6;
	s7 =	simm.s32 @p2 $0x1082  }
0x22: {  	[simem:s7], [sflag:s8] =	dma.local @!p0 [hbm:s6], $0xF7A  }
0x23: {  	s9 =	sor.u32 $0xD0000000, s2;
	s6 =	simm.s32 $0x108;
	_ =	swait.ge @!p0 [sflag:s8], $0x0  }
0x24: {  	s3 =	sadd.s32 $0x88, s3;
	s6 =	simm.s32 @!p1 $0x1082;
	[sflag:s4] =	ssyncset.s32 $0xFFFFF086  }
0x25: {  	[simem:s6], [sflag:s4] =	dma.local [hbm:s3], $0xF7A  }
0x26: {  	[smem:$0x3F95] =	sst s1;
	(tag) =	ssettag s2;
	_ =	strace s9  }
0x27: {  	s1 =	sld [smem:$0x3FA5]  }
0x28: {  	s2 =	sld [smem:$0x3FA6]  }
0x29: {  	s4 =	sld [smem:$0x3FA8]  }
0x2a: {  	p0 =	seq.s32 s5, $0x0;
	s5 =	sld [smem:$0x3FA9]  }
0x2b: {  	s6 =	sld [smem:$0x3FAA]  }
0x2c: {  	s7 =	sld [smem:$0x3FAB]  }
0x2d: {  	s3 =	simm.s32 $0x108;
	s8 =	sld [smem:$0x3FAC]  }
0x2e: {  	s3 =	simm.s32 @!p0 $0x1082;
	s9 =	sld [smem:$0x3FAD]  }
0x2f: {  	lr =	sadd.s32 s0, s3;
	s0 =	sld [smem:$0x3FA4]  }
0x30: {  	s3 =	sld [smem:$0x3FA7]  }
0x31: {  	[smem:$0x3FB0] =	sst s10  }
0x32: {  	s10 =	sld [smem:$0x3FAE];
	_ =	sdelay $0x3  }
0x33: {  	p0 =	seq.s32 s10, $0x1;
	s10 =	sld [smem:$0x3FB0];
	_ =	sdelay $0x3  }
0x34: {  	[smem:$0x3FB0] =	sst s10  }
0x35: {  	s10 =	sld [smem:$0x3FAF];
	_ =	sdelay $0x3  }
0x36: {  	p1 =	seq.s32 s10, $0x1;
	s10 =	sld [smem:$0x3FB0];
	_ =	sdelay $0x3  }
0x37: {  	[smem:$0x3FB0] =	sst s10  }
0x38: {  	s10 =	sld [smem:$0x3FB1]  }
0x39: {  	_ = 	snop;
	(pc) =	sbr.ind lr, $3  }
0x3a: {  	_ = 	snop  }
0x3b: {  	_ = 	snop  }
0x3c: {  	p2 =	seq.s32 s10, $0x1;
	s10 =	sld [smem:$0x3FB0]  }
0x3d: {  	_ =	shalt  }
0x3e: {  	_ =	shalt  }
0x3f: {  	_ =	shalt  }
0x40: {  	_ =	shalt  }
0x41: {  	_ =	shalt  }
0x42: {  	_ =	shalt  }
0x43: {  	_ =	shalt  }
0x44: {  	_ =	shalt  }
0x45: {  	_ =	shalt  }
0x46: {  	_ =	shalt  }
0x47: {  	_ =	shalt  }
0x48: {  	_ =	shalt  }
0x49: {  	_ =	shalt  }
0x4a: {  	_ =	shalt  }
0x4b: {  	_ =	shalt  }
0x4c: {  	_ =	shalt  }
0x4d: {  	_ =	shalt  }
0x4e: {  	_ =	shalt  }
0x4f: {  	_ =	shalt  }
0x50: {  	_ =	shalt  }
0x51: {  	_ =	shalt  }
0x52: {  	_ =	shalt  }
0x53: {  	_ =	shalt  }
0x54: {  	_ =	shalt  }
0x55: {  	_ =	shalt  }
0x56: {  	_ =	shalt  }
0x57: {  	_ =	shalt  }
0x58: {  	_ =	shalt  }
0x59: {  	_ =	shalt  }
0x5a: {  	_ =	shalt  }
0x5b: {  	_ =	shalt  }
0x5c: {  	_ =	shalt  }
0x5d: {  	_ =	shalt  }
0x5e: {  	_ =	shalt  }
0x5f: {  	_ =	shalt  }
0x60: {  	_ =	shalt  }
0x61: {  	_ =	shalt  }
0x62: {  	_ =	shalt  }
0x63: {  	_ =	shalt  }
0x64: {  	_ =	shalt  }
0x65: {  	_ =	shalt  }
0x66: {  	_ =	shalt  }
0x67: {  	_ =	shalt  }
0x68: {  	_ =	shalt  }
0x69: {  	_ =	shalt  }
0x6a: {  	_ =	shalt  }
0x6b: {  	_ =	shalt  }
0x6c: {  	_ =	shalt  }
0x6d: {  	_ =	shalt  }
0x6e: {  	_ =	shalt  }
0x6f: {  	_ =	shalt  }
0x70: {  	_ =	shalt  }
0x71: {  	_ =	shalt  }
0x72: {  	_ =	shalt  }
0x73: {  	_ =	shalt  }
0x74: {  	_ =	shalt  }
0x75: {  	_ =	shalt  }
0x76: {  	_ =	shalt  }
0x77: {  	_ =	shalt  }
0x78: {  	_ =	shalt  }
0x79: {  	_ =	shalt  }
0x7a: {  	_ =	shalt  }
0x7b: {  	_ =	shalt  }
0x7c: {  	_ =	shalt  }
0x7d: {  	_ =	shalt  }
0x7e: {  	_ =	shalt  }
0x7f: {  	_ =	shalt  }
0x80: {  	_ =	shalt  }
0x81: {  	_ =	shalt  }
0x82: {  	_ =	shalt  }
0x83: {  	_ =	shalt  }
0x84: {  	_ =	shalt  }
0x85: {  	_ =	shalt  }
0x86: {  	_ =	shalt  }
0x87: {  	_ =	shalt  }
.Lfunc_end0:
.L_simem_size_0:
called_computation.2_lowered:
.L_overlay_start_0:
0x88: {  	s2 =	sld [smem:$0x3FD9]  }
0x89: {  	s3 =	sld [smem:$0x3FFE];
	_ =	sdelay $0x1  }
0x8a: {  	s1 =	srdreg.scid  }
0x8b: {  	s0 =	sand.u32 $0x1, s1  }
0x8c: {  	s16 =	sshll.u32 s0, $0xA;
	s2 =	sadd.s32 s3, s2  }
0x8d: {  	s2 =	sadd.s32 s2, s16  }
0x8e: {  	[smem:$0x3FBC] =	sst s2  }
0x8f: {  	_ = 	snop  }
0x90: {  	(tm) =	ssettm $0x1  }
0x91: {  	s17 =	sld [smem:$0x3FFB];
	_ =	sdelay $0x3  }
0x92: {  	_ =	strace s17  }
0x93: {  	s2 =	sld [smem:$0x3FFC];
	_ =	sdelay $0x3  }
0x94: {  	_ =	strace s2  }
0x95: {  	s2 =	sld [smem:$0x3FFD];
	_ =	sdelay $0x3  }
0x96: {  	_ =	strace s2  }
0x97: {  	_ =	strace $0x8FFFFFFF  }
0x98: {  	s18 =	sld [smem:$0x3FDB];
	_ =	sdelay $0x1  }
0x99: {  	s19 =	simm.s32 $_scs_section_size  }
0x9a: {  	s4 =	simm.s32 $_size__tile_overlayer_lowered;
	s5 =	simm.s32 $_tile_overlayer_lowered  }
0x9b: {  	s22 =	simm.s32 $0x1BFF;
	s21 =	sshll.u32 s5, $0x1;
	s2 =	sadd.s32 s19, s18  }
0x9c: {  	s6 =	simm.s32 $0x0;
	s20 =	sshll.u32 s4, $0x1;
	s4 =	sadd.s32 s21, s2  }
0x9d: {  	[timem:s6], [sflag:s22] =	dma.local [hbm:s4], s20  }
0x9e: {  	_ =	swait.ge [sflag:s22], s20  }
0x9f: {  	s3 =	ssub.s32 $0x0, s20;
	[sflag:s22] =	ssyncset.done $0x0  }
0xa0: {  	[sflag:s22] =	ssyncadd.s32 s3;
	_ =	sdelay $0x1  }
0xa1: {  	s23 =	simm.s32 $0x1B8B  }
0xa2: {  	_ =	swait.ge [sflag:s23], $0x1  }
0xa3: {  	[sflag:s23] =	ssyncset.done $0x0  }
0xa4: {  	s25 =	simm.s32 $0x1B8E;
	s24 =	sld [smem:$0x3FFE];
	[sflag:s23] =	ssyncadd.s32 $0xFFFFFFFF  }
0xa5: {  	s26 =	simm.s32 $execute0_lowered;
	[smem:$0x3FD2] =	sst s25  }
0xa6: {  	s4 =	sshll.u32 s26, $0x1;
	_ =	strace $0x8000004C;
	[dreg:$0x1] =	wrdreg $0xFFFFFFFF  }
0xa7: {  	s28 =	simm.s32 $_size_execute0_lowered;
	s2 =	sadd.s32 s2, s4;
	[dreg:$0x0] =	wrdreg $0x0  }
0xa8: {  	s4 =	sshll.u32 s28, $0x1;
	[dreg:$0x2] =	wrdreg s2  }
0xa9: {  	[dreg:$0x3] =	wrdreg s4  }
0xaa: {  	[dreg:$0x4] =	wrdreg $0xC0  }
0xab: {  	_ =	task [dreg:s6], $0x5FFFF  }
0xac: {  	[dreg:$0x1] =	wrdreg $0xFFFFFFFF  }
0xad: {  	[dreg:$0x0] =	wrdreg $0x60  }
0xae: {  	[dreg:$0x2] =	wrdreg s24  }
0xaf: {  	[dreg:$0x3] =	wrdreg $0xA8000  }
0xb0: {  	[dreg:$0x4] =	wrdreg $0x9  }
0xb1: {  	_ =	task.clear_ibuf [dreg:s6], $0x5FFFF;
	_ =	strace $0x9000004C  }
0xb2: {  	s29 =	simm.s32 $0x9;
	_ =	strace $0x8000004E  }
0xb3: {  	_ =	swait.ge [sflag:s29], $0x1  }
0xb4: {  	[sflag:s29] =	ssyncadd.s32 $0xFFFFFFFF  }
0xb5: {  	_ =	strace $0x9000004E  }
0xb6: {  	_ =	sfence  }
0xb7: {  	s30 =	sld [smem:$0x0];
	_ =	sdelay $0x2  }
0xb8: {  	s31 =	sshll.u32 s1, $0xD;
	s1 =	sshrl.u32 s1, $0x2  }
0xb9: {  	s3 =	sand.u32 $0x4000, s31;
	s1 =	sadd.s32 s1, s30  }
0xba: {  	s0 =	sor.u32 s3, s0;
	s1 =	sshll.u32 s1, $0x11  }
0xbb: {  	s0 =	sor.u32 s1, s0  }
0xbc: {  	s0 =	sadd.s32 $0x8F2B, s0  }
0xbd: {  	[sflag:s0] =	ssyncadd.remote.s32 $0x1  }
0xbe: {  	_ =	sfence.sel $0xFFFF  }
0xbf: {  	[dreg:$0x0] =	wrdreg $0xFFFFFFFF;
	(pc) =	sbr.abs _section_cstart, $3  }
0xc0: {  	[dreg:$0x1] =	wrdreg $0xFFFFFFFF  }
0xc1: {  	_ =	task.clear_ibuf [dreg:s6], $0x2FFFF;
	_ =	strace $0x9FFFFFFF  }
0xc2: {  	(tm) =	ssettm $0x7FFFFFFF  }
0xc3: {  	_ =	shalt  }
tec
execute0_lowered:
.L_overlay_start_1:
0x0: {  	(tag) =	ssettag $0x1  }
0x1: {  	s6 =	rddreg [dreg:$0x0]  }
0x2: {  	s0 =	srdreg.scid;
	s2 =	rddreg [dreg:$0x1];
	s3 =	simm.s32 $0x0  }
0x3: {  	s16 =	simm.s32 $0x2800;
	s17 =	simm.s32 $0x3;
	s18 =	simm.s32 $0x1400  }
0x4: {  	s19 =	simm.s32 $0x80;
	s20 =	simm.s32 $0x6800;
	s21 =	simm.s32 $0x1  }
0x5: {  	s22 =	simm.s32 $0x2;
	s23 =	simm.s32 $0x1380;
	s5 =	sand.u32 $0x1, s0  }
0x6: {  	s24 =	simm.s32 $0x2700;
	s0 =	stileid.u32;
	s7 =	smul.u32 $0x140000, s5  }
0x7: {  	s25 =	simm.s32 $0x2780;
	s1 =	sshll.u32 s5, $0x4;
	s8 =	smul.u32 $0x14000, s0  }
0x8: {  	s10 =	smul.u32 $0x50000, s0;
	s29 =	ssub.s32 $0x2, s5;
	s1 =	sor.u32 s0, s1  }
0x9: {  	[smem:$0x7FF] =	sst s3;
	s31 =	sshrl.u32 s29, $0x1;
	s4 =	smul.u32 $0x2800, s1  }
0xa: {  	s1 =	rddreg [dreg:$0x2];
	_ =	strace $0x8000004D;
	s7 =	sadd.s32 s8, s7  }
0xb: {  	s30 =	sshrl.u32 s10, $0x2;
	s15 =	ssub.s32 s29, s31;
	s7 =	sshrl.u32 s7, $0x3  }
0xc: {  	s5 =	sadd.s32 s30, s2;
	s15 =	smax.u32 s15, $0x1;
	s9 =	sshrl.u32 s4, $0x3  }
0xd: {  	s4 =	sadd.s32 $0x17A00, s6;
	s14 =	sadd.s32 s7, s6;
	s7 =	sadd.s32 $0x8000, s5  }
0xe: {  	s8 =	sadd.s32 $0xC000, s5;
	s13 =	sadd.s32 s9, s6;
	s6 =	sadd.s32 $0x4000, s5  }
0xf: {  	s9 =	sadd.s32 $0x10000, s5;
	s14 =	sadd.s32 $0x3FA00, s14;
	s10 =	sadd.s32 $0x3A00, s13  }
0x10: {  	v0 =	vimm.f32 $0.0e+00;
	s11 =	sadd.s32 $0xDA00, s13;
	s12 =	sadd.s32 $0x3C80, s13;
	s13 =	sadd.s32 $0xDC80, s13  }
.LBB2_1:
0x11: {  	s26 =	simm.s32 $0x0;
	s28 =	simm.s32 $0x200  }
.LBB2_2:
0x12: {  	p0 =	sne.s32 s28, $0xFE00;
	[tilespmem:s26+$0x2870] =	vst v0  }
0x13: {  	[tilespmem:s26+$0x2800] =	vst v0  }
0x14: {  	[tilespmem:s26+$0x2810] =	vst v0  }
.Ltmp0:
0x15: {  	[tilespmem:s26+$0x2820] =	vst v0;
	(pc) =	sbr.rel @p0 .LBB2_2-.Ltmp0, $4  }
0x16: {  	[tilespmem:s26+$0x2830] =	vst v0  }
0x17: {  	[tilespmem:s26+$0x2840] =	vst v0  }
0x18: {  	[tilespmem:s26+$0x2850] =	vst v0  }
0x19: {  	[tilespmem:s26+$0x2860] =	vst v0;
	s26 =	sshra.s32 s28, $0x2;
	s28 =	sadd.s32 $0x200, s28  }
0x1a: {  	[tilespmem:s26+$0x2870] =	vst v0  }
0x1b: {  	[tilespmem:s26+$0x2800] =	vst v0  }
0x1c: {  	[tilespmem:s26+$0x2810] =	vst v0  }
0x1d: {  	[tilespmem:s26+$0x2820] =	vst v0  }
0x1e: {  	[tilespmem:s26+$0x2830] =	vst v0  }
0x1f: {  	[tilespmem:s26+$0x2840] =	vst v0  }
0x20: {  	[tilespmem:s26+$0x2850] =	vst v0  }
0x21: {  	[tilespmem:s26+$0x2860] =	vst v0  }
0x22: {  	[spmem:s5] =	stream.linear.scatter [tilespmem:s16], [sflag:$0x3], $0x4000, $0x38;
	[tilespmem:$0x1E800] =	vst v63  }
0x23: {  	_ =	swait.ge [sflag:s17], $0x4000  }
0x24: {  	[sflag:s17] =	ssyncset.done $0x0  }
0x25: {  	[sflag:s17] =	ssyncadd.s32 $0xFFFFC000  }
0x26: {  	[spmem:s6] =	stream.linear.scatter [tilespmem:s16], [sflag:$0x3], $0x4000, $0x38;
	[tilespmem:$0x1E800] =	vst v63  }
0x27: {  	_ =	swait.ge [sflag:s17], $0x4000  }
0x28: {  	[sflag:s17] =	ssyncset.done $0x0  }
0x29: {  	[sflag:s17] =	ssyncadd.s32 $0xFFFFC000  }
0x2a: {  	[spmem:s7] =	stream.linear.scatter [tilespmem:s16], [sflag:$0x3], $0x4000, $0x38;
	[tilespmem:$0x1E800] =	vst v63  }
0x2b: {  	_ =	swait.ge [sflag:s17], $0x4000  }
0x2c: {  	[sflag:s17] =	ssyncset.done $0x0  }
0x2d: {  	[sflag:s17] =	ssyncadd.s32 $0xFFFFC000  }
0x2e: {  	[spmem:s8] =	stream.linear.scatter [tilespmem:s16], [sflag:$0x3], $0x4000, $0x38;
	[tilespmem:$0x1E800] =	vst v63  }
0x2f: {  	_ =	swait.ge [sflag:s17], $0x4000  }
0x30: {  	[sflag:s17] =	ssyncset.done $0x0  }
0x31: {  	[sflag:s17] =	ssyncadd.s32 $0xFFFFC000  }
0x32: {  	[spmem:s9] =	stream.linear.scatter [tilespmem:s16], [sflag:$0x3], $0x4000, $0x38;
	[tilespmem:$0x1E800] =	vst v63  }
0x33: {  	_ =	swait.ge [sflag:s17], $0x4000  }
0x34: {  	[sflag:s17] =	ssyncset.done $0x0  }
0x35: {  	[sflag:s17] =	ssyncadd.s32 $0xFFFFC000  }
0x36: {  	s30 =	simm.s32 $0x0;
	[bflag:$0x0] =	sbarrier.arrive $0xFFFF  }
0x37: {  	[tilespmem:s30], [sflag:$0x3] =	stream.linear.gather [hbm4b:s10+s30], $0x1400, $0x38;
	[tilespmem:$0x1E800] =	vst v63  }
0x38: {  	_ =	swait.ge [sflag:s17], $0x1400  }
0x39: {  	[sflag:s17] =	ssyncset.done $0x0  }
0x3a: {  	[sflag:s17] =	ssyncadd.s32 $0xFFFFEC00  }
0x3b: {  	[tilespmem:s18], [sflag:$0x3] =	stream.linear.gather [hbm4b:s11+s30], $0x1400, $0x38;
	[tilespmem:$0x1E800] =	vst v63  }
0x3c: {  	_ =	swait.ge [sflag:s17], $0x1400  }
0x3d: {  	[sflag:s17] =	ssyncset.done $0x0  }
0x3e: {  	[sflag:s17] =	ssyncadd.s32 $0xFFFFEC00  }
0x3f: {  	[tilespmem:s16], [sflag:$0x1] =	stream.indirect.gather [hbm4b:s4+s19], $0x80, s30, s19, $0xb8;
	[tilespmem:$0x1E800] =	vst v63  }
0x40: {  	s31 =	simm.s32 $0x80  }
0x41: {  	[tilespmem:s20], [sflag:$0x2] =	stream.indirect.gather [hbm4b:s4+s19], $0x80, s31, s19, $0xb8;
	[tilespmem:$0x1E800] =	vst v63  }
0x42: {  	_ =	swait.ge [sflag:s21], $0x4000  }
0x43: {  	[sflag:s21] =	ssyncset.done $0x0  }
0x44: {  	s29 =	simm.s32 $0x1400;
	[sflag:s21] =	ssyncadd.s32 $0xFFFFC000  }
0x45: {  	[spmem:s2] =	stream.indirect.scatter.add.f32 [tilespmem:s16], [sflag:$0x3], $0x80, s29, s19, $0xb8;
	[tilespmem:$0x1E800] =	vst v63  }
0x46: {  	_ =	swait.ge [sflag:s17], $0x4000  }
0x47: {  	[sflag:s17] =	ssyncset.done $0x0  }
0x48: {  	s30 =	simm.s32 $0x100;
	[sflag:s17] =	ssyncadd.s32 $0xFFFFC000  }
0x49: {  	[tilespmem:s16], [sflag:$0x1] =	stream.indirect.gather [hbm4b:s4+s19], $0x80, s30, s19, $0xb8;
	[tilespmem:$0x1E800] =	vst v63  }
0x4a: {  	_ =	swait.ge [sflag:s22], $0x4000  }
0x4b: {  	[sflag:s22] =	ssyncset.done $0x0  }
0x4c: {  	s31 =	simm.s32 $0x1480;
	[sflag:s22] =	ssyncadd.s32 $0xFFFFC000  }
0x4d: {  	[spmem:s2] =	stream.indirect.scatter.add.f32 [tilespmem:s20], [sflag:$0x3], $0x80, s31, s19, $0xb8;
	[tilespmem:$0x1E800] =	vst v63  }
0x4e: {  	_ =	swait.ge [sflag:s17], $0x4000  }
0x4f: {  	s28 =	simm.s32 $0x800;
	s26 =	simm.s32 $0x100;
	[sflag:s17] =	ssyncset.done $0x0  }
.LBB2_4:
0x50: {  	s29 =	sadd.s32 $0x80, s26  }
0x51: {  	[sflag:s17] =	ssyncadd.s32 $0xFFFFC000;
	s30 =	smov.u32 s28;
	s31 =	sadd.s32 $0x400, s28  }
0x52: {  	[tilespmem:s20], [sflag:$0x2] =	stream.indirect.gather [hbm4b:s4+s19], $0x80, s29, s19, $0xb8;
	[tilespmem:$0x1E800] =	vst v63  }
0x53: {  	p0 =	sne.s32 s28, $0x4800;
	_ =	swait.ge [sflag:s21], $0x4000  }
0x54: {  	[sflag:s21] =	ssyncset.done $0x0  }
0x55: {  	s28 =	sadd.s32 $0x1400, s26;
	[sflag:s21] =	ssyncadd.s32 $0xFFFFC000  }
0x56: {  	[spmem:s2] =	stream.indirect.scatter.add.f32 [tilespmem:s16], [sflag:$0x3], $0x80, s28, s19, $0xb8;
	[tilespmem:$0x1E800] =	vst v63  }
0x57: {  	_ =	swait.ge [sflag:s17], $0x4000  }
0x58: {  	[sflag:s17] =	ssyncset.done $0x0  }
0x59: {  	s28 =	sadd.s32 $0x100, s26;
	[sflag:s17] =	ssyncadd.s32 $0xFFFFC000  }
0x5a: {  	[tilespmem:s16], [sflag:$0x1] =	stream.indirect.gather [hbm4b:s4+s19], $0x80, s28, s19, $0xb8;
	[tilespmem:$0x1E800] =	vst v63  }
0x5b: {  	_ =	swait.ge [sflag:s22], $0x4000  }
.Ltmp1:
0x5c: {  	[sflag:s22] =	ssyncset.done $0x0;
	(pc) =	sbr.rel @p0 .LBB2_4-.Ltmp1, $4  }
0x5d: {  	s26 =	sadd.s32 $0x1480, s26;
	[sflag:s22] =	ssyncadd.s32 $0xFFFFC000  }
0x5e: {  	[spmem:s2] =	stream.indirect.scatter.add.f32 [tilespmem:s20], [sflag:$0x3], $0x80, s26, s19, $0xb8;
	[tilespmem:$0x1E800] =	vst v63  }
0x5f: {  	_ =	swait.ge [sflag:s17], $0x4000  }
0x60: {  	s28 =	smov.u32 s31;
	s26 =	sshra.s32 s30, $0x2;
	[sflag:s17] =	ssyncset.done $0x0  }
0x61: {  	s28 =	sadd.s32 $0x80, s26;
	[sflag:s17] =	ssyncadd.s32 $0xFFFFC000  }
0x62: {  	[tilespmem:s20], [sflag:$0x2] =	stream.indirect.gather [hbm4b:s4+s19], $0x80, s28, s19, $0xb8;
	[tilespmem:$0x1E800] =	vst v63  }
0x63: {  	_ =	swait.ge [sflag:s21], $0x4000  }
0x64: {  	[sflag:s21] =	ssyncset.done $0x0  }
0x65: {  	s28 =	sadd.s32 $0x1400, s26;
	[sflag:s21] =	ssyncadd.s32 $0xFFFFC000  }
0x66: {  	[spmem:s2] =	stream.indirect.scatter.add.f32 [tilespmem:s16], [sflag:$0x3], $0x80, s28, s19, $0xb8;
	[tilespmem:$0x1E800] =	vst v63  }
0x67: {  	_ =	swait.ge [sflag:s17], $0x4000  }
0x68: {  	[sflag:s17] =	ssyncset.done $0x0  }
0x69: {  	s28 =	sadd.s32 $0x100, s26;
	[sflag:s17] =	ssyncadd.s32 $0xFFFFC000  }
0x6a: {  	[tilespmem:s16], [sflag:$0x1] =	stream.indirect.gather [hbm4b:s4+s19], $0x80, s28, s19, $0xb8;
	[tilespmem:$0x1E800] =	vst v63  }
0x6b: {  	_ =	swait.ge [sflag:s22], $0x4000  }
0x6c: {  	[sflag:s22] =	ssyncset.done $0x0  }
0x6d: {  	s29 =	sadd.s32 $0x1480, s26;
	[sflag:s22] =	ssyncadd.s32 $0xFFFFC000  }
0x6e: {  	[spmem:s2] =	stream.indirect.scatter.add.f32 [tilespmem:s20], [sflag:$0x3], $0x80, s29, s19, $0xb8;
	[tilespmem:$0x1E800] =	vst v63  }
0x6f: {  	_ =	swait.ge [sflag:s17], $0x4000  }
0x70: {  	[sflag:s17] =	ssyncset.done $0x0  }
0x71: {  	[sflag:s17] =	ssyncadd.s32 $0xFFFFC000  }
0x72: {  	[tilespmem:s20], [sflag:$0x2] =	stream.indirect.gather [hbm4b:s4+s19], $0x80, s23, s19, $0xb8;
	[tilespmem:$0x1E800] =	vst v63  }
0x73: {  	_ =	swait.ge [sflag:s21], $0x4000  }
0x74: {  	[sflag:s21] =	ssyncset.done $0x0  }
0x75: {  	[sflag:s21] =	ssyncadd.s32 $0xFFFFC000  }
0x76: {  	[spmem:s2] =	stream.indirect.scatter.add.f32 [tilespmem:s16], [sflag:$0x3], $0x80, s24, s19, $0xb8;
	[tilespmem:$0x1E800] =	vst v63  }
0x77: {  	_ =	swait.ge [sflag:s17], $0x4000  }
0x78: {  	[sflag:s17] =	ssyncset.done $0x0  }
0x79: {  	[sflag:s17] =	ssyncadd.s32 $0xFFFFC000  }
0x7a: {  	_ =	swait.ge [sflag:s22], $0x4000  }
0x7b: {  	[sflag:s22] =	ssyncset.done $0x0  }
0x7c: {  	[sflag:s22] =	ssyncadd.s32 $0xFFFFC000  }
0x7d: {  	[spmem:s2] =	stream.indirect.scatter.add.f32 [tilespmem:s20], [sflag:$0x3], $0x80, s25, s19, $0xb8;
	[tilespmem:$0x1E800] =	vst v63  }
0x7e: {  	_ =	swait.ge [sflag:s17], $0x4000  }
0x7f: {  	[sflag:s17] =	ssyncset.done $0x0  }
0x80: {  	s30 =	simm.s32 $0x0;
	[sflag:s17] =	ssyncadd.s32 $0xFFFFC000  }
0x81: {  	[tilespmem:s30], [sflag:$0x3] =	stream.linear.gather [hbm4b:s12+s30], $0x1400, $0x38;
	[tilespmem:$0x1E800] =	vst v63  }
0x82: {  	_ =	swait.ge [sflag:s17], $0x1400  }
0x83: {  	[sflag:s17] =	ssyncset.done $0x0  }
0x84: {  	[sflag:s17] =	ssyncadd.s32 $0xFFFFEC00  }
0x85: {  	[tilespmem:s18], [sflag:$0x3] =	stream.linear.gather [hbm4b:s13+s30], $0x1400, $0x38;
	[tilespmem:$0x1E800] =	vst v63  }
0x86: {  	_ =	swait.ge [sflag:s17], $0x1400  }
0x87: {  	[sflag:s17] =	ssyncset.done $0x0  }
0x88: {  	[sflag:s17] =	ssyncadd.s32 $0xFFFFEC00  }
0x89: {  	[tilespmem:s16], [sflag:$0x1] =	stream.indirect.gather [hbm4b:s4+s19], $0x80, s30, s19, $0xb8;
	[tilespmem:$0x1E800] =	vst v63  }
0x8a: {  	s31 =	simm.s32 $0x80  }
0x8b: {  	[tilespmem:s20], [sflag:$0x2] =	stream.indirect.gather [hbm4b:s4+s19], $0x80, s31, s19, $0xb8;
	[tilespmem:$0x1E800] =	vst v63  }
0x8c: {  	_ =	swait.ge [sflag:s21], $0x4000  }
0x8d: {  	[sflag:s21] =	ssyncset.done $0x0  }
0x8e: {  	s29 =	simm.s32 $0x1400;
	[sflag:s21] =	ssyncadd.s32 $0xFFFFC000  }
0x8f: {  	[spmem:s2] =	stream.indirect.scatter.add.f32 [tilespmem:s16], [sflag:$0x3], $0x80, s29, s19, $0xb8;
	[tilespmem:$0x1E800] =	vst v63  }
0x90: {  	_ =	swait.ge [sflag:s17], $0x4000  }
0x91: {  	[sflag:s17] =	ssyncset.done $0x0  }
0x92: {  	s30 =	simm.s32 $0x100;
	[sflag:s17] =	ssyncadd.s32 $0xFFFFC000  }
0x93: {  	[tilespmem:s16], [sflag:$0x1] =	stream.indirect.gather [hbm4b:s4+s19], $0x80, s30, s19, $0xb8;
	[tilespmem:$0x1E800] =	vst v63  }
0x94: {  	_ =	swait.ge [sflag:s22], $0x4000  }
0x95: {  	[sflag:s22] =	ssyncset.done $0x0  }
0x96: {  	s31 =	simm.s32 $0x1480;
	[sflag:s22] =	ssyncadd.s32 $0xFFFFC000  }
0x97: {  	[spmem:s2] =	stream.indirect.scatter.add.f32 [tilespmem:s20], [sflag:$0x3], $0x80, s31, s19, $0xb8;
	[tilespmem:$0x1E800] =	vst v63  }
0x98: {  	_ =	swait.ge [sflag:s17], $0x4000  }
0x99: {  	s26 =	simm.s32 $0x100;
	s28 =	simm.s32 $0x800;
	[sflag:s17] =	ssyncset.done $0x0  }
.LBB2_6:
0x9a: {  	s29 =	sadd.s32 $0x80, s26  }
0x9b: {  	[sflag:s17] =	ssyncadd.s32 $0xFFFFC000;
	s30 =	smov.u32 s28;
	s31 =	sadd.s32 $0x400, s28  }
0x9c: {  	[tilespmem:s20], [sflag:$0x2] =	stream.indirect.gather [hbm4b:s4+s19], $0x80, s29, s19, $0xb8;
	[tilespmem:$0x1E800] =	vst v63  }
0x9d: {  	p0 =	sne.s32 s28, $0x4800;
	_ =	swait.ge [sflag:s21], $0x4000  }
0x9e: {  	[sflag:s21] =	ssyncset.done $0x0  }
0x9f: {  	s28 =	sadd.s32 $0x1400, s26;
	[sflag:s21] =	ssyncadd.s32 $0xFFFFC000  }
0xa0: {  	[spmem:s2] =	stream.indirect.scatter.add.f32 [tilespmem:s16], [sflag:$0x3], $0x80, s28, s19, $0xb8;
	[tilespmem:$0x1E800] =	vst v63  }
0xa1: {  	_ =	swait.ge [sflag:s17], $0x4000  }
0xa2: {  	[sflag:s17] =	ssyncset.done $0x0  }
0xa3: {  	s28 =	sadd.s32 $0x100, s26;
	[sflag:s17] =	ssyncadd.s32 $0xFFFFC000  }
0xa4: {  	[tilespmem:s16], [sflag:$0x1] =	stream.indirect.gather [hbm4b:s4+s19], $0x80, s28, s19, $0xb8;
	[tilespmem:$0x1E800] =	vst v63  }
0xa5: {  	_ =	swait.ge [sflag:s22], $0x4000  }
.Ltmp2:
0xa6: {  	[sflag:s22] =	ssyncset.done $0x0;
	(pc) =	sbr.rel @p0 .LBB2_6-.Ltmp2, $4  }
0xa7: {  	s26 =	sadd.s32 $0x1480, s26;
	[sflag:s22] =	ssyncadd.s32 $0xFFFFC000  }
0xa8: {  	[spmem:s2] =	stream.indirect.scatter.add.f32 [tilespmem:s20], [sflag:$0x3], $0x80, s26, s19, $0xb8;
	[tilespmem:$0x1E800] =	vst v63  }
0xa9: {  	_ =	swait.ge [sflag:s17], $0x4000  }
0xaa: {  	s28 =	smov.u32 s31;
	s26 =	sshra.s32 s30, $0x2;
	[sflag:s17] =	ssyncset.done $0x0  }
0xab: {  	s28 =	sadd.s32 $0x80, s26;
	[sflag:s17] =	ssyncadd.s32 $0xFFFFC000  }
0xac: {  	[tilespmem:s20], [sflag:$0x2] =	stream.indirect.gather [hbm4b:s4+s19], $0x80, s28, s19, $0xb8;
	[tilespmem:$0x1E800] =	vst v63  }
0xad: {  	_ =	swait.ge [sflag:s21], $0x4000  }
0xae: {  	[sflag:s21] =	ssyncset.done $0x0  }
0xaf: {  	s30 =	sadd.s32 $0x1400, s26;
	[sflag:s21] =	ssyncadd.s32 $0xFFFFC000  }
0xb0: {  	[spmem:s2] =	stream.indirect.scatter.add.f32 [tilespmem:s16], [sflag:$0x3], $0x80, s30, s19, $0xb8;
	[tilespmem:$0x1E800] =	vst v63  }
0xb1: {  	_ =	swait.ge [sflag:s17], $0x4000  }
0xb2: {  	[sflag:s17] =	ssyncset.done $0x0  }
0xb3: {  	s31 =	sadd.s32 $0x100, s26;
	[sflag:s17] =	ssyncadd.s32 $0xFFFFC000  }
0xb4: {  	[tilespmem:s16], [sflag:$0x1] =	stream.indirect.gather [hbm4b:s4+s19], $0x80, s31, s19, $0xb8;
	[tilespmem:$0x1E800] =	vst v63  }
0xb5: {  	_ =	swait.ge [sflag:s22], $0x4000  }
0xb6: {  	[sflag:s22] =	ssyncset.done $0x0  }
0xb7: {  	s29 =	sadd.s32 $0x1480, s26;
	[sflag:s22] =	ssyncadd.s32 $0xFFFFC000  }
0xb8: {  	[spmem:s2] =	stream.indirect.scatter.add.f32 [tilespmem:s20], [sflag:$0x3], $0x80, s29, s19, $0xb8;
	[tilespmem:$0x1E800] =	vst v63  }
0xb9: {  	_ =	swait.ge [sflag:s17], $0x4000  }
0xba: {  	[sflag:s17] =	ssyncset.done $0x0  }
0xbb: {  	[sflag:s17] =	ssyncadd.s32 $0xFFFFC000  }
0xbc: {  	[tilespmem:s20], [sflag:$0x2] =	stream.indirect.gather [hbm4b:s4+s19], $0x80, s23, s19, $0xb8;
	[tilespmem:$0x1E800] =	vst v63  }
0xbd: {  	_ =	swait.ge [sflag:s21], $0x4000  }
0xbe: {  	[sflag:s21] =	ssyncset.done $0x0  }
0xbf: {  	[sflag:s21] =	ssyncadd.s32 $0xFFFFC000  }
0xc0: {  	[spmem:s2] =	stream.indirect.scatter.add.f32 [tilespmem:s16], [sflag:$0x3], $0x80, s24, s19, $0xb8;
	[tilespmem:$0x1E800] =	vst v63  }
0xc1: {  	_ =	swait.ge [sflag:s17], $0x4000  }
0xc2: {  	[sflag:s17] =	ssyncset.done $0x0  }
0xc3: {  	[sflag:s17] =	ssyncadd.s32 $0xFFFFC000  }
0xc4: {  	_ =	swait.ge [sflag:s22], $0x4000  }
0xc5: {  	[sflag:s22] =	ssyncset.done $0x0  }
0xc6: {  	[sflag:s22] =	ssyncadd.s32 $0xFFFFC000  }
0xc7: {  	[spmem:s2] =	stream.indirect.scatter.add.f32 [tilespmem:s20], [sflag:$0x3], $0x80, s25, s19, $0xb8;
	[tilespmem:$0x1E800] =	vst v63  }
0xc8: {  	_ =	swait.ge [sflag:s17], $0x4000  }
0xc9: {  	s3 =	sadd.s32 $0x1, s3;
	s30 =	sshll.u32 s0, $0x6;
	[sflag:s17] =	ssyncset.done $0x0  }
0xca: {  	p0 =	sne.s32 s3, s15;
	s26 =	sor.u32 $0x1C03, s30;
	[sflag:s17] =	ssyncadd.s32 $0xFFFFC000  }
.Ltmp3:
0xcb: {  	s31 =	sshrl.u32 s5, $0x3;
	[bflag:$0x0] =	sbarrier.arrive $0xFFFF;
	(pc) =	sbr.rel @p0 .LBB2_1-.Ltmp3, $4  }
0xcc: {  	[hbm:s14], [sflag:s26] =	dma.local [spmem:s31], $0x2800  }
0xcd: {  	_ =	swait.ge [sflag:s17], $0x2800  }
0xce: {  	[sflag:s17] =	ssyncset.done $0x0  }
0xcf: {  	[sflag:s17] =	ssyncadd.s32 $0xFFFFD800  }
0xd0: {  	_ =	sfence.sel $0x180000  }
0xd1: {  	[bflag:$0x0] =	sbarrier.arrive $0xFFFF  }
0xd2: {  	p0 =	sne.s32 s0, $0x0;
	_ =	strace $0x9000004D  }
0xd3: {  	s0 =	sadd.s32 @!p0 $0x100000, s1;
	[bflag:$0x2] =	sbarrier.arrive $0xFFFF  }
0xd4: {  	[sflag:s0] =	ssyncadd.tile.s32 @!p0 $0x1;
	_ =	shalt  }
.Lfunc_end2:
_tile_overlayer_lowered:
.L_overlay_start_2:
0xd5: {  	(tag) =	ssettag $0x2  }
0xd6: {  	s0 =	rddreg [dreg:$0x0];
	s2 =	stileid.u32  }
0xd7: {  	s1 =	rddreg [dreg:$0x1];
	p0 =	sne.s32 s2, $0x0  }
0xd8: {  	s3 =	rddreg [dreg:$0x2];
	[bflag:$0x3] =	sbarrier.arrive $0xFFFF;
	s2 =	simm.s32 @!p0 $0x1C03  }
0xd9: {  	[timem:s3], [sflag:s2] =	dma.local @!p0 [hbm:s0], s1  }
0xda: {  	s0 =	simm.s32 @!p0 $0x3  }
0xdb: {  	_ =	swait.ge @!p0 [sflag:s0], s1  }
0xdc: {  	s1 =	ssub.s32 @!p0 $0x0, s1;
	[sflag:s0] =	ssyncset.done @!p0 $0x0  }
0xdd: {  	[sflag:s0] =	ssyncadd.s32 @!p0 s1  }
0xde: {  	[bflag:$0x3] =	sbarrier.arrive $0xFFFF  }
0xdf: {  	_ =	shalt  }

// kernel: kernel.8.cloned.1.call-start
scs
__scs_entry_jumppad:
0x0: {  	(pc) =	sbr.rel $0x88, $3  }
0x1: {  	(tag) =	ssettag $0x0;
	lr =	simm.s32 $0x1  }
0x2: {  	[smem:$0x3F95] =	sst lr;
	_ =	strace $0xD0000000  }
0x3: {  	_ = 	snop  }
0x4: {  	_ = 	snop  }
0x5: {  	_ = 	snop  }
0x6: {  	_ = 	snop  }
0x7: {  	_ = 	snop  }
__scs_overlays_trampoline_lowered:
0x8: {  	[smem:$0x3FA4] =	sst s0  }
0x9: {  	[smem:$0x3FA5] =	sst s1  }
0xa: {  	[smem:$0x3FA6] =	sst s2  }
0xb: {  	[smem:$0x3FA7] =	sst s3  }
0xc: {  	[smem:$0x3FA8] =	sst s4  }
0xd: {  	[smem:$0x3FA9] =	sst s5  }
0xe: {  	[smem:$0x3FAA] =	sst s6  }
0xf: {  	[smem:$0x3FAB] =	sst s7  }
0x10: {  	[smem:$0x3FAC] =	sst s8  }
0x11: {  	[smem:$0x3FAD] =	sst s9;
	s0 =	simm.s32 @!p0 $0x0  }
0x12: {  	s1 =	sld [smem:$0x3F93];
	s0 =	simm.s32 @p0 $0x1  }
0x13: {  	[smem:$0x3FAE] =	sst s0;
	s0 =	simm.s32 @!p1 $0x0  }
0x14: {  	s2 =	sld [smem:$0x3F92];
	s0 =	simm.s32 @p1 $0x1  }
0x15: {  	[smem:$0x3FAF] =	sst s0;
	s0 =	simm.s32 @!p2 $0x0  }
0x16: {  	s3 =	sld [smem:$0x3FDB];
	s0 =	simm.s32 @p2 $0x1  }
0x17: {  	s4 =	simm.s32 $0x1BF5;
	[smem:$0x3FB1] =	sst s0  }
0x18: {  	s0 =	sld [smem:$0x3F94];
	_ =	swait.ge [sflag:s4], $0x0  }
0x19: {  	s7 =	sld [smem:$0x3F95]  }
0x1a: {  	s8 =	sadd.s32 $0xFFFFE003, lr  }
0x1b: {  	s9 =	sadd.s32 $0xFFFFFEF7, lr;
	s5 =	simm.s32 $0xFFFFFFFF;
	p2 =	slt.u32 s8, $0xFFFFF086  }
0x1c: {  	p1 =	slt.u32 s9, $0xF7A;
	s5 =	simm.s32 @!p2 $0x0  }
0x1d: {  	s5 =	simm.s32 @p1 $0x1;
	p0 =	seq.s32 s7, s2  }
0x1e: {  	s7 =	smul.u32 @!p0 $0xF7A, s2;
	p2 =	seq.s32 @!p0 s5, $0x0  }
0x1f: {  	s9 =	smul.u32 $0xF7A, s1;
	s8 =	simm.s32 @!p0 $0x1BF5;
	p2 =	por !p2, p0  }
0x20: {  	[sflag:s8] =	ssyncset.s32 @!p0 $0xFFFFF086;
	s6 =	sadd.s32 @!p0 s3, s7;
	s7 =	simm.s32 @!p0 $0x108  }
0x21: {  	s3 =	sadd.s32 s3, s9;
	s6 =	sadd.s32 @!p0 $0x88, s6;
	s7 =	simm.s32 @p2 $0x1082  }
0x22: {  	[simem:s7], [sflag:s8] =	dma.local @!p0 [hbm:s6], $0xF7A  }
0x23: {  	s9 =	sor.u32 $0xD0000000, s2;
	s6 =	simm.s32 $0x108;
	_ =	swait.ge @!p0 [sflag:s8], $0x0  }
0x24: {  	s3 =	sadd.s32 $0x88, s3;
	s6 =	simm.s32 @!p1 $0x1082;
	[sflag:s4] =	ssyncset.s32 $0xFFFFF086  }
0x25: {  	[simem:s6], [sflag:s4] =	dma.local [hbm:s3], $0xF7A  }
0x26: {  	[smem:$0x3F95] =	sst s1;
	(tag) =	ssettag s2;
	_ =	strace s9  }
0x27: {  	s1 =	sld [smem:$0x3FA5]  }
0x28: {  	s2 =	sld [smem:$0x3FA6]  }
0x29: {  	s4 =	sld [smem:$0x3FA8]  }
0x2a: {  	p0 =	seq.s32 s5, $0x0;
	s5 =	sld [smem:$0x3FA9]  }
0x2b: {  	s6 =	sld [smem:$0x3FAA]  }
0x2c: {  	s7 =	sld [smem:$0x3FAB]  }
0x2d: {  	s3 =	simm.s32 $0x108;
	s8 =	sld [smem:$0x3FAC]  }
0x2e: {  	s3 =	simm.s32 @!p0 $0x1082;
	s9 =	sld [smem:$0x3FAD]  }
0x2f: {  	lr =	sadd.s32 s0, s3;
	s0 =	sld [smem:$0x3FA4]  }
0x30: {  	s3 =	sld [smem:$0x3FA7]  }
0x31: {  	[smem:$0x3FB0] =	sst s10  }
0x32: {  	s10 =	sld [smem:$0x3FAE];
	_ =	sdelay $0x3  }
0x33: {  	p0 =	seq.s32 s10, $0x1;
	s10 =	sld [smem:$0x3FB0];
	_ =	sdelay $0x3  }
0x34: {  	[smem:$0x3FB0] =	sst s10  }
0x35: {  	s10 =	sld [smem:$0x3FAF];
	_ =	sdelay $0x3  }
0x36: {  	p1 =	seq.s32 s10, $0x1;
	s10 =	sld [smem:$0x3FB0];
	_ =	sdelay $0x3  }
0x37: {  	[smem:$0x3FB0] =	sst s10  }
0x38: {  	s10 =	sld [smem:$0x3FB1]  }
0x39: {  	_ = 	snop;
	(pc) =	sbr.ind lr, $3  }
0x3a: {  	_ = 	snop  }
0x3b: {  	_ = 	snop  }
0x3c: {  	p2 =	seq.s32 s10, $0x1;
	s10 =	sld [smem:$0x3FB0]  }
0x3d: {  	_ =	shalt  }
0x3e: {  	_ =	shalt  }
0x3f: {  	_ =	shalt  }
0x40: {  	_ =	shalt  }
0x41: {  	_ =	shalt  }
0x42: {  	_ =	shalt  }
0x43: {  	_ =	shalt  }
0x44: {  	_ =	shalt  }
0x45: {  	_ =	shalt  }
0x46: {  	_ =	shalt  }
0x47: {  	_ =	shalt  }
0x48: {  	_ =	shalt  }
0x49: {  	_ =	shalt  }
0x4a: {  	_ =	shalt  }
0x4b: {  	_ =	shalt  }
0x4c: {  	_ =	shalt  }
0x4d: {  	_ =	shalt  }
0x4e: {  	_ =	shalt  }
0x4f: {  	_ =	shalt  }
0x50: {  	_ =	shalt  }
0x51: {  	_ =	shalt  }
0x52: {  	_ =	shalt  }
0x53: {  	_ =	shalt  }
0x54: {  	_ =	shalt  }
0x55: {  	_ =	shalt  }
0x56: {  	_ =	shalt  }
0x57: {  	_ =	shalt  }
0x58: {  	_ =	shalt  }
0x59: {  	_ =	shalt  }
0x5a: {  	_ =	shalt  }
0x5b: {  	_ =	shalt  }
0x5c: {  	_ =	shalt  }
0x5d: {  	_ =	shalt  }
0x5e: {  	_ =	shalt  }
0x5f: {  	_ =	shalt  }
0x60: {  	_ =	shalt  }
0x61: {  	_ =	shalt  }
0x62: {  	_ =	shalt  }
0x63: {  	_ =	shalt  }
0x64: {  	_ =	shalt  }
0x65: {  	_ =	shalt  }
0x66: {  	_ =	shalt  }
0x67: {  	_ =	shalt  }
0x68: {  	_ =	shalt  }
0x69: {  	_ =	shalt  }
0x6a: {  	_ =	shalt  }
0x6b: {  	_ =	shalt  }
0x6c: {  	_ =	shalt  }
0x6d: {  	_ =	shalt  }
0x6e: {  	_ =	shalt  }
0x6f: {  	_ =	shalt  }
0x70: {  	_ =	shalt  }
0x71: {  	_ =	shalt  }
0x72: {  	_ =	shalt  }
0x73: {  	_ =	shalt  }
0x74: {  	_ =	shalt  }
0x75: {  	_ =	shalt  }
0x76: {  	_ =	shalt  }
0x77: {  	_ =	shalt  }
0x78: {  	_ =	shalt  }
0x79: {  	_ =	shalt  }
0x7a: {  	_ =	shalt  }
0x7b: {  	_ =	shalt  }
0x7c: {  	_ =	shalt  }
0x7d: {  	_ =	shalt  }
0x7e: {  	_ =	shalt  }
0x7f: {  	_ =	shalt  }
0x80: {  	_ =	shalt  }
0x81: {  	_ =	shalt  }
0x82: {  	_ =	shalt  }
0x83: {  	_ =	shalt  }
0x84: {  	_ =	shalt  }
0x85: {  	_ =	shalt  }
0x86: {  	_ =	shalt  }
0x87: {  	_ =	shalt  }
.Lfunc_end0:
.L_simem_size_0:
called_computation_lowered:
.L_overlay_start_0:
0x88: {  	s2 =	sld [smem:$0x3FD9]  }
0x89: {  	s3 =	sld [smem:$0x3FFE];
	_ =	sdelay $0x1  }
0x8a: {  	s1 =	srdreg.scid  }
0x8b: {  	s0 =	sand.u32 $0x1, s1  }
0x8c: {  	s16 =	sshll.u32 s0, $0xA;
	s2 =	sadd.s32 s3, s2  }
0x8d: {  	s2 =	sadd.s32 s2, s16  }
0x8e: {  	[smem:$0x3FBC] =	sst s2  }
0x8f: {  	_ = 	snop  }
0x90: {  	(tm) =	ssettm $0x1  }
0x91: {  	s17 =	sld [smem:$0x3FFB];
	_ =	sdelay $0x3  }
0x92: {  	_ =	strace s17  }
0x93: {  	s2 =	sld [smem:$0x3FFC];
	_ =	sdelay $0x3  }
0x94: {  	_ =	strace s2  }
0x95: {  	s2 =	sld [smem:$0x3FFD];
	_ =	sdelay $0x3  }
0x96: {  	_ =	strace s2  }
0x97: {  	_ =	strace $0x8FFFFFFF  }
0x98: {  	s18 =	sld [smem:$0x3FDB];
	_ =	sdelay $0x1  }
0x99: {  	s19 =	simm.s32 $_scs_section_size  }
0x9a: {  	s4 =	simm.s32 $_size__tile_overlayer_lowered;
	s5 =	simm.s32 $_tile_overlayer_lowered  }
0x9b: {  	s22 =	simm.s32 $0x1BFF;
	s21 =	sshll.u32 s5, $0x1;
	s2 =	sadd.s32 s19, s18  }
0x9c: {  	s6 =	simm.s32 $0x0;
	s20 =	sshll.u32 s4, $0x1;
	s4 =	sadd.s32 s21, s2  }
0x9d: {  	[timem:s6], [sflag:s22] =	dma.local [hbm:s4], s20  }
0x9e: {  	_ =	swait.ge [sflag:s22], s20  }
0x9f: {  	s3 =	ssub.s32 $0x0, s20;
	[sflag:s22] =	ssyncset.done $0x0  }
0xa0: {  	[sflag:s22] =	ssyncadd.s32 s3;
	_ =	sdelay $0x1  }
0xa1: {  	s23 =	simm.s32 $0x1B8B  }
0xa2: {  	_ =	swait.ge [sflag:s23], $0x1  }
0xa3: {  	[sflag:s23] =	ssyncset.done $0x0  }
0xa4: {  	s25 =	simm.s32 $0x1B8E;
	s24 =	sld [smem:$0x3FFE];
	[sflag:s23] =	ssyncadd.s32 $0xFFFFFFFF  }
0xa5: {  	s26 =	simm.s32 $execute0_lowered;
	[smem:$0x3FD2] =	sst s25  }
0xa6: {  	s4 =	sshll.u32 s26, $0x1;
	_ =	strace $0x80000046;
	[dreg:$0x1] =	wrdreg $0xFFFFFFFF  }
0xa7: {  	s28 =	simm.s32 $_size_execute0_lowered;
	s2 =	sadd.s32 s2, s4;
	[dreg:$0x0] =	wrdreg $0x0  }
0xa8: {  	s4 =	sshll.u32 s28, $0x1;
	[dreg:$0x2] =	wrdreg s2  }
0xa9: {  	[dreg:$0x3] =	wrdreg s4  }
0xaa: {  	[dreg:$0x4] =	wrdreg $0xC0  }
0xab: {  	_ =	task [dreg:s6], $0x5FFFF  }
0xac: {  	[dreg:$0x1] =	wrdreg $0xFFFFFFFF  }
0xad: {  	[dreg:$0x0] =	wrdreg $0x60  }
0xae: {  	[dreg:$0x2] =	wrdreg s24  }
0xaf: {  	[dreg:$0x3] =	wrdreg $0x56000  }
0xb0: {  	[dreg:$0x4] =	wrdreg $0x9  }
0xb1: {  	_ =	task.clear_ibuf [dreg:s6], $0x5FFFF;
	_ =	strace $0x90000046  }
0xb2: {  	s29 =	simm.s32 $0x9;
	_ =	strace $0x80000048  }
0xb3: {  	_ =	swait.ge [sflag:s29], $0x1  }
0xb4: {  	[sflag:s29] =	ssyncadd.s32 $0xFFFFFFFF  }
0xb5: {  	_ =	strace $0x90000048  }
0xb6: {  	_ =	sfence  }
0xb7: {  	s30 =	sld [smem:$0x0];
	_ =	sdelay $0x2  }
0xb8: {  	s31 =	sshll.u32 s1, $0xD;
	s1 =	sshrl.u32 s1, $0x2  }
0xb9: {  	s3 =	sand.u32 $0x4000, s31;
	s1 =	sadd.s32 s1, s30  }
0xba: {  	s0 =	sor.u32 s3, s0;
	s1 =	sshll.u32 s1, $0x11  }
0xbb: {  	s0 =	sor.u32 s1, s0  }
0xbc: {  	s0 =	sadd.s32 $0x8F2B, s0  }
0xbd: {  	[sflag:s0] =	ssyncadd.remote.s32 $0x1  }
0xbe: {  	_ =	sfence.sel $0xFFFF  }
0xbf: {  	[dreg:$0x0] =	wrdreg $0xFFFFFFFF;
	(pc) =	sbr.abs _section_cstart, $3  }
0xc0: {  	[dreg:$0x1] =	wrdreg $0xFFFFFFFF  }
0xc1: {  	_ =	task.clear_ibuf [dreg:s6], $0x2FFFF;
	_ =	strace $0x9FFFFFFF  }
0xc2: {  	(tm) =	ssettm $0x7FFFFFFF  }
0xc3: {  	_ =	shalt  }
tec
execute0_lowered:
.L_overlay_start_1:
0x0: {  	(tag) =	ssettag $0x1  }
0x1: {  	s4 =	rddreg [dreg:$0x0]  }
0x2: {  	s0 =	srdreg.scid;
	s2 =	rddreg [dreg:$0x1]  }
0x3: {  	s1 =	rddreg [dreg:$0x2];
	s3 =	simm.s32 $0x0;
	s11 =	simm.s32 $0x80  }
0x4: {  	s12 =	simm.s32 $0x5000;
	s13 =	simm.s32 $0x1;
	s5 =	sand.u32 $0x1, s0  }
0x5: {  	s14 =	simm.s32 $0x5380;
	s0 =	stileid.u32;
	s6 =	smul.u32 $0x50000, s5  }
0x6: {  	s15 =	simm.s32 $0x100;
	[smem:$0x7FF] =	sst s3;
	s7 =	smul.u32 $0x5000, s0  }
0x7: {  	s16 =	simm.s32 $0x0;
	s28 =	smul.u32 $0x500, s0;
	_ =	strace $0x80000047  }
0x8: {  	s8 =	sshll.u32 s5, $0x7;
	s5 =	ssub.s32 $0x2, s5;
	s29 =	smul.u32 $0xA40, s0  }
0x9: {  	s10 =	smul.u32 $0xA00, s0;
	s9 =	sshrl.u32 s5, $0x1;
	s6 =	sadd.s32 s7, s6  }
0xa: {  	s7 =	sor.u32 s8, s28;
	s9 =	ssub.s32 s5, s9;
	s30 =	sshrl.u32 s29, $0x2  }
0xb: {  	s31 =	sshrl.u32 s10, $0x2;
	s10 =	simm.s32 $0x5080;
	s6 =	sshrl.u32 s6, $0x3  }
0xc: {  	s7 =	sshrl.u32 s7, $0x3;
	s5 =	sadd.s32 s30, s2;
	s8 =	smax.u32 s9, $0x1  }
0xd: {  	s9 =	simm.s32 $0x2;
	s6 =	sadd.s32 s6, s4;
	s7 =	sadd.s32 s7, s4  }
0xe: {  	v0 =	vimm.f32 $1.000000000e+00;
	s4 =	sadd.s32 $0x3A00, s6;
	s6 =	sadd.s32 s31, s2;
	s7 =	sadd.s32 $0x17A00, s7  }
.LBB2_1:
0xf: {  	[tilespmem:s3], [sflag:$0x2] =	stream.linear.gather [hbm4b:s4+s3], $0x5000, $0x38;
	[tilespmem:$0x5890] =	vst v63  }
0x10: {  	_ =	swait.ge [sflag:s9], $0x5000  }
0x11: {  	[sflag:s9] =	ssyncset.done $0x0  }
0x12: {  	[sflag:s9] =	ssyncadd.s32 $0xFFFFB000  }
0x13: {  	[tilespmem:$0x5000] =	vst v0  }
0x14: {  	[tilespmem:$0x5010] =	vst v0  }
0x15: {  	[tilespmem:$0x5020] =	vst v0  }
0x16: {  	[tilespmem:$0x5030] =	vst v0  }
0x17: {  	[tilespmem:$0x5040] =	vst v0  }
0x18: {  	[tilespmem:$0x5050] =	vst v0  }
0x19: {  	[tilespmem:$0x5060] =	vst v0  }
0x1a: {  	[tilespmem:$0x5070] =	vst v0  }
0x1b: {  	[tilespmem:$0x5080] =	vst v0  }
0x1c: {  	[tilespmem:$0x5090] =	vst v0  }
0x1d: {  	[tilespmem:$0x50A0] =	vst v0  }
0x1e: {  	[tilespmem:$0x50B0] =	vst v0  }
0x1f: {  	[tilespmem:$0x50C0] =	vst v0  }
0x20: {  	[tilespmem:$0x50D0] =	vst v0  }
0x21: {  	[tilespmem:$0x50E0] =	vst v0  }
0x22: {  	[tilespmem:$0x50F0] =	vst v0  }
0x23: {  	[tilespmem:$0x5100] =	vst v0  }
0x24: {  	[tilespmem:$0x5110] =	vst v0  }
0x25: {  	[tilespmem:$0x5120] =	vst v0  }
0x26: {  	[tilespmem:$0x5130] =	vst v0  }
0x27: {  	[tilespmem:$0x5140] =	vst v0  }
0x28: {  	[tilespmem:$0x5150] =	vst v0  }
0x29: {  	[tilespmem:$0x5160] =	vst v0  }
0x2a: {  	[tilespmem:$0x5170] =	vst v0  }
0x2b: {  	[tilespmem:$0x5180] =	vst v0  }
0x2c: {  	[tilespmem:$0x5190] =	vst v0  }
0x2d: {  	[tilespmem:$0x51A0] =	vst v0  }
0x2e: {  	[tilespmem:$0x51B0] =	vst v0  }
0x2f: {  	[tilespmem:$0x51C0] =	vst v0  }
0x30: {  	[tilespmem:$0x51D0] =	vst v0  }
0x31: {  	[tilespmem:$0x51E0] =	vst v0  }
0x32: {  	[tilespmem:$0x51F0] =	vst v0  }
0x33: {  	[tilespmem:$0x5200] =	vst v0  }
0x34: {  	[tilespmem:$0x5210] =	vst v0  }
0x35: {  	[tilespmem:$0x5220] =	vst v0  }
0x36: {  	[tilespmem:$0x5230] =	vst v0  }
0x37: {  	[tilespmem:$0x5240] =	vst v0  }
0x38: {  	[tilespmem:$0x5250] =	vst v0  }
0x39: {  	[tilespmem:$0x5260] =	vst v0  }
0x3a: {  	[tilespmem:$0x5270] =	vst v0  }
0x3b: {  	[tilespmem:$0x5280] =	vst v0  }
0x3c: {  	[tilespmem:$0x5290] =	vst v0  }
0x3d: {  	[tilespmem:$0x52A0] =	vst v0  }
0x3e: {  	[tilespmem:$0x52B0] =	vst v0  }
0x3f: {  	[tilespmem:$0x52C0] =	vst v0  }
0x40: {  	[tilespmem:$0x52D0] =	vst v0  }
0x41: {  	[tilespmem:$0x52E0] =	vst v0  }
0x42: {  	[tilespmem:$0x52F0] =	vst v0  }
0x43: {  	[tilespmem:$0x5300] =	vst v0  }
0x44: {  	[spmem:s5] =	stream.linear.scatter [tilespmem:s10], [sflag:$0x2], $0x290, $0x38;
	[tilespmem:$0x5890] =	vst v63  }
0x45: {  	_ =	swait.ge [sflag:s9], $0x290  }
0x46: {  	[sflag:s9] =	ssyncset.done $0x0  }
0x47: {  	[sflag:s9] =	ssyncadd.s32 $0xFFFFFD70  }
0x48: {  	s17 =	simm.s32 $0x0;
	[bflag:$0x0] =	sbarrier.arrive $0xFFFF  }
0x49: {  	[spmem:s2] =	stream.indirect.scatter.add.f32 [tilespmem:s12], [sflag:$0x1], $0x1, s17, s11, $0xb8;
	[tilespmem:$0x5890] =	vst v63  }
0x4a: {  	s30 =	simm.s32 $0x80  }
0x4b: {  	[spmem:s2] =	stream.indirect.scatter.add.f32 [tilespmem:s12], [sflag:$0x1], $0x1, s30, s11, $0xb8;
	[tilespmem:$0x5890] =	vst v63  }
0x4c: {  	s31 =	simm.s32 $0x100  }
0x4d: {  	[spmem:s2] =	stream.indirect.scatter.add.f32 [tilespmem:s12], [sflag:$0x1], $0x1, s31, s11, $0xb8;
	[tilespmem:$0x5890] =	vst v63  }
0x4e: {  	s18 =	simm.s32 $0x180  }
0x4f: {  	[spmem:s2] =	stream.indirect.scatter.add.f32 [tilespmem:s12], [sflag:$0x1], $0x1, s18, s11, $0xb8;
	[tilespmem:$0x5890] =	vst v63  }
0x50: {  	s19 =	simm.s32 $0x200  }
0x51: {  	[spmem:s2] =	stream.indirect.scatter.add.f32 [tilespmem:s12], [sflag:$0x1], $0x1, s19, s11, $0xb8;
	[tilespmem:$0x5890] =	vst v63  }
0x52: {  	s20 =	simm.s32 $0x280  }
0x53: {  	[spmem:s2] =	stream.indirect.scatter.add.f32 [tilespmem:s12], [sflag:$0x1], $0x1, s20, s11, $0xb8;
	[tilespmem:$0x5890] =	vst v63  }
0x54: {  	s21 =	simm.s32 $0x300  }
0x55: {  	[spmem:s2] =	stream.indirect.scatter.add.f32 [tilespmem:s12], [sflag:$0x1], $0x1, s21, s11, $0xb8;
	[tilespmem:$0x5890] =	vst v63  }
0x56: {  	s22 =	simm.s32 $0x380  }
0x57: {  	[spmem:s2] =	stream.indirect.scatter.add.f32 [tilespmem:s12], [sflag:$0x1], $0x1, s22, s11, $0xb8;
	[tilespmem:$0x5890] =	vst v63  }
0x58: {  	s23 =	simm.s32 $0x400  }
0x59: {  	[spmem:s2] =	stream.indirect.scatter.add.f32 [tilespmem:s12], [sflag:$0x1], $0x1, s23, s11, $0xb8;
	[tilespmem:$0x5890] =	vst v63  }
0x5a: {  	s24 =	simm.s32 $0x480  }
0x5b: {  	[spmem:s2] =	stream.indirect.scatter.add.f32 [tilespmem:s12], [sflag:$0x1], $0x1, s24, s11, $0xb8;
	[tilespmem:$0x5890] =	vst v63  }
0x5c: {  	s25 =	simm.s32 $0x500  }
0x5d: {  	[spmem:s2] =	stream.indirect.scatter.add.f32 [tilespmem:s12], [sflag:$0x1], $0x1, s25, s11, $0xb8;
	[tilespmem:$0x5890] =	vst v63  }
0x5e: {  	s26 =	simm.s32 $0x580  }
0x5f: {  	[spmem:s2] =	stream.indirect.scatter.add.f32 [tilespmem:s12], [sflag:$0x1], $0x1, s26, s11, $0xb8;
	[tilespmem:$0x5890] =	vst v63  }
0x60: {  	s28 =	simm.s32 $0x600  }
0x61: {  	[spmem:s2] =	stream.indirect.scatter.add.f32 [tilespmem:s12], [sflag:$0x1], $0x1, s28, s11, $0xb8;
	[tilespmem:$0x5890] =	vst v63  }
0x62: {  	s29 =	simm.s32 $0x680  }
0x63: {  	[spmem:s2] =	stream.indirect.scatter.add.f32 [tilespmem:s12], [sflag:$0x1], $0x1, s29, s11, $0xb8;
	[tilespmem:$0x5890] =	vst v63  }
0x64: {  	s30 =	simm.s32 $0x700  }
0x65: {  	[spmem:s2] =	stream.indirect.scatter.add.f32 [tilespmem:s12], [sflag:$0x1], $0x1, s30, s11, $0xb8;
	[tilespmem:$0x5890] =	vst v63  }
0x66: {  	s31 =	simm.s32 $0x780  }
0x67: {  	[spmem:s2] =	stream.indirect.scatter.add.f32 [tilespmem:s12], [sflag:$0x1], $0x1, s31, s11, $0xb8;
	[tilespmem:$0x5890] =	vst v63  }
0x68: {  	_ =	swait.ge [sflag:s13], $0x80  }
0x69: {  	[sflag:s13] =	ssyncset.done $0x0  }
0x6a: {  	[sflag:s13] =	ssyncadd.s32 $0xFFFFFF80  }
0x6b: {  	_ =	swait.ge [sflag:s13], $0x80  }
0x6c: {  	[sflag:s13] =	ssyncset.done $0x0  }
0x6d: {  	[sflag:s13] =	ssyncadd.s32 $0xFFFFFF80  }
0x6e: {  	_ =	swait.ge [sflag:s13], $0x80  }
0x6f: {  	[sflag:s13] =	ssyncset.done $0x0  }
0x70: {  	[sflag:s13] =	ssyncadd.s32 $0xFFFFFF80  }
0x71: {  	_ =	swait.ge [sflag:s13], $0x80  }
0x72: {  	[sflag:s13] =	ssyncset.done $0x0  }
0x73: {  	[sflag:s13] =	ssyncadd.s32 $0xFFFFFF80  }
0x74: {  	_ =	swait.ge [sflag:s13], $0x80  }
0x75: {  	[sflag:s13] =	ssyncset.done $0x0  }
0x76: {  	[sflag:s13] =	ssyncadd.s32 $0xFFFFFF80  }
0x77: {  	_ =	swait.ge [sflag:s13], $0x80  }
0x78: {  	[sflag:s13] =	ssyncset.done $0x0  }
0x79: {  	[sflag:s13] =	ssyncadd.s32 $0xFFFFFF80  }
0x7a: {  	_ =	swait.ge [sflag:s13], $0x80  }
0x7b: {  	[sflag:s13] =	ssyncset.done $0x0  }
0x7c: {  	[sflag:s13] =	ssyncadd.s32 $0xFFFFFF80  }
0x7d: {  	_ =	swait.ge [sflag:s13], $0x80  }
0x7e: {  	[sflag:s13] =	ssyncset.done $0x0  }
0x7f: {  	[sflag:s13] =	ssyncadd.s32 $0xFFFFFF80  }
0x80: {  	_ =	swait.ge [sflag:s13], $0x80  }
0x81: {  	[sflag:s13] =	ssyncset.done $0x0  }
0x82: {  	[sflag:s13] =	ssyncadd.s32 $0xFFFFFF80  }
0x83: {  	_ =	swait.ge [sflag:s13], $0x80  }
0x84: {  	[sflag:s13] =	ssyncset.done $0x0  }
0x85: {  	[sflag:s13] =	ssyncadd.s32 $0xFFFFFF80  }
0x86: {  	_ =	swait.ge [sflag:s13], $0x80  }
0x87: {  	[sflag:s13] =	ssyncset.done $0x0  }
0x88: {  	[sflag:s13] =	ssyncadd.s32 $0xFFFFFF80  }
0x89: {  	_ =	swait.ge [sflag:s13], $0x80  }
0x8a: {  	[sflag:s13] =	ssyncset.done $0x0  }
0x8b: {  	[sflag:s13] =	ssyncadd.s32 $0xFFFFFF80  }
0x8c: {  	_ =	swait.ge [sflag:s13], $0x80  }
0x8d: {  	[sflag:s13] =	ssyncset.done $0x0  }
0x8e: {  	[sflag:s13] =	ssyncadd.s32 $0xFFFFFF80  }
0x8f: {  	_ =	swait.ge [sflag:s13], $0x80  }
0x90: {  	[sflag:s13] =	ssyncset.done $0x0  }
0x91: {  	[sflag:s13] =	ssyncadd.s32 $0xFFFFFF80  }
0x92: {  	_ =	swait.ge [sflag:s13], $0x80  }
0x93: {  	[sflag:s13] =	ssyncset.done $0x0  }
0x94: {  	[sflag:s13] =	ssyncadd.s32 $0xFFFFFF80  }
0x95: {  	_ =	swait.ge [sflag:s13], $0x80  }
0x96: {  	s17 =	simm.s32 $0x2000;
	s20 =	simm.s32 $0x4000;
	[sflag:s13] =	ssyncset.done $0x0  }
.LBB2_2:
0x97: {  	s19 =	sshra.s32 s17, $0x2  }
0x98: {  	[sflag:s13] =	ssyncadd.s32 $0xFFFFFF80;
	s17 =	smov.u32 s20;
	s18 =	sadd.s32 $0x2000, s20  }
0x99: {  	[spmem:s2] =	stream.indirect.scatter.add.f32 [tilespmem:s12], [sflag:$0x1], $0x1, s19, s11, $0xb8;
	[tilespmem:$0x5890] =	vst v63  }
0x9a: {  	p0 =	sne.s32 s20, $0x12000;
	s20 =	sadd.s32 $0x80, s19  }
0x9b: {  	[spmem:s2] =	stream.indirect.scatter.add.f32 [tilespmem:s12], [sflag:$0x1], $0x1, s20, s11, $0xb8;
	[tilespmem:$0x5890] =	vst v63  }
0x9c: {  	s20 =	sadd.s32 $0x100, s19  }
0x9d: {  	[spmem:s2] =	stream.indirect.scatter.add.f32 [tilespmem:s12], [sflag:$0x1], $0x1, s20, s11, $0xb8;
	[tilespmem:$0x5890] =	vst v63  }
0x9e: {  	s20 =	sadd.s32 $0x180, s19  }
0x9f: {  	[spmem:s2] =	stream.indirect.scatter.add.f32 [tilespmem:s12], [sflag:$0x1], $0x1, s20, s11, $0xb8;
	[tilespmem:$0x5890] =	vst v63  }
0xa0: {  	s20 =	sadd.s32 $0x200, s19  }
0xa1: {  	[spmem:s2] =	stream.indirect.scatter.add.f32 [tilespmem:s12], [sflag:$0x1], $0x1, s20, s11, $0xb8;
	[tilespmem:$0x5890] =	vst v63  }
0xa2: {  	s20 =	sadd.s32 $0x280, s19  }
0xa3: {  	[spmem:s2] =	stream.indirect.scatter.add.f32 [tilespmem:s12], [sflag:$0x1], $0x1, s20, s11, $0xb8;
	[tilespmem:$0x5890] =	vst v63  }
0xa4: {  	s20 =	sadd.s32 $0x300, s19  }
0xa5: {  	[spmem:s2] =	stream.indirect.scatter.add.f32 [tilespmem:s12], [sflag:$0x1], $0x1, s20, s11, $0xb8;
	[tilespmem:$0x5890] =	vst v63  }
0xa6: {  	s20 =	sadd.s32 $0x380, s19  }
0xa7: {  	[spmem:s2] =	stream.indirect.scatter.add.f32 [tilespmem:s12], [sflag:$0x1], $0x1, s20, s11, $0xb8;
	[tilespmem:$0x5890] =	vst v63  }
0xa8: {  	s20 =	sadd.s32 $0x400, s19  }
0xa9: {  	[spmem:s2] =	stream.indirect.scatter.add.f32 [tilespmem:s12], [sflag:$0x1], $0x1, s20, s11, $0xb8;
	[tilespmem:$0x5890] =	vst v63  }
0xaa: {  	s20 =	sadd.s32 $0x480, s19  }
0xab: {  	[spmem:s2] =	stream.indirect.scatter.add.f32 [tilespmem:s12], [sflag:$0x1], $0x1, s20, s11, $0xb8;
	[tilespmem:$0x5890] =	vst v63  }
0xac: {  	s20 =	sadd.s32 $0x500, s19  }
0xad: {  	[spmem:s2] =	stream.indirect.scatter.add.f32 [tilespmem:s12], [sflag:$0x1], $0x1, s20, s11, $0xb8;
	[tilespmem:$0x5890] =	vst v63  }
0xae: {  	s20 =	sadd.s32 $0x580, s19  }
0xaf: {  	[spmem:s2] =	stream.indirect.scatter.add.f32 [tilespmem:s12], [sflag:$0x1], $0x1, s20, s11, $0xb8;
	[tilespmem:$0x5890] =	vst v63  }
0xb0: {  	s20 =	sadd.s32 $0x600, s19  }
0xb1: {  	[spmem:s2] =	stream.indirect.scatter.add.f32 [tilespmem:s12], [sflag:$0x1], $0x1, s20, s11, $0xb8;
	[tilespmem:$0x5890] =	vst v63  }
0xb2: {  	s20 =	sadd.s32 $0x680, s19  }
0xb3: {  	[spmem:s2] =	stream.indirect.scatter.add.f32 [tilespmem:s12], [sflag:$0x1], $0x1, s20, s11, $0xb8;
	[tilespmem:$0x5890] =	vst v63  }
0xb4: {  	s20 =	sadd.s32 $0x700, s19  }
0xb5: {  	[spmem:s2] =	stream.indirect.scatter.add.f32 [tilespmem:s12], [sflag:$0x1], $0x1, s20, s11, $0xb8;
	[tilespmem:$0x5890] =	vst v63  }
0xb6: {  	s19 =	sadd.s32 $0x780, s19  }
0xb7: {  	[spmem:s2] =	stream.indirect.scatter.add.f32 [tilespmem:s12], [sflag:$0x1], $0x1, s19, s11, $0xb8;
	[tilespmem:$0x5890] =	vst v63  }
0xb8: {  	_ =	swait.ge [sflag:s13], $0x80  }
0xb9: {  	[sflag:s13] =	ssyncset.done $0x0  }
0xba: {  	[sflag:s13] =	ssyncadd.s32 $0xFFFFFF80  }
0xbb: {  	_ =	swait.ge [sflag:s13], $0x80  }
0xbc: {  	[sflag:s13] =	ssyncset.done $0x0  }
0xbd: {  	[sflag:s13] =	ssyncadd.s32 $0xFFFFFF80  }
0xbe: {  	_ =	swait.ge [sflag:s13], $0x80  }
0xbf: {  	[sflag:s13] =	ssyncset.done $0x0  }
0xc0: {  	[sflag:s13] =	ssyncadd.s32 $0xFFFFFF80  }
0xc1: {  	_ =	swait.ge [sflag:s13], $0x80  }
0xc2: {  	[sflag:s13] =	ssyncset.done $0x0  }
0xc3: {  	[sflag:s13] =	ssyncadd.s32 $0xFFFFFF80  }
0xc4: {  	_ =	swait.ge [sflag:s13], $0x80  }
0xc5: {  	[sflag:s13] =	ssyncset.done $0x0  }
0xc6: {  	[sflag:s13] =	ssyncadd.s32 $0xFFFFFF80  }
0xc7: {  	_ =	swait.ge [sflag:s13], $0x80  }
0xc8: {  	[sflag:s13] =	ssyncset.done $0x0  }
0xc9: {  	[sflag:s13] =	ssyncadd.s32 $0xFFFFFF80  }
0xca: {  	_ =	swait.ge [sflag:s13], $0x80  }
0xcb: {  	[sflag:s13] =	ssyncset.done $0x0  }
0xcc: {  	[sflag:s13] =	ssyncadd.s32 $0xFFFFFF80  }
0xcd: {  	_ =	swait.ge [sflag:s13], $0x80  }
0xce: {  	[sflag:s13] =	ssyncset.done $0x0  }
0xcf: {  	[sflag:s13] =	ssyncadd.s32 $0xFFFFFF80  }
0xd0: {  	_ =	swait.ge [sflag:s13], $0x80  }
0xd1: {  	[sflag:s13] =	ssyncset.done $0x0  }
0xd2: {  	[sflag:s13] =	ssyncadd.s32 $0xFFFFFF80  }
0xd3: {  	_ =	swait.ge [sflag:s13], $0x80  }
0xd4: {  	[sflag:s13] =	ssyncset.done $0x0  }
0xd5: {  	[sflag:s13] =	ssyncadd.s32 $0xFFFFFF80  }
0xd6: {  	_ =	swait.ge [sflag:s13], $0x80  }
0xd7: {  	[sflag:s13] =	ssyncset.done $0x0  }
0xd8: {  	[sflag:s13] =	ssyncadd.s32 $0xFFFFFF80  }
0xd9: {  	_ =	swait.ge [sflag:s13], $0x80  }
0xda: {  	[sflag:s13] =	ssyncset.done $0x0  }
0xdb: {  	[sflag:s13] =	ssyncadd.s32 $0xFFFFFF80  }
0xdc: {  	_ =	swait.ge [sflag:s13], $0x80  }
0xdd: {  	[sflag:s13] =	ssyncset.done $0x0  }
0xde: {  	[sflag:s13] =	ssyncadd.s32 $0xFFFFFF80  }
0xdf: {  	_ =	swait.ge [sflag:s13], $0x80  }
0xe0: {  	[sflag:s13] =	ssyncset.done $0x0  }
0xe1: {  	[sflag:s13] =	ssyncadd.s32 $0xFFFFFF80  }
.Ltmp0:
0xe2: {  	_ =	swait.ge [sflag:s13], $0x80;
	(pc) =	sbr.rel @p0 .LBB2_2-.Ltmp0, $4  }
0xe3: {  	[sflag:s13] =	ssyncset.done $0x0  }
0xe4: {  	[sflag:s13] =	ssyncadd.s32 $0xFFFFFF80  }
0xe5: {  	_ =	swait.ge [sflag:s13], $0x80  }
0xe6: {  	s20 =	smov.u32 s18;
	[sflag:s13] =	ssyncset.done $0x0  }
0xe7: {  	s17 =	sshra.s32 s17, $0x2;
	[sflag:s13] =	ssyncadd.s32 $0xFFFFFF80  }
0xe8: {  	[spmem:s2] =	stream.indirect.scatter.add.f32 [tilespmem:s12], [sflag:$0x1], $0x1, s17, s11, $0xb8;
	[tilespmem:$0x5890] =	vst v63  }
0xe9: {  	s18 =	sadd.s32 $0x80, s17  }
0xea: {  	[spmem:s2] =	stream.indirect.scatter.add.f32 [tilespmem:s12], [sflag:$0x1], $0x1, s18, s11, $0xb8;
	[tilespmem:$0x5890] =	vst v63  }
0xeb: {  	s31 =	sadd.s32 $0x100, s17  }
0xec: {  	[spmem:s2] =	stream.indirect.scatter.add.f32 [tilespmem:s12], [sflag:$0x1], $0x1, s31, s11, $0xb8;
	[tilespmem:$0x5890] =	vst v63  }
0xed: {  	s19 =	sadd.s32 $0x180, s17  }
0xee: {  	[spmem:s2] =	stream.indirect.scatter.add.f32 [tilespmem:s12], [sflag:$0x1], $0x1, s19, s11, $0xb8;
	[tilespmem:$0x5890] =	vst v63  }
0xef: {  	s20 =	sadd.s32 $0x200, s17  }
0xf0: {  	[spmem:s2] =	stream.indirect.scatter.add.f32 [tilespmem:s12], [sflag:$0x1], $0x1, s20, s11, $0xb8;
	[tilespmem:$0x5890] =	vst v63  }
0xf1: {  	s21 =	sadd.s32 $0x280, s17  }
0xf2: {  	[spmem:s2] =	stream.indirect.scatter.add.f32 [tilespmem:s12], [sflag:$0x1], $0x1, s21, s11, $0xb8;
	[tilespmem:$0x5890] =	vst v63  }
0xf3: {  	s22 =	sadd.s32 $0x300, s17  }
0xf4: {  	[spmem:s2] =	stream.indirect.scatter.add.f32 [tilespmem:s12], [sflag:$0x1], $0x1, s22, s11, $0xb8;
	[tilespmem:$0x5890] =	vst v63  }
0xf5: {  	s23 =	sadd.s32 $0x380, s17  }
0xf6: {  	[spmem:s2] =	stream.indirect.scatter.add.f32 [tilespmem:s12], [sflag:$0x1], $0x1, s23, s11, $0xb8;
	[tilespmem:$0x5890] =	vst v63  }
0xf7: {  	s24 =	sadd.s32 $0x400, s17  }
0xf8: {  	[spmem:s2] =	stream.indirect.scatter.add.f32 [tilespmem:s12], [sflag:$0x1], $0x1, s24, s11, $0xb8;
	[tilespmem:$0x5890] =	vst v63  }
0xf9: {  	s25 =	sadd.s32 $0x480, s17  }
0xfa: {  	[spmem:s2] =	stream.indirect.scatter.add.f32 [tilespmem:s12], [sflag:$0x1], $0x1, s25, s11, $0xb8;
	[tilespmem:$0x5890] =	vst v63  }
0xfb: {  	s26 =	sadd.s32 $0x500, s17  }
0xfc: {  	[spmem:s2] =	stream.indirect.scatter.add.f32 [tilespmem:s12], [sflag:$0x1], $0x1, s26, s11, $0xb8;
	[tilespmem:$0x5890] =	vst v63  }
0xfd: {  	s28 =	sadd.s32 $0x580, s17  }
0xfe: {  	[spmem:s2] =	stream.indirect.scatter.add.f32 [tilespmem:s12], [sflag:$0x1], $0x1, s28, s11, $0xb8;
	[tilespmem:$0x5890] =	vst v63  }
0xff: {  	s29 =	sadd.s32 $0x600, s17  }
0x100: {  	[spmem:s2] =	stream.indirect.scatter.add.f32 [tilespmem:s12], [sflag:$0x1], $0x1, s29, s11, $0xb8;
	[tilespmem:$0x5890] =	vst v63  }
0x101: {  	s30 =	sadd.s32 $0x680, s17  }
0x102: {  	[spmem:s2] =	stream.indirect.scatter.add.f32 [tilespmem:s12], [sflag:$0x1], $0x1, s30, s11, $0xb8;
	[tilespmem:$0x5890] =	vst v63  }
0x103: {  	s31 =	sadd.s32 $0x700, s17  }
0x104: {  	[spmem:s2] =	stream.indirect.scatter.add.f32 [tilespmem:s12], [sflag:$0x1], $0x1, s31, s11, $0xb8;
	[tilespmem:$0x5890] =	vst v63  }
0x105: {  	s17 =	sadd.s32 $0x780, s17  }
0x106: {  	[spmem:s2] =	stream.indirect.scatter.add.f32 [tilespmem:s12], [sflag:$0x1], $0x1, s17, s11, $0xb8;
	[tilespmem:$0x5890] =	vst v63  }
0x107: {  	_ =	swait.ge [sflag:s13], $0x80  }
0x108: {  	[sflag:s13] =	ssyncset.done $0x0  }
0x109: {  	[sflag:s13] =	ssyncadd.s32 $0xFFFFFF80  }
0x10a: {  	_ =	swait.ge [sflag:s13], $0x80  }
0x10b: {  	[sflag:s13] =	ssyncset.done $0x0  }
0x10c: {  	[sflag:s13] =	ssyncadd.s32 $0xFFFFFF80  }
0x10d: {  	_ =	swait.ge [sflag:s13], $0x80  }
0x10e: {  	[sflag:s13] =	ssyncset.done $0x0  }
0x10f: {  	[sflag:s13] =	ssyncadd.s32 $0xFFFFFF80  }
0x110: {  	_ =	swait.ge [sflag:s13], $0x80  }
0x111: {  	[sflag:s13] =	ssyncset.done $0x0  }
0x112: {  	[sflag:s13] =	ssyncadd.s32 $0xFFFFFF80  }
0x113: {  	_ =	swait.ge [sflag:s13], $0x80  }
0x114: {  	[sflag:s13] =	ssyncset.done $0x0  }
0x115: {  	[sflag:s13] =	ssyncadd.s32 $0xFFFFFF80  }
0x116: {  	_ =	swait.ge [sflag:s13], $0x80  }
0x117: {  	[sflag:s13] =	ssyncset.done $0x0  }
0x118: {  	[sflag:s13] =	ssyncadd.s32 $0xFFFFFF80  }
0x119: {  	_ =	swait.ge [sflag:s13], $0x80  }
0x11a: {  	[sflag:s13] =	ssyncset.done $0x0  }
0x11b: {  	[sflag:s13] =	ssyncadd.s32 $0xFFFFFF80  }
0x11c: {  	_ =	swait.ge [sflag:s13], $0x80  }
0x11d: {  	[sflag:s13] =	ssyncset.done $0x0  }
0x11e: {  	[sflag:s13] =	ssyncadd.s32 $0xFFFFFF80  }
0x11f: {  	_ =	swait.ge [sflag:s13], $0x80  }
0x120: {  	[sflag:s13] =	ssyncset.done $0x0  }
0x121: {  	[sflag:s13] =	ssyncadd.s32 $0xFFFFFF80  }
0x122: {  	_ =	swait.ge [sflag:s13], $0x80  }
0x123: {  	[sflag:s13] =	ssyncset.done $0x0  }
0x124: {  	[sflag:s13] =	ssyncadd.s32 $0xFFFFFF80  }
0x125: {  	_ =	swait.ge [sflag:s13], $0x80  }
0x126: {  	[sflag:s13] =	ssyncset.done $0x0  }
0x127: {  	[sflag:s13] =	ssyncadd.s32 $0xFFFFFF80  }
0x128: {  	_ =	swait.ge [sflag:s13], $0x80  }
0x129: {  	[sflag:s13] =	ssyncset.done $0x0  }
0x12a: {  	[sflag:s13] =	ssyncadd.s32 $0xFFFFFF80  }
0x12b: {  	_ =	swait.ge [sflag:s13], $0x80  }
0x12c: {  	[sflag:s13] =	ssyncset.done $0x0  }
0x12d: {  	[sflag:s13] =	ssyncadd.s32 $0xFFFFFF80  }
0x12e: {  	_ =	swait.ge [sflag:s13], $0x80  }
0x12f: {  	[sflag:s13] =	ssyncset.done $0x0  }
0x130: {  	[sflag:s13] =	ssyncadd.s32 $0xFFFFFF80  }
0x131: {  	_ =	swait.ge [sflag:s13], $0x80  }
0x132: {  	[sflag:s13] =	ssyncset.done $0x0  }
0x133: {  	[sflag:s13] =	ssyncadd.s32 $0xFFFFFF80  }
0x134: {  	_ =	swait.ge [sflag:s13], $0x80  }
0x135: {  	[sflag:s13] =	ssyncset.done $0x0  }
0x136: {  	[sflag:s13] =	ssyncadd.s32 $0xFFFFFF80  }
0x137: {  	[bflag:$0x0] =	sbarrier.arrive $0xFFFF  }
0x138: {  	[tilespmem:s14], [sflag:$0x2] =	stream.linear.gather [spmem:s6], $0x280, $0x38;
	[tilespmem:$0x5890] =	vst v63  }
0x139: {  	_ =	swait.ge [sflag:s9], $0x280  }
0x13a: {  	[sflag:s9] =	ssyncset.done $0x0  }
0x13b: {  	s18 =	simm.s32 $0x40;
	s17 =	simm.s32 $0x0;
	[sflag:s9] =	ssyncadd.s32 $0xFFFFFD80  }
.LBB2_4:
0x13c: {  	p0 =	sne.s32 s18, $0x9C0;
	v1 =	vld [tilespmem:s17+$0x5380];
	_ =	sdelay $0x4  }
0x13d: {  	v2 =	vshra.s32 v1, $0x1;
	v1 =	vmul.f32 $5.000000000e-01, v1  }
0x13e: {  	v2 =	vsub.s32 $0x5F3759DF, v2  }
0x13f: {  	v3 =	vmul.f32 v2, v1;
	_ =	sdelay $0x1  }
0x140: {  	v3 =	vmul.f32 v2, v3;
	_ =	sdelay $0x1  }
0x141: {  	v3 =	vsub.f32 $1.500000000e+00, v3;
	_ =	sdelay $0x1  }
0x142: {  	v2 =	vmul.f32 v2, v3;
	_ =	sdelay $0x1  }
0x143: {  	v3 =	vmul.f32 v2, v1;
	_ =	sdelay $0x1  }
0x144: {  	v3 =	vmul.f32 v3, v2;
	_ =	sdelay $0x1  }
0x145: {  	v3 =	vsub.f32 $1.500000000e+00, v3;
	_ =	sdelay $0x1  }
0x146: {  	v2 =	vmul.f32 v3, v2;
	_ =	sdelay $0x1  }
0x147: {  	v1 =	vmul.f32 v2, v1;
	_ =	sdelay $0x1  }
0x148: {  	v1 =	vmul.f32 v1, v2;
	_ =	sdelay $0x1  }
.Ltmp1:
0x149: {  	v1 =	vsub.f32 $1.500000000e+00, v1;
	(pc) =	sbr.rel @p0 .LBB2_4-.Ltmp1, $3  }
0x14a: {  	_ = 	snop  }
0x14b: {  	v1 =	vmul.f32 v1, v2;
	_ =	sdelay $0x1  }
0x14c: {  	[tilespmem:s17+$0x5380] =	vst v1;
	s17 =	sshra.s32 s18, $0x2;
	s18 =	sadd.s32 $0x40, s18  }
0x14d: {  	v1 =	vld [tilespmem:s17+$0x5380];
	_ =	sdelay $0x4  }
0x14e: {  	v2 =	vshra.s32 v1, $0x1;
	v1 =	vmul.f32 $5.000000000e-01, v1  }
0x14f: {  	v2 =	vsub.s32 $0x5F3759DF, v2  }
0x150: {  	v3 =	vmul.f32 v2, v1;
	_ =	sdelay $0x1  }
0x151: {  	v3 =	vmul.f32 v2, v3;
	_ =	sdelay $0x1  }
0x152: {  	v3 =	vsub.f32 $1.500000000e+00, v3;
	_ =	sdelay $0x1  }
0x153: {  	v2 =	vmul.f32 v2, v3;
	_ =	sdelay $0x1  }
0x154: {  	v3 =	vmul.f32 v2, v1;
	_ =	sdelay $0x1  }
0x155: {  	v3 =	vmul.f32 v3, v2;
	_ =	sdelay $0x1  }
0x156: {  	v3 =	vsub.f32 $1.500000000e+00, v3;
	_ =	sdelay $0x1  }
0x157: {  	v2 =	vmul.f32 v3, v2;
	_ =	sdelay $0x1  }
0x158: {  	v1 =	vmul.f32 v2, v1;
	_ =	sdelay $0x1  }
0x159: {  	v1 =	vmul.f32 v1, v2;
	_ =	sdelay $0x1  }
0x15a: {  	v1 =	vsub.f32 $1.500000000e+00, v1;
	_ =	sdelay $0x1  }
0x15b: {  	s16 =	sadd.s32 $0x1, s16;
	v1 =	vmul.f32 v1, v2  }
0x15c: {  	p0 =	sne.s32 s16, s8  }
.Ltmp2:
0x15d: {  	[tilespmem:s17+$0x5380] =	vst v1;
	(pc) =	sbr.rel @p0 .LBB2_1-.Ltmp2, $4  }
0x15e: {  	[hbm4b:s7+s11] =	stream.strided.scatter [tilespmem:s14], [sflag:$0x2], $0x280, s15, s11, $0x38;
	[tilespmem:$0x5890] =	vst v63  }
0x15f: {  	_ =	swait.ge [sflag:s9], $0x280  }
0x160: {  	[sflag:s9] =	ssyncset.done $0x0  }
0x161: {  	[sflag:s9] =	ssyncadd.s32 $0xFFFFFD80  }
0x162: {  	_ =	sfence.sel $0x180000  }
0x163: {  	[bflag:$0x0] =	sbarrier.arrive $0xFFFF  }
0x164: {  	p0 =	sne.s32 s0, $0x0;
	_ =	strace $0x90000047  }
0x165: {  	s0 =	sadd.s32 @!p0 $0x100000, s1;
	[bflag:$0x2] =	sbarrier.arrive $0xFFFF  }
0x166: {  	[sflag:s0] =	ssyncadd.tile.s32 @!p0 $0x1;
	_ =	shalt  }
.Lfunc_end2:
_tile_overlayer_lowered:
.L_overlay_start_2:
0x167: {  	(tag) =	ssettag $0x2  }
0x168: {  	s0 =	rddreg [dreg:$0x0];
	s2 =	stileid.u32  }
0x169: {  	s1 =	rddreg [dreg:$0x1];
	p0 =	sne.s32 s2, $0x0  }
0x16a: {  	s3 =	rddreg [dreg:$0x2];
	[bflag:$0x3] =	sbarrier.arrive $0xFFFF;
	s2 =	simm.s32 @!p0 $0x1C02  }
0x16b: {  	[timem:s3], [sflag:s2] =	dma.local @!p0 [hbm:s0], s1  }
0x16c: {  	s0 =	simm.s32 @!p0 $0x2  }
0x16d: {  	_ =	swait.ge @!p0 [sflag:s0], s1  }
0x16e: {  	s1 =	ssub.s32 @!p0 $0x0, s1;
	[sflag:s0] =	ssyncset.done @!p0 $0x0  }
0x16f: {  	[sflag:s0] =	ssyncadd.s32 @!p0 s1  }
0x170: {  	[bflag:$0x3] =	sbarrier.arrive $0xFFFF  }
0x171: {  	_ =	shalt  }

</sc_bundles>
